<compile_context>
chip_gen: v7x
topology: tpu7x:2x2x1
jax: 0.10.2.dev20260603
libtpu: 0.0.44.dev20260713+nightly
codegen_flags: <defaults>
</compile_context>

<pallas_src>
import functools

import jax
import jax.numpy as jnp
from jax import lax
from jax.experimental import pallas as pl
from jax.experimental.pallas import tpu as pltpu
from jax.experimental.pallas import tpu_sc as plsc

BITS = 17
MAXV = 2 ** (BITS - 1) - 1
SIGN = 1 << (BITS - 1)
LANES = 16
NW = 32


def kernel(x, table):
    del table
    B, S = x.shape
    N = B * S
    x_lin = (
        x.astype(jnp.int32)
        .reshape(B // 128, 128, S // 8, 8)
        .transpose(2, 0, 3, 1)
        .reshape(N)
    )

    n_w = N // NW
    C = 3200
    n_it = n_w // C
    n_j = n_it // 2

    mesh = plsc.VectorSubcoreMesh(core_axis_name="c", subcore_axis_name="s")

    @functools.partial(
        pl.kernel,
        mesh=mesh,
        out_type=jax.ShapeDtypeStruct((BITS * N,), jnp.float32),
        scratch_types=[
            pltpu.VMEM((C,), jnp.int32),
            pltpu.VMEM((C,), jnp.int32),
            pltpu.VMEM((BITS * C,), jnp.float32),
            pltpu.VMEM((BITS * C,), jnp.float32),
            pltpu.SemaphoreType.DMA,
            pltpu.SemaphoreType.DMA,
            pltpu.SemaphoreType.DMA,
            pltpu.SemaphoreType.DMA,
        ],
        compiler_params=pltpu.CompilerParams(needs_layout_passes=False),
    )
    def run(x_hbm, out_hbm, xb0, xb1, ob0, ob1, is0, is1, os0, os1):
        wid = lax.axis_index("s") * 2 + lax.axis_index("c")
        base = wid * n_w

        def in_copy(it, xb, sem):
            return pltpu.make_async_copy(
                x_hbm.at[pl.ds(base + it * C, C)], xb, sem
            )

        def out_copies(it, ob, sem):
            return [
                pltpu.make_async_copy(
                    ob.at[pl.ds(k * C, C)],
                    out_hbm.at[pl.ds(k * N + base + it * C, C)],
                    sem,
                )
                for k in range(BITS)
            ]

        def compute(xb, ob):
            @plsc.parallel_loop(0, C // LANES, unroll=8)
            def body(g):
                sl = pl.ds(g * LANES, LANES)
                xv = xb[sl]
                xc = jnp.clip(xv, -MAXV, MAXV)
                u = jnp.abs(xc) + jnp.where(xc < 0, SIGN, 0)
                for k in range(BITS):
                    bit = (u >> (BITS - 1 - k)) & 1
                    ob[pl.ds(k * C + g * LANES, LANES)] = bit.astype(
                        jnp.float32
                    )

        in_copy(0, xb0, is0).start()
        in_copy(1, xb1, is1).start()

        def j_body(j, carry):
            for it, xb, ob, isem, osem in (
                (2 * j, xb0, ob0, is0, os0),
                (2 * j + 1, xb1, ob1, is1, os1),
            ):
                in_copy(it, xb, isem).wait()

                @pl.when(j > 0)
                def _wait_out():
                    for c in out_copies(it, ob, osem):
                        c.wait()

                compute(xb, ob)
                for c in out_copies(it, ob, osem):
                    c.start()

                @pl.when(j < n_j - 1)
                def _next_in():
                    in_copy(it + 2, xb, isem).start()

            return carry

        lax.fori_loop(0, n_j, j_body, 0)
        for c in out_copies(n_it - 2, ob0, os0):
            c.wait()
        for c in out_copies(n_it - 1, ob1, os1):
            c.wait()

    out = run(x_lin)
    y = out.reshape(BITS, S // 8, B // 128, 8, 128)
    return y.transpose(2, 4, 1, 3, 0).reshape(B, S, BITS)

# --- scband reference (transcript-rebuilt; emitter-appended) ---
"""Pipeline reference for scband-sign-binary-encoder-5841155523182 (READ-ONLY COPY).

The authoritative reference and input builder live on the scoring server;
editing this copy changes nothing except your own understanding.
"""

import jax, jax.numpy as jnp
import numpy as np

BIT_NUM = 17
MAX_VAL = 2 ** (BIT_NUM - 1) - 1


def get_sign_binary_matrix(bit_num):
    n = np.arange(1, 2 ** (bit_num - 1), dtype=np.int64)
    shifts = np.arange(bit_num - 1)[::-1]
    bits = ((n[:, None] >> shifts[None, :]) & 1).astype(np.float32)
    pos = np.concatenate([np.zeros((bits.shape[0], 1), dtype=np.float32), bits], axis=1)
    neg = np.concatenate([np.ones((bits.shape[0], 1), dtype=np.float32), bits], axis=1)
    mat = np.concatenate([neg[::-1], np.zeros((1, bit_num), dtype=np.float32), pos], axis=0)
    return jnp.asarray(mat)


def setup_inputs(seed: int = 0) -> dict:
    key = jax.random.key(seed)
    x = jax.random.randint(key, (16384, 200), 0, MAX_VAL, dtype=jnp.int64 if jax.config.jax_enable_x64 else jnp.int32)
    table = get_sign_binary_matrix(BIT_NUM)
    return {"x": x, "table": table}


def reference(x, table):
    x = jnp.clip(x.astype(jnp.int32), -MAX_VAL, MAX_VAL)
    idx = x + MAX_VAL
    return jnp.take(table, idx, axis=0)

if __name__ == "__main__":
    import jax
    _d = setup_inputs()
    print(jax.jit(kernel)(*tuple(_d.values())))

</pallas_src>

<mosaic_0001>
#map = affine_map<(d0, d1) -> (0)>
module attributes {stable_mosaic.version = 14 : i64} {
  func.func @run(%arg0: i32, %arg1: i32, %arg2: memref<3276800xi32, #tpu.memory_space<hbm>>, %arg3: memref<55705600xf32, #tpu.memory_space<hbm>>, %arg4: memref<3200xi32, #tpu.memory_space<vmem>>, %arg5: memref<3200xi32, #tpu.memory_space<vmem>>, %arg6: memref<54400xf32, #tpu.memory_space<vmem>>, %arg7: memref<54400xf32, #tpu.memory_space<vmem>>, %arg8: memref<!tpu.dma_semaphore, #tpu.memory_space<semaphore_mem>>, %arg9: memref<!tpu.dma_semaphore, #tpu.memory_space<semaphore_mem>>, %arg10: memref<!tpu.dma_semaphore, #tpu.memory_space<semaphore_mem>>, %arg11: memref<!tpu.dma_semaphore, #tpu.memory_space<semaphore_mem>>) attributes {dimension_semantics = [#tpu.dimension_semantics<core_parallel>, #tpu.dimension_semantics<subcore_parallel>], iteration_bounds = array<i64: 2, 16>, scalar_prefetch = 0 : i64, scratch_operands = 8 : i64, tpu.core_type = #tpu.core_type<sc_vector_subcore>, window_params = [{transform_indices = #map}, {transform_indices = #map}]} {
    %mul3A = arith.constant 2 : i32
    %mul3A_0 = arith.muli %arg1, %mul3A : i32
    %add3A = arith.addi %mul3A_0, %arg0 : i32
    %mul3A_1 = arith.constant 102400 : i32
    %mul3A_2 = arith.muli %add3A, %mul3A_1 : i32
    %add3A_3 = arith.constant 0 : i32
    %add3A_4 = arith.addi %mul3A_2, %add3A_3 : i32
    %dma_start3A = tpu.memref_slice %arg2[%add3A_4] : memref<3276800xi32, #tpu.memory_space<hbm>> -> memref<3200xi32, #tpu.memory_space<hbm>>
    %dma_start3A_5 = tpu.memref_slice %arg2[%add3A_4] : memref<3276800xi32, #tpu.memory_space<hbm>> -> memref<3200xi32, #tpu.memory_space<hbm>>
    tpu.enqueue_dma source(%dma_start3A_5 : memref<3200xi32, #tpu.memory_space<hbm>>) target(%arg4 : memref<3200xi32, #tpu.memory_space<vmem>>) target_semaphore(%arg8 : memref<!tpu.dma_semaphore, #tpu.memory_space<semaphore_mem>>)
    %add3A_6 = arith.constant 3200 : i32
    %add3A_7 = arith.addi %mul3A_2, %add3A_6 : i32
    %dma_start3A_8 = tpu.memref_slice %arg2[%add3A_7] : memref<3276800xi32, #tpu.memory_space<hbm>> -> memref<3200xi32, #tpu.memory_space<hbm>>
    %dma_start3A_9 = tpu.memref_slice %arg2[%add3A_7] : memref<3276800xi32, #tpu.memory_space<hbm>> -> memref<3200xi32, #tpu.memory_space<hbm>>
    tpu.enqueue_dma source(%dma_start3A_9 : memref<3200xi32, #tpu.memory_space<hbm>>) target(%arg5 : memref<3200xi32, #tpu.memory_space<vmem>>) target_semaphore(%arg9 : memref<!tpu.dma_semaphore, #tpu.memory_space<semaphore_mem>>)
    %scan3A = arith.constant 0 : i32
    %scan3A_10 = arith.constant 0 : i32
    %scan3A_11 = arith.constant 16 : i32
    %scan3A_12 = arith.addi %scan3A_10, %scan3A_11 : i32
    %scan3A_13 = arith.constant 1 : i32
    scf.for %scan3A_354 = %scan3A_10 to %scan3A_12 step %scan3A_13  : i32 {
      %mul3A_355 = arith.constant 2 : i32
      %mul3A_356 = arith.muli %mul3A_355, %scan3A_354 : i32
      %mul3A_357 = arith.constant 2 : i32
      %mul3A_358 = arith.muli %mul3A_357, %scan3A_354 : i32
      %add3A_359 = arith.constant 1 : i32
      %add3A_360 = arith.addi %mul3A_358, %add3A_359 : i32
      %mul3A_361 = arith.constant 3200 : i32
      %mul3A_362 = arith.muli %mul3A_356, %mul3A_361 : i32
      %add3A_363 = arith.addi %mul3A_2, %mul3A_362 : i32
      %dma_wait3A_364 = tpu.memref_slice %arg2[%add3A_363] : memref<3276800xi32, #tpu.memory_space<hbm>> -> memref<3200xi32, #tpu.memory_space<hbm>>
      %dma_wait3A_365 = tpu.memref_slice %arg2[%add3A_363] : memref<3276800xi32, #tpu.memory_space<hbm>> -> memref<3200xi32, #tpu.memory_space<hbm>>
      tpu.wait_dma2 semaphore(%arg8 : memref<!tpu.dma_semaphore, #tpu.memory_space<semaphore_mem>>) src(%dma_wait3A_365 : memref<3200xi32, #tpu.memory_space<hbm>>) dst(%arg4 : memref<3200xi32, #tpu.memory_space<vmem>>)
      %gt3A = arith.constant 0 : i32
      %gt3A_366 = arith.cmpi sgt, %scan3A_354, %gt3A : i32
      %convert_element_type3A = arith.extui %gt3A_366 : i1 to i32
      %cond3A = arith.constant 0 : i32
      %cond3A_367 = arith.cmpi ne, %convert_element_type3A, %cond3A : i32
      scf.if %cond3A_367 {
        %add3A_766 = arith.constant 0 : i32
        %add3A_767 = arith.addi %add3A_766, %mul3A_2 : i32
        %mul3A_768 = arith.constant 3200 : i32
        %mul3A_769 = arith.muli %mul3A_356, %mul3A_768 : i32
        %add3A_770 = arith.addi %add3A_767, %mul3A_769 : i32
        %add3A_771 = arith.constant 3276800 : i32
        %add3A_772 = arith.addi %add3A_771, %mul3A_2 : i32
        %mul3A_773 = arith.constant 3200 : i32
        %mul3A_774 = arith.muli %mul3A_356, %mul3A_773 : i32
        %add3A_775 = arith.addi %add3A_772, %mul3A_774 : i32
        %add3A_776 = arith.constant 6553600 : i32
        %add3A_777 = arith.addi %add3A_776, %mul3A_2 : i32
        %mul3A_778 = arith.constant 3200 : i32
        %mul3A_779 = arith.muli %mul3A_356, %mul3A_778 : i32
        %add3A_780 = arith.addi %add3A_777, %mul3A_779 : i32
        %add3A_781 = arith.constant 9830400 : i32
        %add3A_782 = arith.addi %add3A_781, %mul3A_2 : i32
        %mul3A_783 = arith.constant 3200 : i32
        %mul3A_784 = arith.muli %mul3A_356, %mul3A_783 : i32
        %add3A_785 = arith.addi %add3A_782, %mul3A_784 : i32
        %add3A_786 = arith.constant 13107200 : i32
        %add3A_787 = arith.addi %add3A_786, %mul3A_2 : i32
        %mul3A_788 = arith.constant 3200 : i32
        %mul3A_789 = arith.muli %mul3A_356, %mul3A_788 : i32
        %add3A_790 = arith.addi %add3A_787, %mul3A_789 : i32
        %add3A_791 = arith.constant 16384000 : i32
        %add3A_792 = arith.addi %add3A_791, %mul3A_2 : i32
        %mul3A_793 = arith.constant 3200 : i32
        %mul3A_794 = arith.muli %mul3A_356, %mul3A_793 : i32
        %add3A_795 = arith.addi %add3A_792, %mul3A_794 : i32
        %add3A_796 = arith.constant 19660800 : i32
        %add3A_797 = arith.addi %add3A_796, %mul3A_2 : i32
        %mul3A_798 = arith.constant 3200 : i32
        %mul3A_799 = arith.muli %mul3A_356, %mul3A_798 : i32
        %add3A_800 = arith.addi %add3A_797, %mul3A_799 : i32
        %add3A_801 = arith.constant 22937600 : i32
        %add3A_802 = arith.addi %add3A_801, %mul3A_2 : i32
        %mul3A_803 = arith.constant 3200 : i32
        %mul3A_804 = arith.muli %mul3A_356, %mul3A_803 : i32
        %add3A_805 = arith.addi %add3A_802, %mul3A_804 : i32
        %add3A_806 = arith.constant 26214400 : i32
        %add3A_807 = arith.addi %add3A_806, %mul3A_2 : i32
        %mul3A_808 = arith.constant 3200 : i32
        %mul3A_809 = arith.muli %mul3A_356, %mul3A_808 : i32
        %add3A_810 = arith.addi %add3A_807, %mul3A_809 : i32
        %add3A_811 = arith.constant 29491200 : i32
        %add3A_812 = arith.addi %add3A_811, %mul3A_2 : i32
        %mul3A_813 = arith.constant 3200 : i32
        %mul3A_814 = arith.muli %mul3A_356, %mul3A_813 : i32
        %add3A_815 = arith.addi %add3A_812, %mul3A_814 : i32
        %add3A_816 = arith.constant 32768000 : i32
        %add3A_817 = arith.addi %add3A_816, %mul3A_2 : i32
        %mul3A_818 = arith.constant 3200 : i32
        %mul3A_819 = arith.muli %mul3A_356, %mul3A_818 : i32
        %add3A_820 = arith.addi %add3A_817, %mul3A_819 : i32
        %add3A_821 = arith.constant 36044800 : i32
        %add3A_822 = arith.addi %add3A_821, %mul3A_2 : i32
        %mul3A_823 = arith.constant 3200 : i32
        %mul3A_824 = arith.muli %mul3A_356, %mul3A_823 : i32
        %add3A_825 = arith.addi %add3A_822, %mul3A_824 : i32
        %add3A_826 = arith.constant 39321600 : i32
        %add3A_827 = arith.addi %add3A_826, %mul3A_2 : i32
        %mul3A_828 = arith.constant 3200 : i32
        %mul3A_829 = arith.muli %mul3A_356, %mul3A_828 : i32
        %add3A_830 = arith.addi %add3A_827, %mul3A_829 : i32
        %add3A_831 = arith.constant 42598400 : i32
        %add3A_832 = arith.addi %add3A_831, %mul3A_2 : i32
        %mul3A_833 = arith.constant 3200 : i32
        %mul3A_834 = arith.muli %mul3A_356, %mul3A_833 : i32
        %add3A_835 = arith.addi %add3A_832, %mul3A_834 : i32
        %add3A_836 = arith.constant 45875200 : i32
        %add3A_837 = arith.addi %add3A_836, %mul3A_2 : i32
        %mul3A_838 = arith.constant 3200 : i32
        %mul3A_839 = arith.muli %mul3A_356, %mul3A_838 : i32
        %add3A_840 = arith.addi %add3A_837, %mul3A_839 : i32
        %add3A_841 = arith.constant 49152000 : i32
        %add3A_842 = arith.addi %add3A_841, %mul3A_2 : i32
        %mul3A_843 = arith.constant 3200 : i32
        %mul3A_844 = arith.muli %mul3A_356, %mul3A_843 : i32
        %add3A_845 = arith.addi %add3A_842, %mul3A_844 : i32
        %add3A_846 = arith.constant 52428800 : i32
        %add3A_847 = arith.addi %add3A_846, %mul3A_2 : i32
        %mul3A_848 = arith.constant 3200 : i32
        %mul3A_849 = arith.muli %mul3A_356, %mul3A_848 : i32
        %add3A_850 = arith.addi %add3A_847, %mul3A_849 : i32
        %dma_wait3A_851 = arith.constant 0 : i32
        %dma_wait3A_852 = tpu.memref_slice %arg6[%dma_wait3A_851] : memref<54400xf32, #tpu.memory_space<vmem>> -> memref<3200xf32, #tpu.memory_space<vmem>>
        %dma_wait3A_853 = tpu.memref_slice %arg3[%add3A_770] : memref<55705600xf32, #tpu.memory_space<hbm>> -> memref<3200xf32, #tpu.memory_space<hbm>>
        %dma_wait3A_854 = tpu.memref_slice %arg3[%add3A_770] : memref<55705600xf32, #tpu.memory_space<hbm>> -> memref<3200xf32, #tpu.memory_space<hbm>>
        %dma_wait3A_855 = arith.constant 0 : i32
        %dma_wait3A_856 = tpu.memref_slice %arg6[%dma_wait3A_855] : memref<54400xf32, #tpu.memory_space<vmem>> -> memref<3200xf32, #tpu.memory_space<vmem>>
        tpu.wait_dma2 semaphore(%arg10 : memref<!tpu.dma_semaphore, #tpu.memory_space<semaphore_mem>>) src(%dma_wait3A_856 : memref<3200xf32, #tpu.memory_space<vmem>>) dst(%dma_wait3A_854 : memref<3200xf32, #tpu.memory_space<hbm>>)
        %dma_wait3A_857 = arith.constant 3200 : i32
        %dma_wait3A_858 = tpu.memref_slice %arg6[%dma_wait3A_857] : memref<54400xf32, #tpu.memory_space<vmem>> -> memref<3200xf32, #tpu.memory_space<vmem>>
        %dma_wait3A_859 = tpu.memref_slice %arg3[%add3A_775] : memref<55705600xf32, #tpu.memory_space<hbm>> -> memref<3200xf32, #tpu.memory_space<hbm>>
        %dma_wait3A_860 = tpu.memref_slice %arg3[%add3A_775] : memref<55705600xf32, #tpu.memory_space<hbm>> -> memref<3200xf32, #tpu.memory_space<hbm>>
        %dma_wait3A_861 = arith.constant 3200 : i32
        %dma_wait3A_862 = tpu.memref_slice %arg6[%dma_wait3A_861] : memref<54400xf32, #tpu.memory_space<vmem>> -> memref<3200xf32, #tpu.memory_space<vmem>>
        tpu.wait_dma2 semaphore(%arg10 : memref<!tpu.dma_semaphore, #tpu.memory_space<semaphore_mem>>) src(%dma_wait3A_862 : memref<3200xf32, #tpu.memory_space<vmem>>) dst(%dma_wait3A_860 : memref<3200xf32, #tpu.memory_space<hbm>>)
        %dma_wait3A_863 = arith.constant 6400 : i32
        %dma_wait3A_864 = tpu.memref_slice %arg6[%dma_wait3A_863] : memref<54400xf32, #tpu.memory_space<vmem>> -> memref<3200xf32, #tpu.memory_space<vmem>>
        %dma_wait3A_865 = tpu.memref_slice %arg3[%add3A_780] : memref<55705600xf32, #tpu.memory_space<hbm>> -> memref<3200xf32, #tpu.memory_space<hbm>>
        %dma_wait3A_866 = tpu.memref_slice %arg3[%add3A_780] : memref<55705600xf32, #tpu.memory_space<hbm>> -> memref<3200xf32, #tpu.memory_space<hbm>>
        %dma_wait3A_867 = arith.constant 6400 : i32
        %dma_wait3A_868 = tpu.memref_slice %arg6[%dma_wait3A_867] : memref<54400xf32, #tpu.memory_space<vmem>> -> memref<3200xf32, #tpu.memory_space<vmem>>
        tpu.wait_dma2 semaphore(%arg10 : memref<!tpu.dma_semaphore, #tpu.memory_space<semaphore_mem>>) src(%dma_wait3A_868 : memref<3200xf32, #tpu.memory_space<vmem>>) dst(%dma_wait3A_866 : memref<3200xf32, #tpu.memory_space<hbm>>)
        %dma_wait3A_869 = arith.constant 9600 : i32
        %dma_wait3A_870 = tpu.memref_slice %arg6[%dma_wait3A_869] : memref<54400xf32, #tpu.memory_space<vmem>> -> memref<3200xf32, #tpu.memory_space<vmem>>
        %dma_wait3A_871 = tpu.memref_slice %arg3[%add3A_785] : memref<55705600xf32, #tpu.memory_space<hbm>> -> memref<3200xf32, #tpu.memory_space<hbm>>
        %dma_wait3A_872 = tpu.memref_slice %arg3[%add3A_785] : memref<55705600xf32, #tpu.memory_space<hbm>> -> memref<3200xf32, #tpu.memory_space<hbm>>
        %dma_wait3A_873 = arith.constant 9600 : i32
        %dma_wait3A_874 = tpu.memref_slice %arg6[%dma_wait3A_873] : memref<54400xf32, #tpu.memory_space<vmem>> -> memref<3200xf32, #tpu.memory_space<vmem>>
        tpu.wait_dma2 semaphore(%arg10 : memref<!tpu.dma_semaphore, #tpu.memory_space<semaphore_mem>>) src(%dma_wait3A_874 : memref<3200xf32, #tpu.memory_space<vmem>>) dst(%dma_wait3A_872 : memref<3200xf32, #tpu.memory_space<hbm>>)
        %dma_wait3A_875 = arith.constant 12800 : i32
        %dma_wait3A_876 = tpu.memref_slice %arg6[%dma_wait3A_875] : memref<54400xf32, #tpu.memory_space<vmem>> -> memref<3200xf32, #tpu.memory_space<vmem>>
        %dma_wait3A_877 = tpu.memref_slice %arg3[%add3A_790] : memref<55705600xf32, #tpu.memory_space<hbm>> -> memref<3200xf32, #tpu.memory_space<hbm>>
        %dma_wait3A_878 = tpu.memref_slice %arg3[%add3A_790] : memref<55705600xf32, #tpu.memory_space<hbm>> -> memref<3200xf32, #tpu.memory_space<hbm>>
        %dma_wait3A_879 = arith.constant 12800 : i32
        %dma_wait3A_880 = tpu.memref_slice %arg6[%dma_wait3A_879] : memref<54400xf32, #tpu.memory_space<vmem>> -> memref<3200xf32, #tpu.memory_space<vmem>>
        tpu.wait_dma2 semaphore(%arg10 : memref<!tpu.dma_semaphore, #tpu.memory_space<semaphore_mem>>) src(%dma_wait3A_880 : memref<3200xf32, #tpu.memory_space<vmem>>) dst(%dma_wait3A_878 : memref<3200xf32, #tpu.memory_space<hbm>>)
        %dma_wait3A_881 = arith.constant 16000 : i32
        %dma_wait3A_882 = tpu.memref_slice %arg6[%dma_wait3A_881] : memref<54400xf32, #tpu.memory_space<vmem>> -> memref<3200xf32, #tpu.memory_space<vmem>>
        %dma_wait3A_883 = tpu.memref_slice %arg3[%add3A_795] : memref<55705600xf32, #tpu.memory_space<hbm>> -> memref<3200xf32, #tpu.memory_space<hbm>>
        %dma_wait3A_884 = tpu.memref_slice %arg3[%add3A_795] : memref<55705600xf32, #tpu.memory_space<hbm>> -> memref<3200xf32, #tpu.memory_space<hbm>>
        %dma_wait3A_885 = arith.constant 16000 : i32
        %dma_wait3A_886 = tpu.memref_slice %arg6[%dma_wait3A_885] : memref<54400xf32, #tpu.memory_space<vmem>> -> memref<3200xf32, #tpu.memory_space<vmem>>
        tpu.wait_dma2 semaphore(%arg10 : memref<!tpu.dma_semaphore, #tpu.memory_space<semaphore_mem>>) src(%dma_wait3A_886 : memref<3200xf32, #tpu.memory_space<vmem>>) dst(%dma_wait3A_884 : memref<3200xf32, #tpu.memory_space<hbm>>)
        %dma_wait3A_887 = arith.constant 19200 : i32
        %dma_wait3A_888 = tpu.memref_slice %arg6[%dma_wait3A_887] : memref<54400xf32, #tpu.memory_space<vmem>> -> memref<3200xf32, #tpu.memory_space<vmem>>
        %dma_wait3A_889 = tpu.memref_slice %arg3[%add3A_800] : memref<55705600xf32, #tpu.memory_space<hbm>> -> memref<3200xf32, #tpu.memory_space<hbm>>
        %dma_wait3A_890 = tpu.memref_slice %arg3[%add3A_800] : memref<55705600xf32, #tpu.memory_space<hbm>> -> memref<3200xf32, #tpu.memory_space<hbm>>
        %dma_wait3A_891 = arith.constant 19200 : i32
        %dma_wait3A_892 = tpu.memref_slice %arg6[%dma_wait3A_891] : memref<54400xf32, #tpu.memory_space<vmem>> -> memref<3200xf32, #tpu.memory_space<vmem>>
        tpu.wait_dma2 semaphore(%arg10 : memref<!tpu.dma_semaphore, #tpu.memory_space<semaphore_mem>>) src(%dma_wait3A_892 : memref<3200xf32, #tpu.memory_space<vmem>>) dst(%dma_wait3A_890 : memref<3200xf32, #tpu.memory_space<hbm>>)
        %dma_wait3A_893 = arith.constant 22400 : i32
        %dma_wait3A_894 = tpu.memref_slice %arg6[%dma_wait3A_893] : memref<54400xf32, #tpu.memory_space<vmem>> -> memref<3200xf32, #tpu.memory_space<vmem>>
        %dma_wait3A_895 = tpu.memref_slice %arg3[%add3A_805] : memref<55705600xf32, #tpu.memory_space<hbm>> -> memref<3200xf32, #tpu.memory_space<hbm>>
        %dma_wait3A_896 = tpu.memref_slice %arg3[%add3A_805] : memref<55705600xf32, #tpu.memory_space<hbm>> -> memref<3200xf32, #tpu.memory_space<hbm>>
        %dma_wait3A_897 = arith.constant 22400 : i32
        %dma_wait3A_898 = tpu.memref_slice %arg6[%dma_wait3A_897] : memref<54400xf32, #tpu.memory_space<vmem>> -> memref<3200xf32, #tpu.memory_space<vmem>>
        tpu.wait_dma2 semaphore(%arg10 : memref<!tpu.dma_semaphore, #tpu.memory_space<semaphore_mem>>) src(%dma_wait3A_898 : memref<3200xf32, #tpu.memory_space<vmem>>) dst(%dma_wait3A_896 : memref<3200xf32, #tpu.memory_space<hbm>>)
        %dma_wait3A_899 = arith.constant 25600 : i32
        %dma_wait3A_900 = tpu.memref_slice %arg6[%dma_wait3A_899] : memref<54400xf32, #tpu.memory_space<vmem>> -> memref<3200xf32, #tpu.memory_space<vmem>>
        %dma_wait3A_901 = tpu.memref_slice %arg3[%add3A_810] : memref<55705600xf32, #tpu.memory_space<hbm>> -> memref<3200xf32, #tpu.memory_space<hbm>>
        %dma_wait3A_902 = tpu.memref_slice %arg3[%add3A_810] : memref<55705600xf32, #tpu.memory_space<hbm>> -> memref<3200xf32, #tpu.memory_space<hbm>>
        %dma_wait3A_903 = arith.constant 25600 : i32
        %dma_wait3A_904 = tpu.memref_slice %arg6[%dma_wait3A_903] : memref<54400xf32, #tpu.memory_space<vmem>> -> memref<3200xf32, #tpu.memory_space<vmem>>
        tpu.wait_dma2 semaphore(%arg10 : memref<!tpu.dma_semaphore, #tpu.memory_space<semaphore_mem>>) src(%dma_wait3A_904 : memref<3200xf32, #tpu.memory_space<vmem>>) dst(%dma_wait3A_902 : memref<3200xf32, #tpu.memory_space<hbm>>)
        %dma_wait3A_905 = arith.constant 28800 : i32
        %dma_wait3A_906 = tpu.memref_slice %arg6[%dma_wait3A_905] : memref<54400xf32, #tpu.memory_space<vmem>> -> memref<3200xf32, #tpu.memory_space<vmem>>
        %dma_wait3A_907 = tpu.memref_slice %arg3[%add3A_815] : memref<55705600xf32, #tpu.memory_space<hbm>> -> memref<3200xf32, #tpu.memory_space<hbm>>
        %dma_wait3A_908 = tpu.memref_slice %arg3[%add3A_815] : memref<55705600xf32, #tpu.memory_space<hbm>> -> memref<3200xf32, #tpu.memory_space<hbm>>
        %dma_wait3A_909 = arith.constant 28800 : i32
        %dma_wait3A_910 = tpu.memref_slice %arg6[%dma_wait3A_909] : memref<54400xf32, #tpu.memory_space<vmem>> -> memref<3200xf32, #tpu.memory_space<vmem>>
        tpu.wait_dma2 semaphore(%arg10 : memref<!tpu.dma_semaphore, #tpu.memory_space<semaphore_mem>>) src(%dma_wait3A_910 : memref<3200xf32, #tpu.memory_space<vmem>>) dst(%dma_wait3A_908 : memref<3200xf32, #tpu.memory_space<hbm>>)
        %dma_wait3A_911 = arith.constant 32000 : i32
        %dma_wait3A_912 = tpu.memref_slice %arg6[%dma_wait3A_911] : memref<54400xf32, #tpu.memory_space<vmem>> -> memref<3200xf32, #tpu.memory_space<vmem>>
        %dma_wait3A_913 = tpu.memref_slice %arg3[%add3A_820] : memref<55705600xf32, #tpu.memory_space<hbm>> -> memref<3200xf32, #tpu.memory_space<hbm>>
        %dma_wait3A_914 = tpu.memref_slice %arg3[%add3A_820] : memref<55705600xf32, #tpu.memory_space<hbm>> -> memref<3200xf32, #tpu.memory_space<hbm>>
        %dma_wait3A_915 = arith.constant 32000 : i32
        %dma_wait3A_916 = tpu.memref_slice %arg6[%dma_wait3A_915] : memref<54400xf32, #tpu.memory_space<vmem>> -> memref<3200xf32, #tpu.memory_space<vmem>>
        tpu.wait_dma2 semaphore(%arg10 : memref<!tpu.dma_semaphore, #tpu.memory_space<semaphore_mem>>) src(%dma_wait3A_916 : memref<3200xf32, #tpu.memory_space<vmem>>) dst(%dma_wait3A_914 : memref<3200xf32, #tpu.memory_space<hbm>>)
        %dma_wait3A_917 = arith.constant 35200 : i32
        %dma_wait3A_918 = tpu.memref_slice %arg6[%dma_wait3A_917] : memref<54400xf32, #tpu.memory_space<vmem>> -> memref<3200xf32, #tpu.memory_space<vmem>>
        %dma_wait3A_919 = tpu.memref_slice %arg3[%add3A_825] : memref<55705600xf32, #tpu.memory_space<hbm>> -> memref<3200xf32, #tpu.memory_space<hbm>>
        %dma_wait3A_920 = tpu.memref_slice %arg3[%add3A_825] : memref<55705600xf32, #tpu.memory_space<hbm>> -> memref<3200xf32, #tpu.memory_space<hbm>>
        %dma_wait3A_921 = arith.constant 35200 : i32
        %dma_wait3A_922 = tpu.memref_slice %arg6[%dma_wait3A_921] : memref<54400xf32, #tpu.memory_space<vmem>> -> memref<3200xf32, #tpu.memory_space<vmem>>
        tpu.wait_dma2 semaphore(%arg10 : memref<!tpu.dma_semaphore, #tpu.memory_space<semaphore_mem>>) src(%dma_wait3A_922 : memref<3200xf32, #tpu.memory_space<vmem>>) dst(%dma_wait3A_920 : memref<3200xf32, #tpu.memory_space<hbm>>)
        %dma_wait3A_923 = arith.constant 38400 : i32
        %dma_wait3A_924 = tpu.memref_slice %arg6[%dma_wait3A_923] : memref<54400xf32, #tpu.memory_space<vmem>> -> memref<3200xf32, #tpu.memory_space<vmem>>
        %dma_wait3A_925 = tpu.memref_slice %arg3[%add3A_830] : memref<55705600xf32, #tpu.memory_space<hbm>> -> memref<3200xf32, #tpu.memory_space<hbm>>
        %dma_wait3A_926 = tpu.memref_slice %arg3[%add3A_830] : memref<55705600xf32, #tpu.memory_space<hbm>> -> memref<3200xf32, #tpu.memory_space<hbm>>
        %dma_wait3A_927 = arith.constant 38400 : i32
        %dma_wait3A_928 = tpu.memref_slice %arg6[%dma_wait3A_927] : memref<54400xf32, #tpu.memory_space<vmem>> -> memref<3200xf32, #tpu.memory_space<vmem>>
        tpu.wait_dma2 semaphore(%arg10 : memref<!tpu.dma_semaphore, #tpu.memory_space<semaphore_mem>>) src(%dma_wait3A_928 : memref<3200xf32, #tpu.memory_space<vmem>>) dst(%dma_wait3A_926 : memref<3200xf32, #tpu.memory_space<hbm>>)
        %dma_wait3A_929 = arith.constant 41600 : i32
        %dma_wait3A_930 = tpu.memref_slice %arg6[%dma_wait3A_929] : memref<54400xf32, #tpu.memory_space<vmem>> -> memref<3200xf32, #tpu.memory_space<vmem>>
        %dma_wait3A_931 = tpu.memref_slice %arg3[%add3A_835] : memref<55705600xf32, #tpu.memory_space<hbm>> -> memref<3200xf32, #tpu.memory_space<hbm>>
        %dma_wait3A_932 = tpu.memref_slice %arg3[%add3A_835] : memref<55705600xf32, #tpu.memory_space<hbm>> -> memref<3200xf32, #tpu.memory_space<hbm>>
        %dma_wait3A_933 = arith.constant 41600 : i32
        %dma_wait3A_934 = tpu.memref_slice %arg6[%dma_wait3A_933] : memref<54400xf32, #tpu.memory_space<vmem>> -> memref<3200xf32, #tpu.memory_space<vmem>>
        tpu.wait_dma2 semaphore(%arg10 : memref<!tpu.dma_semaphore, #tpu.memory_space<semaphore_mem>>) src(%dma_wait3A_934 : memref<3200xf32, #tpu.memory_space<vmem>>) dst(%dma_wait3A_932 : memref<3200xf32, #tpu.memory_space<hbm>>)
        %dma_wait3A_935 = arith.constant 44800 : i32
        %dma_wait3A_936 = tpu.memref_slice %arg6[%dma_wait3A_935] : memref<54400xf32, #tpu.memory_space<vmem>> -> memref<3200xf32, #tpu.memory_space<vmem>>
        %dma_wait3A_937 = tpu.memref_slice %arg3[%add3A_840] : memref<55705600xf32, #tpu.memory_space<hbm>> -> memref<3200xf32, #tpu.memory_space<hbm>>
        %dma_wait3A_938 = tpu.memref_slice %arg3[%add3A_840] : memref<55705600xf32, #tpu.memory_space<hbm>> -> memref<3200xf32, #tpu.memory_space<hbm>>
        %dma_wait3A_939 = arith.constant 44800 : i32
        %dma_wait3A_940 = tpu.memref_slice %arg6[%dma_wait3A_939] : memref<54400xf32, #tpu.memory_space<vmem>> -> memref<3200xf32, #tpu.memory_space<vmem>>
        tpu.wait_dma2 semaphore(%arg10 : memref<!tpu.dma_semaphore, #tpu.memory_space<semaphore_mem>>) src(%dma_wait3A_940 : memref<3200xf32, #tpu.memory_space<vmem>>) dst(%dma_wait3A_938 : memref<3200xf32, #tpu.memory_space<hbm>>)
        %dma_wait3A_941 = arith.constant 48000 : i32
        %dma_wait3A_942 = tpu.memref_slice %arg6[%dma_wait3A_941] : memref<54400xf32, #tpu.memory_space<vmem>> -> memref<3200xf32, #tpu.memory_space<vmem>>
        %dma_wait3A_943 = tpu.memref_slice %arg3[%add3A_845] : memref<55705600xf32, #tpu.memory_space<hbm>> -> memref<3200xf32, #tpu.memory_space<hbm>>
        %dma_wait3A_944 = tpu.memref_slice %arg3[%add3A_845] : memref<55705600xf32, #tpu.memory_space<hbm>> -> memref<3200xf32, #tpu.memory_space<hbm>>
        %dma_wait3A_945 = arith.constant 48000 : i32
        %dma_wait3A_946 = tpu.memref_slice %arg6[%dma_wait3A_945] : memref<54400xf32, #tpu.memory_space<vmem>> -> memref<3200xf32, #tpu.memory_space<vmem>>
        tpu.wait_dma2 semaphore(%arg10 : memref<!tpu.dma_semaphore, #tpu.memory_space<semaphore_mem>>) src(%dma_wait3A_946 : memref<3200xf32, #tpu.memory_space<vmem>>) dst(%dma_wait3A_944 : memref<3200xf32, #tpu.memory_space<hbm>>)
        %dma_wait3A_947 = arith.constant 51200 : i32
        %dma_wait3A_948 = tpu.memref_slice %arg6[%dma_wait3A_947] : memref<54400xf32, #tpu.memory_space<vmem>> -> memref<3200xf32, #tpu.memory_space<vmem>>
        %dma_wait3A_949 = tpu.memref_slice %arg3[%add3A_850] : memref<55705600xf32, #tpu.memory_space<hbm>> -> memref<3200xf32, #tpu.memory_space<hbm>>
        %dma_wait3A_950 = tpu.memref_slice %arg3[%add3A_850] : memref<55705600xf32, #tpu.memory_space<hbm>> -> memref<3200xf32, #tpu.memory_space<hbm>>
        %dma_wait3A_951 = arith.constant 51200 : i32
        %dma_wait3A_952 = tpu.memref_slice %arg6[%dma_wait3A_951] : memref<54400xf32, #tpu.memory_space<vmem>> -> memref<3200xf32, #tpu.memory_space<vmem>>
        tpu.wait_dma2 semaphore(%arg10 : memref<!tpu.dma_semaphore, #tpu.memory_space<semaphore_mem>>) src(%dma_wait3A_952 : memref<3200xf32, #tpu.memory_space<vmem>>) dst(%dma_wait3A_950 : memref<3200xf32, #tpu.memory_space<hbm>>)
      } else {
      }
      %parallel_loop3A = arith.constant 0 : i32
      %parallel_loop3A_368 = arith.constant 200 : i32
      %parallel_loop3A_369 = arith.constant 1 : i32
      scf.for %parallel_loop3A_766 = %parallel_loop3A to %parallel_loop3A_368 step %parallel_loop3A_369  : i32 {
        %parallel_loop3A_767 = arith.constant 16 : i32
        %parallel_loop3A_768 = arith.muli %parallel_loop3A_766, %parallel_loop3A_767 : i32
        %parallel_loop3A_769 = arith.index_cast %parallel_loop3A_768 : i32 to index
        %parallel_loop3A_770 = tpu.vector_load %arg4[%parallel_loop3A_769] {strides = array<i32>} : memref<3200xi32, #tpu.memory_space<vmem>>, vector<16xi32>,
        %parallel_loop3A_771 = arith.constant -65535 : i32
        %parallel_loop3A_772 = arith.constant 65535 : i32
        %parallel_loop3A_773 = vector.broadcast %parallel_loop3A_771 : i32 to vector<16xi32>
        %parallel_loop3A_774 = arith.maxsi %parallel_loop3A_773, %parallel_loop3A_770 : vector<16xi32>
        %parallel_loop3A_775 = vector.broadcast %parallel_loop3A_772 : i32 to vector<16xi32>
        %parallel_loop3A_776 = arith.minsi %parallel_loop3A_775, %parallel_loop3A_774 : vector<16xi32>
        %parallel_loop3A_777 = math.absi %parallel_loop3A_776 : vector<16xi32>
        %parallel_loop3A_778 = arith.constant 0 : i32
        %parallel_loop3A_779 = vector.broadcast %parallel_loop3A_778 : i32 to vector<16xi32>
        %parallel_loop3A_780 = arith.cmpi slt, %parallel_loop3A_776, %parallel_loop3A_779 : vector<16xi32>
        %parallel_loop3A_781 = arith.constant 65536 : i32
        %parallel_loop3A_782 = arith.constant 0 : i32
        %parallel_loop3A_783 = vector.broadcast %parallel_loop3A_781 : i32 to vector<16xi32>
        %parallel_loop3A_784 = vector.broadcast %parallel_loop3A_782 : i32 to vector<16xi32>
        %parallel_loop3A_785 = arith.select %parallel_loop3A_780, %parallel_loop3A_783, %parallel_loop3A_784 : vector<16xi1>, vector<16xi32>
        %parallel_loop3A_786 = arith.addi %parallel_loop3A_777, %parallel_loop3A_785 : vector<16xi32>
        %parallel_loop3A_787 = arith.constant 16 : i32
        %parallel_loop3A_788 = vector.broadcast %parallel_loop3A_787 : i32 to vector<16xi32>
        %parallel_loop3A_789 = arith.shrsi %parallel_loop3A_786, %parallel_loop3A_788 : vector<16xi32>
        %parallel_loop3A_790 = arith.constant 1 : i32
        %parallel_loop3A_791 = vector.broadcast %parallel_loop3A_790 : i32 to vector<16xi32>
        %parallel_loop3A_792 = arith.andi %parallel_loop3A_789, %parallel_loop3A_791 : vector<16xi32>
        %parallel_loop3A_793 = arith.sitofp %parallel_loop3A_792 : vector<16xi32> to vector<16xf32>
        %parallel_loop3A_794 = arith.constant 16 : i32
        %parallel_loop3A_795 = arith.muli %parallel_loop3A_766, %parallel_loop3A_794 : i32
        %parallel_loop3A_796 = arith.constant 0 : i32
        %parallel_loop3A_797 = arith.addi %parallel_loop3A_796, %parallel_loop3A_795 : i32
        %parallel_loop3A_798 = arith.index_cast %parallel_loop3A_797 : i32 to index
        %parallel_loop3A_799 = tpu.vector_load %arg6[%parallel_loop3A_798] {strides = array<i32>} : memref<54400xf32, #tpu.memory_space<vmem>>, vector<16xf32>,
        tpu.vector_store %arg6[%parallel_loop3A_798], %parallel_loop3A_793 {strides = array<i32>} : memref<54400xf32, #tpu.memory_space<vmem>>, vector<16xf32>,
        %parallel_loop3A_800 = arith.constant 15 : i32
        %parallel_loop3A_801 = vector.broadcast %parallel_loop3A_800 : i32 to vector<16xi32>
        %parallel_loop3A_802 = arith.shrsi %parallel_loop3A_786, %parallel_loop3A_801 : vector<16xi32>
        %parallel_loop3A_803 = arith.constant 1 : i32
        %parallel_loop3A_804 = vector.broadcast %parallel_loop3A_803 : i32 to vector<16xi32>
        %parallel_loop3A_805 = arith.andi %parallel_loop3A_802, %parallel_loop3A_804 : vector<16xi32>
        %parallel_loop3A_806 = arith.sitofp %parallel_loop3A_805 : vector<16xi32> to vector<16xf32>
        %parallel_loop3A_807 = arith.constant 16 : i32
        %parallel_loop3A_808 = arith.muli %parallel_loop3A_766, %parallel_loop3A_807 : i32
        %parallel_loop3A_809 = arith.constant 3200 : i32
        %parallel_loop3A_810 = arith.addi %parallel_loop3A_809, %parallel_loop3A_808 : i32
        %parallel_loop3A_811 = arith.index_cast %parallel_loop3A_810 : i32 to index
        %parallel_loop3A_812 = tpu.vector_load %arg6[%parallel_loop3A_811] {strides = array<i32>} : memref<54400xf32, #tpu.memory_space<vmem>>, vector<16xf32>,
        tpu.vector_store %arg6[%parallel_loop3A_811], %parallel_loop3A_806 {strides = array<i32>} : memref<54400xf32, #tpu.memory_space<vmem>>, vector<16xf32>,
        %parallel_loop3A_813 = arith.constant 14 : i32
        %parallel_loop3A_814 = vector.broadcast %parallel_loop3A_813 : i32 to vector<16xi32>
        %parallel_loop3A_815 = arith.shrsi %parallel_loop3A_786, %parallel_loop3A_814 : vector<16xi32>
        %parallel_loop3A_816 = arith.constant 1 : i32
        %parallel_loop3A_817 = vector.broadcast %parallel_loop3A_816 : i32 to vector<16xi32>
        %parallel_loop3A_818 = arith.andi %parallel_loop3A_815, %parallel_loop3A_817 : vector<16xi32>
        %parallel_loop3A_819 = arith.sitofp %parallel_loop3A_818 : vector<16xi32> to vector<16xf32>
        %parallel_loop3A_820 = arith.constant 16 : i32
        %parallel_loop3A_821 = arith.muli %parallel_loop3A_766, %parallel_loop3A_820 : i32
        %parallel_loop3A_822 = arith.constant 6400 : i32
        %parallel_loop3A_823 = arith.addi %parallel_loop3A_822, %parallel_loop3A_821 : i32
        %parallel_loop3A_824 = arith.index_cast %parallel_loop3A_823 : i32 to index
        %parallel_loop3A_825 = tpu.vector_load %arg6[%parallel_loop3A_824] {strides = array<i32>} : memref<54400xf32, #tpu.memory_space<vmem>>, vector<16xf32>,
        tpu.vector_store %arg6[%parallel_loop3A_824], %parallel_loop3A_819 {strides = array<i32>} : memref<54400xf32, #tpu.memory_space<vmem>>, vector<16xf32>,
        %parallel_loop3A_826 = arith.constant 13 : i32
        %parallel_loop3A_827 = vector.broadcast %parallel_loop3A_826 : i32 to vector<16xi32>
        %parallel_loop3A_828 = arith.shrsi %parallel_loop3A_786, %parallel_loop3A_827 : vector<16xi32>
        %parallel_loop3A_829 = arith.constant 1 : i32
        %parallel_loop3A_830 = vector.broadcast %parallel_loop3A_829 : i32 to vector<16xi32>
        %parallel_loop3A_831 = arith.andi %parallel_loop3A_828, %parallel_loop3A_830 : vector<16xi32>
        %parallel_loop3A_832 = arith.sitofp %parallel_loop3A_831 : vector<16xi32> to vector<16xf32>
        %parallel_loop3A_833 = arith.constant 16 : i32
        %parallel_loop3A_834 = arith.muli %parallel_loop3A_766, %parallel_loop3A_833 : i32
        %parallel_loop3A_835 = arith.constant 9600 : i32
        %parallel_loop3A_836 = arith.addi %parallel_loop3A_835, %parallel_loop3A_834 : i32
        %parallel_loop3A_837 = arith.index_cast %parallel_loop3A_836 : i32 to index
        %parallel_loop3A_838 = tpu.vector_load %arg6[%parallel_loop3A_837] {strides = array<i32>} : memref<54400xf32, #tpu.memory_space<vmem>>, vector<16xf32>,
        tpu.vector_store %arg6[%parallel_loop3A_837], %parallel_loop3A_832 {strides = array<i32>} : memref<54400xf32, #tpu.memory_space<vmem>>, vector<16xf32>,
        %parallel_loop3A_839 = arith.constant 12 : i32
        %parallel_loop3A_840 = vector.broadcast %parallel_loop3A_839 : i32 to vector<16xi32>
        %parallel_loop3A_841 = arith.shrsi %parallel_loop3A_786, %parallel_loop3A_840 : vector<16xi32>
        %parallel_loop3A_842 = arith.constant 1 : i32
        %parallel_loop3A_843 = vector.broadcast %parallel_loop3A_842 : i32 to vector<16xi32>
        %parallel_loop3A_844 = arith.andi %parallel_loop3A_841, %parallel_loop3A_843 : vector<16xi32>
        %parallel_loop3A_845 = arith.sitofp %parallel_loop3A_844 : vector<16xi32> to vector<16xf32>
        %parallel_loop3A_846 = arith.constant 16 : i32
        %parallel_loop3A_847 = arith.muli %parallel_loop3A_766, %parallel_loop3A_846 : i32
        %parallel_loop3A_848 = arith.constant 12800 : i32
        %parallel_loop3A_849 = arith.addi %parallel_loop3A_848, %parallel_loop3A_847 : i32
        %parallel_loop3A_850 = arith.index_cast %parallel_loop3A_849 : i32 to index
        %parallel_loop3A_851 = tpu.vector_load %arg6[%parallel_loop3A_850] {strides = array<i32>} : memref<54400xf32, #tpu.memory_space<vmem>>, vector<16xf32>,
        tpu.vector_store %arg6[%parallel_loop3A_850], %parallel_loop3A_845 {strides = array<i32>} : memref<54400xf32, #tpu.memory_space<vmem>>, vector<16xf32>,
        %parallel_loop3A_852 = arith.constant 11 : i32
        %parallel_loop3A_853 = vector.broadcast %parallel_loop3A_852 : i32 to vector<16xi32>
        %parallel_loop3A_854 = arith.shrsi %parallel_loop3A_786, %parallel_loop3A_853 : vector<16xi32>
        %parallel_loop3A_855 = arith.constant 1 : i32
        %parallel_loop3A_856 = vector.broadcast %parallel_loop3A_855 : i32 to vector<16xi32>
        %parallel_loop3A_857 = arith.andi %parallel_loop3A_854, %parallel_loop3A_856 : vector<16xi32>
        %parallel_loop3A_858 = arith.sitofp %parallel_loop3A_857 : vector<16xi32> to vector<16xf32>
        %parallel_loop3A_859 = arith.constant 16 : i32
        %parallel_loop3A_860 = arith.muli %parallel_loop3A_766, %parallel_loop3A_859 : i32
        %parallel_loop3A_861 = arith.constant 16000 : i32
        %parallel_loop3A_862 = arith.addi %parallel_loop3A_861, %parallel_loop3A_860 : i32
        %parallel_loop3A_863 = arith.index_cast %parallel_loop3A_862 : i32 to index
        %parallel_loop3A_864 = tpu.vector_load %arg6[%parallel_loop3A_863] {strides = array<i32>} : memref<54400xf32, #tpu.memory_space<vmem>>, vector<16xf32>,
        tpu.vector_store %arg6[%parallel_loop3A_863], %parallel_loop3A_858 {strides = array<i32>} : memref<54400xf32, #tpu.memory_space<vmem>>, vector<16xf32>,
        %parallel_loop3A_865 = arith.constant 10 : i32
        %parallel_loop3A_866 = vector.broadcast %parallel_loop3A_865 : i32 to vector<16xi32>
        %parallel_loop3A_867 = arith.shrsi %parallel_loop3A_786, %parallel_loop3A_866 : vector<16xi32>
        %parallel_loop3A_868 = arith.constant 1 : i32
        %parallel_loop3A_869 = vector.broadcast %parallel_loop3A_868 : i32 to vector<16xi32>
        %parallel_loop3A_870 = arith.andi %parallel_loop3A_867, %parallel_loop3A_869 : vector<16xi32>
        %parallel_loop3A_871 = arith.sitofp %parallel_loop3A_870 : vector<16xi32> to vector<16xf32>
        %parallel_loop3A_872 = arith.constant 16 : i32
        %parallel_loop3A_873 = arith.muli %parallel_loop3A_766, %parallel_loop3A_872 : i32
        %parallel_loop3A_874 = arith.constant 19200 : i32
        %parallel_loop3A_875 = arith.addi %parallel_loop3A_874, %parallel_loop3A_873 : i32
        %parallel_loop3A_876 = arith.index_cast %parallel_loop3A_875 : i32 to index
        %parallel_loop3A_877 = tpu.vector_load %arg6[%parallel_loop3A_876] {strides = array<i32>} : memref<54400xf32, #tpu.memory_space<vmem>>, vector<16xf32>,
        tpu.vector_store %arg6[%parallel_loop3A_876], %parallel_loop3A_871 {strides = array<i32>} : memref<54400xf32, #tpu.memory_space<vmem>>, vector<16xf32>,
        %parallel_loop3A_878 = arith.constant 9 : i32
        %parallel_loop3A_879 = vector.broadcast %parallel_loop3A_878 : i32 to vector<16xi32>
        %parallel_loop3A_880 = arith.shrsi %parallel_loop3A_786, %parallel_loop3A_879 : vector<16xi32>
        %parallel_loop3A_881 = arith.constant 1 : i32
        %parallel_loop3A_882 = vector.broadcast %parallel_loop3A_881 : i32 to vector<16xi32>
        %parallel_loop3A_883 = arith.andi %parallel_loop3A_880, %parallel_loop3A_882 : vector<16xi32>
        %parallel_loop3A_884 = arith.sitofp %parallel_loop3A_883 : vector<16xi32> to vector<16xf32>
        %parallel_loop3A_885 = arith.constant 16 : i32
        %parallel_loop3A_886 = arith.muli %parallel_loop3A_766, %parallel_loop3A_885 : i32
        %parallel_loop3A_887 = arith.constant 22400 : i32
        %parallel_loop3A_888 = arith.addi %parallel_loop3A_887, %parallel_loop3A_886 : i32
        %parallel_loop3A_889 = arith.index_cast %parallel_loop3A_888 : i32 to index
        %parallel_loop3A_890 = tpu.vector_load %arg6[%parallel_loop3A_889] {strides = array<i32>} : memref<54400xf32, #tpu.memory_space<vmem>>, vector<16xf32>,
        tpu.vector_store %arg6[%parallel_loop3A_889], %parallel_loop3A_884 {strides = array<i32>} : memref<54400xf32, #tpu.memory_space<vmem>>, vector<16xf32>,
        %parallel_loop3A_891 = arith.constant 8 : i32
        %parallel_loop3A_892 = vector.broadcast %parallel_loop3A_891 : i32 to vector<16xi32>
        %parallel_loop3A_893 = arith.shrsi %parallel_loop3A_786, %parallel_loop3A_892 : vector<16xi32>
        %parallel_loop3A_894 = arith.constant 1 : i32
        %parallel_loop3A_895 = vector.broadcast %parallel_loop3A_894 : i32 to vector<16xi32>
        %parallel_loop3A_896 = arith.andi %parallel_loop3A_893, %parallel_loop3A_895 : vector<16xi32>
        %parallel_loop3A_897 = arith.sitofp %parallel_loop3A_896 : vector<16xi32> to vector<16xf32>
        %parallel_loop3A_898 = arith.constant 16 : i32
        %parallel_loop3A_899 = arith.muli %parallel_loop3A_766, %parallel_loop3A_898 : i32
        %parallel_loop3A_900 = arith.constant 25600 : i32
        %parallel_loop3A_901 = arith.addi %parallel_loop3A_900, %parallel_loop3A_899 : i32
        %parallel_loop3A_902 = arith.index_cast %parallel_loop3A_901 : i32 to index
        %parallel_loop3A_903 = tpu.vector_load %arg6[%parallel_loop3A_902] {strides = array<i32>} : memref<54400xf32, #tpu.memory_space<vmem>>, vector<16xf32>,
        tpu.vector_store %arg6[%parallel_loop3A_902], %parallel_loop3A_897 {strides = array<i32>} : memref<54400xf32, #tpu.memory_space<vmem>>, vector<16xf32>,
        %parallel_loop3A_904 = arith.constant 7 : i32
        %parallel_loop3A_905 = vector.broadcast %parallel_loop3A_904 : i32 to vector<16xi32>
        %parallel_loop3A_906 = arith.shrsi %parallel_loop3A_786, %parallel_loop3A_905 : vector<16xi32>
        %parallel_loop3A_907 = arith.constant 1 : i32
        %parallel_loop3A_908 = vector.broadcast %parallel_loop3A_907 : i32 to vector<16xi32>
        %parallel_loop3A_909 = arith.andi %parallel_loop3A_906, %parallel_loop3A_908 : vector<16xi32>
        %parallel_loop3A_910 = arith.sitofp %parallel_loop3A_909 : vector<16xi32> to vector<16xf32>
        %parallel_loop3A_911 = arith.constant 16 : i32
        %parallel_loop3A_912 = arith.muli %parallel_loop3A_766, %parallel_loop3A_911 : i32
        %parallel_loop3A_913 = arith.constant 28800 : i32
        %parallel_loop3A_914 = arith.addi %parallel_loop3A_913, %parallel_loop3A_912 : i32
        %parallel_loop3A_915 = arith.index_cast %parallel_loop3A_914 : i32 to index
        %parallel_loop3A_916 = tpu.vector_load %arg6[%parallel_loop3A_915] {strides = array<i32>} : memref<54400xf32, #tpu.memory_space<vmem>>, vector<16xf32>,
        tpu.vector_store %arg6[%parallel_loop3A_915], %parallel_loop3A_910 {strides = array<i32>} : memref<54400xf32, #tpu.memory_space<vmem>>, vector<16xf32>,
        %parallel_loop3A_917 = arith.constant 6 : i32
        %parallel_loop3A_918 = vector.broadcast %parallel_loop3A_917 : i32 to vector<16xi32>
        %parallel_loop3A_919 = arith.shrsi %parallel_loop3A_786, %parallel_loop3A_918 : vector<16xi32>
        %parallel_loop3A_920 = arith.constant 1 : i32
        %parallel_loop3A_921 = vector.broadcast %parallel_loop3A_920 : i32 to vector<16xi32>
        %parallel_loop3A_922 = arith.andi %parallel_loop3A_919, %parallel_loop3A_921 : vector<16xi32>
        %parallel_loop3A_923 = arith.sitofp %parallel_loop3A_922 : vector<16xi32> to vector<16xf32>
        %parallel_loop3A_924 = arith.constant 16 : i32
        %parallel_loop3A_925 = arith.muli %parallel_loop3A_766, %parallel_loop3A_924 : i32
        %parallel_loop3A_926 = arith.constant 32000 : i32
        %parallel_loop3A_927 = arith.addi %parallel_loop3A_926, %parallel_loop3A_925 : i32
        %parallel_loop3A_928 = arith.index_cast %parallel_loop3A_927 : i32 to index
        %parallel_loop3A_929 = tpu.vector_load %arg6[%parallel_loop3A_928] {strides = array<i32>} : memref<54400xf32, #tpu.memory_space<vmem>>, vector<16xf32>,
        tpu.vector_store %arg6[%parallel_loop3A_928], %parallel_loop3A_923 {strides = array<i32>} : memref<54400xf32, #tpu.memory_space<vmem>>, vector<16xf32>,
        %parallel_loop3A_930 = arith.constant 5 : i32
        %parallel_loop3A_931 = vector.broadcast %parallel_loop3A_930 : i32 to vector<16xi32>
        %parallel_loop3A_932 = arith.shrsi %parallel_loop3A_786, %parallel_loop3A_931 : vector<16xi32>
        %parallel_loop3A_933 = arith.constant 1 : i32
        %parallel_loop3A_934 = vector.broadcast %parallel_loop3A_933 : i32 to vector<16xi32>
        %parallel_loop3A_935 = arith.andi %parallel_loop3A_932, %parallel_loop3A_934 : vector<16xi32>
        %parallel_loop3A_936 = arith.sitofp %parallel_loop3A_935 : vector<16xi32> to vector<16xf32>
        %parallel_loop3A_937 = arith.constant 16 : i32
        %parallel_loop3A_938 = arith.muli %parallel_loop3A_766, %parallel_loop3A_937 : i32
        %parallel_loop3A_939 = arith.constant 35200 : i32
        %parallel_loop3A_940 = arith.addi %parallel_loop3A_939, %parallel_loop3A_938 : i32
        %parallel_loop3A_941 = arith.index_cast %parallel_loop3A_940 : i32 to index
        %parallel_loop3A_942 = tpu.vector_load %arg6[%parallel_loop3A_941] {strides = array<i32>} : memref<54400xf32, #tpu.memory_space<vmem>>, vector<16xf32>,
        tpu.vector_store %arg6[%parallel_loop3A_941], %parallel_loop3A_936 {strides = array<i32>} : memref<54400xf32, #tpu.memory_space<vmem>>, vector<16xf32>,
        %parallel_loop3A_943 = arith.constant 4 : i32
        %parallel_loop3A_944 = vector.broadcast %parallel_loop3A_943 : i32 to vector<16xi32>
        %parallel_loop3A_945 = arith.shrsi %parallel_loop3A_786, %parallel_loop3A_944 : vector<16xi32>
        %parallel_loop3A_946 = arith.constant 1 : i32
        %parallel_loop3A_947 = vector.broadcast %parallel_loop3A_946 : i32 to vector<16xi32>
        %parallel_loop3A_948 = arith.andi %parallel_loop3A_945, %parallel_loop3A_947 : vector<16xi32>
        %parallel_loop3A_949 = arith.sitofp %parallel_loop3A_948 : vector<16xi32> to vector<16xf32>
        %parallel_loop3A_950 = arith.constant 16 : i32
        %parallel_loop3A_951 = arith.muli %parallel_loop3A_766, %parallel_loop3A_950 : i32
        %parallel_loop3A_952 = arith.constant 38400 : i32
        %parallel_loop3A_953 = arith.addi %parallel_loop3A_952, %parallel_loop3A_951 : i32
        %parallel_loop3A_954 = arith.index_cast %parallel_loop3A_953 : i32 to index
        %parallel_loop3A_955 = tpu.vector_load %arg6[%parallel_loop3A_954] {strides = array<i32>} : memref<54400xf32, #tpu.memory_space<vmem>>, vector<16xf32>,
        tpu.vector_store %arg6[%parallel_loop3A_954], %parallel_loop3A_949 {strides = array<i32>} : memref<54400xf32, #tpu.memory_space<vmem>>, vector<16xf32>,
        %parallel_loop3A_956 = arith.constant 3 : i32
        %parallel_loop3A_957 = vector.broadcast %parallel_loop3A_956 : i32 to vector<16xi32>
        %parallel_loop3A_958 = arith.shrsi %parallel_loop3A_786, %parallel_loop3A_957 : vector<16xi32>
        %parallel_loop3A_959 = arith.constant 1 : i32
        %parallel_loop3A_960 = vector.broadcast %parallel_loop3A_959 : i32 to vector<16xi32>
        %parallel_loop3A_961 = arith.andi %parallel_loop3A_958, %parallel_loop3A_960 : vector<16xi32>
        %parallel_loop3A_962 = arith.sitofp %parallel_loop3A_961 : vector<16xi32> to vector<16xf32>
        %parallel_loop3A_963 = arith.constant 16 : i32
        %parallel_loop3A_964 = arith.muli %parallel_loop3A_766, %parallel_loop3A_963 : i32
        %parallel_loop3A_965 = arith.constant 41600 : i32
        %parallel_loop3A_966 = arith.addi %parallel_loop3A_965, %parallel_loop3A_964 : i32
        %parallel_loop3A_967 = arith.index_cast %parallel_loop3A_966 : i32 to index
        %parallel_loop3A_968 = tpu.vector_load %arg6[%parallel_loop3A_967] {strides = array<i32>} : memref<54400xf32, #tpu.memory_space<vmem>>, vector<16xf32>,
        tpu.vector_store %arg6[%parallel_loop3A_967], %parallel_loop3A_962 {strides = array<i32>} : memref<54400xf32, #tpu.memory_space<vmem>>, vector<16xf32>,
        %parallel_loop3A_969 = arith.constant 2 : i32
        %parallel_loop3A_970 = vector.broadcast %parallel_loop3A_969 : i32 to vector<16xi32>
        %parallel_loop3A_971 = arith.shrsi %parallel_loop3A_786, %parallel_loop3A_970 : vector<16xi32>
        %parallel_loop3A_972 = arith.constant 1 : i32
        %parallel_loop3A_973 = vector.broadcast %parallel_loop3A_972 : i32 to vector<16xi32>
        %parallel_loop3A_974 = arith.andi %parallel_loop3A_971, %parallel_loop3A_973 : vector<16xi32>
        %parallel_loop3A_975 = arith.sitofp %parallel_loop3A_974 : vector<16xi32> to vector<16xf32>
        %parallel_loop3A_976 = arith.constant 16 : i32
        %parallel_loop3A_977 = arith.muli %parallel_loop3A_766, %parallel_loop3A_976 : i32
        %parallel_loop3A_978 = arith.constant 44800 : i32
        %parallel_loop3A_979 = arith.addi %parallel_loop3A_978, %parallel_loop3A_977 : i32
        %parallel_loop3A_980 = arith.index_cast %parallel_loop3A_979 : i32 to index
        %parallel_loop3A_981 = tpu.vector_load %arg6[%parallel_loop3A_980] {strides = array<i32>} : memref<54400xf32, #tpu.memory_space<vmem>>, vector<16xf32>,
        tpu.vector_store %arg6[%parallel_loop3A_980], %parallel_loop3A_975 {strides = array<i32>} : memref<54400xf32, #tpu.memory_space<vmem>>, vector<16xf32>,
        %parallel_loop3A_982 = arith.constant 1 : i32
        %parallel_loop3A_983 = vector.broadcast %parallel_loop3A_982 : i32 to vector<16xi32>
        %parallel_loop3A_984 = arith.shrsi %parallel_loop3A_786, %parallel_loop3A_983 : vector<16xi32>
        %parallel_loop3A_985 = arith.constant 1 : i32
        %parallel_loop3A_986 = vector.broadcast %parallel_loop3A_985 : i32 to vector<16xi32>
        %parallel_loop3A_987 = arith.andi %parallel_loop3A_984, %parallel_loop3A_986 : vector<16xi32>
        %parallel_loop3A_988 = arith.sitofp %parallel_loop3A_987 : vector<16xi32> to vector<16xf32>
        %parallel_loop3A_989 = arith.constant 16 : i32
        %parallel_loop3A_990 = arith.muli %parallel_loop3A_766, %parallel_loop3A_989 : i32
        %parallel_loop3A_991 = arith.constant 48000 : i32
        %parallel_loop3A_992 = arith.addi %parallel_loop3A_991, %parallel_loop3A_990 : i32
        %parallel_loop3A_993 = arith.index_cast %parallel_loop3A_992 : i32 to index
        %parallel_loop3A_994 = tpu.vector_load %arg6[%parallel_loop3A_993] {strides = array<i32>} : memref<54400xf32, #tpu.memory_space<vmem>>, vector<16xf32>,
        tpu.vector_store %arg6[%parallel_loop3A_993], %parallel_loop3A_988 {strides = array<i32>} : memref<54400xf32, #tpu.memory_space<vmem>>, vector<16xf32>,
        %parallel_loop3A_995 = arith.constant 0 : i32
        %parallel_loop3A_996 = vector.broadcast %parallel_loop3A_995 : i32 to vector<16xi32>
        %parallel_loop3A_997 = arith.shrsi %parallel_loop3A_786, %parallel_loop3A_996 : vector<16xi32>
        %parallel_loop3A_998 = arith.constant 1 : i32
        %parallel_loop3A_999 = vector.broadcast %parallel_loop3A_998 : i32 to vector<16xi32>
        %parallel_loop3A_1000 = arith.andi %parallel_loop3A_997, %parallel_loop3A_999 : vector<16xi32>
        %parallel_loop3A_1001 = arith.sitofp %parallel_loop3A_1000 : vector<16xi32> to vector<16xf32>
        %parallel_loop3A_1002 = arith.constant 16 : i32
        %parallel_loop3A_1003 = arith.muli %parallel_loop3A_766, %parallel_loop3A_1002 : i32
        %parallel_loop3A_1004 = arith.constant 51200 : i32
        %parallel_loop3A_1005 = arith.addi %parallel_loop3A_1004, %parallel_loop3A_1003 : i32
        %parallel_loop3A_1006 = arith.index_cast %parallel_loop3A_1005 : i32 to index
        %parallel_loop3A_1007 = tpu.vector_load %arg6[%parallel_loop3A_1006] {strides = array<i32>} : memref<54400xf32, #tpu.memory_space<vmem>>, vector<16xf32>,
        tpu.vector_store %arg6[%parallel_loop3A_1006], %parallel_loop3A_1001 {strides = array<i32>} : memref<54400xf32, #tpu.memory_space<vmem>>, vector<16xf32>,
      } {sc.loop_unroll_factor = 8 : i64, sc.parallel_access}
      %add3A_370 = arith.constant 0 : i32
      %add3A_371 = arith.addi %add3A_370, %mul3A_2 : i32
      %mul3A_372 = arith.constant 3200 : i32
      %mul3A_373 = arith.muli %mul3A_356, %mul3A_372 : i32
      %add3A_374 = arith.addi %add3A_371, %mul3A_373 : i32
      %add3A_375 = arith.constant 3276800 : i32
      %add3A_376 = arith.addi %add3A_375, %mul3A_2 : i32
      %mul3A_377 = arith.constant 3200 : i32
      %mul3A_378 = arith.muli %mul3A_356, %mul3A_377 : i32
      %add3A_379 = arith.addi %add3A_376, %mul3A_378 : i32
      %add3A_380 = arith.constant 6553600 : i32
      %add3A_381 = arith.addi %add3A_380, %mul3A_2 : i32
      %mul3A_382 = arith.constant 3200 : i32
      %mul3A_383 = arith.muli %mul3A_356, %mul3A_382 : i32
      %add3A_384 = arith.addi %add3A_381, %mul3A_383 : i32
      %add3A_385 = arith.constant 9830400 : i32
      %add3A_386 = arith.addi %add3A_385, %mul3A_2 : i32
      %mul3A_387 = arith.constant 3200 : i32
      %mul3A_388 = arith.muli %mul3A_356, %mul3A_387 : i32
      %add3A_389 = arith.addi %add3A_386, %mul3A_388 : i32
      %add3A_390 = arith.constant 13107200 : i32
      %add3A_391 = arith.addi %add3A_390, %mul3A_2 : i32
      %mul3A_392 = arith.constant 3200 : i32
      %mul3A_393 = arith.muli %mul3A_356, %mul3A_392 : i32
      %add3A_394 = arith.addi %add3A_391, %mul3A_393 : i32
      %add3A_395 = arith.constant 16384000 : i32
      %add3A_396 = arith.addi %add3A_395, %mul3A_2 : i32
      %mul3A_397 = arith.constant 3200 : i32
      %mul3A_398 = arith.muli %mul3A_356, %mul3A_397 : i32
      %add3A_399 = arith.addi %add3A_396, %mul3A_398 : i32
      %add3A_400 = arith.constant 19660800 : i32
      %add3A_401 = arith.addi %add3A_400, %mul3A_2 : i32
      %mul3A_402 = arith.constant 3200 : i32
      %mul3A_403 = arith.muli %mul3A_356, %mul3A_402 : i32
      %add3A_404 = arith.addi %add3A_401, %mul3A_403 : i32
      %add3A_405 = arith.constant 22937600 : i32
      %add3A_406 = arith.addi %add3A_405, %mul3A_2 : i32
      %mul3A_407 = arith.constant 3200 : i32
      %mul3A_408 = arith.muli %mul3A_356, %mul3A_407 : i32
      %add3A_409 = arith.addi %add3A_406, %mul3A_408 : i32
      %add3A_410 = arith.constant 26214400 : i32
      %add3A_411 = arith.addi %add3A_410, %mul3A_2 : i32
      %mul3A_412 = arith.constant 3200 : i32
      %mul3A_413 = arith.muli %mul3A_356, %mul3A_412 : i32
      %add3A_414 = arith.addi %add3A_411, %mul3A_413 : i32
      %add3A_415 = arith.constant 29491200 : i32
      %add3A_416 = arith.addi %add3A_415, %mul3A_2 : i32
      %mul3A_417 = arith.constant 3200 : i32
      %mul3A_418 = arith.muli %mul3A_356, %mul3A_417 : i32
      %add3A_419 = arith.addi %add3A_416, %mul3A_418 : i32
      %add3A_420 = arith.constant 32768000 : i32
      %add3A_421 = arith.addi %add3A_420, %mul3A_2 : i32
      %mul3A_422 = arith.constant 3200 : i32
      %mul3A_423 = arith.muli %mul3A_356, %mul3A_422 : i32
      %add3A_424 = arith.addi %add3A_421, %mul3A_423 : i32
      %add3A_425 = arith.constant 36044800 : i32
      %add3A_426 = arith.addi %add3A_425, %mul3A_2 : i32
      %mul3A_427 = arith.constant 3200 : i32
      %mul3A_428 = arith.muli %mul3A_356, %mul3A_427 : i32
      %add3A_429 = arith.addi %add3A_426, %mul3A_428 : i32
      %add3A_430 = arith.constant 39321600 : i32
      %add3A_431 = arith.addi %add3A_430, %mul3A_2 : i32
      %mul3A_432 = arith.constant 3200 : i32
      %mul3A_433 = arith.muli %mul3A_356, %mul3A_432 : i32
      %add3A_434 = arith.addi %add3A_431, %mul3A_433 : i32
      %add3A_435 = arith.constant 42598400 : i32
      %add3A_436 = arith.addi %add3A_435, %mul3A_2 : i32
      %mul3A_437 = arith.constant 3200 : i32
      %mul3A_438 = arith.muli %mul3A_356, %mul3A_437 : i32
      %add3A_439 = arith.addi %add3A_436, %mul3A_438 : i32
      %add3A_440 = arith.constant 45875200 : i32
      %add3A_441 = arith.addi %add3A_440, %mul3A_2 : i32
      %mul3A_442 = arith.constant 3200 : i32
      %mul3A_443 = arith.muli %mul3A_356, %mul3A_442 : i32
      %add3A_444 = arith.addi %add3A_441, %mul3A_443 : i32
      %add3A_445 = arith.constant 49152000 : i32
      %add3A_446 = arith.addi %add3A_445, %mul3A_2 : i32
      %mul3A_447 = arith.constant 3200 : i32
      %mul3A_448 = arith.muli %mul3A_356, %mul3A_447 : i32
      %add3A_449 = arith.addi %add3A_446, %mul3A_448 : i32
      %add3A_450 = arith.constant 52428800 : i32
      %add3A_451 = arith.addi %add3A_450, %mul3A_2 : i32
      %mul3A_452 = arith.constant 3200 : i32
      %mul3A_453 = arith.muli %mul3A_356, %mul3A_452 : i32
      %add3A_454 = arith.addi %add3A_451, %mul3A_453 : i32
      %dma_start3A_455 = arith.constant 0 : i32
      %dma_start3A_456 = tpu.memref_slice %arg6[%dma_start3A_455] : memref<54400xf32, #tpu.memory_space<vmem>> -> memref<3200xf32, #tpu.memory_space<vmem>>
      %dma_start3A_457 = tpu.memref_slice %arg3[%add3A_374] : memref<55705600xf32, #tpu.memory_space<hbm>> -> memref<3200xf32, #tpu.memory_space<hbm>>
      %dma_start3A_458 = tpu.memref_slice %arg3[%add3A_374] : memref<55705600xf32, #tpu.memory_space<hbm>> -> memref<3200xf32, #tpu.memory_space<hbm>>
      %dma_start3A_459 = arith.constant 0 : i32
      %dma_start3A_460 = tpu.memref_slice %arg6[%dma_start3A_459] : memref<54400xf32, #tpu.memory_space<vmem>> -> memref<3200xf32, #tpu.memory_space<vmem>>
      tpu.enqueue_dma source(%dma_start3A_460 : memref<3200xf32, #tpu.memory_space<vmem>>) target(%dma_start3A_458 : memref<3200xf32, #tpu.memory_space<hbm>>) target_semaphore(%arg10 : memref<!tpu.dma_semaphore, #tpu.memory_space<semaphore_mem>>)
      %dma_start3A_461 = arith.constant 3200 : i32
      %dma_start3A_462 = tpu.memref_slice %arg6[%dma_start3A_461] : memref<54400xf32, #tpu.memory_space<vmem>> -> memref<3200xf32, #tpu.memory_space<vmem>>
      %dma_start3A_463 = tpu.memref_slice %arg3[%add3A_379] : memref<55705600xf32, #tpu.memory_space<hbm>> -> memref<3200xf32, #tpu.memory_space<hbm>>
      %dma_start3A_464 = tpu.memref_slice %arg3[%add3A_379] : memref<55705600xf32, #tpu.memory_space<hbm>> -> memref<3200xf32, #tpu.memory_space<hbm>>
      %dma_start3A_465 = arith.constant 3200 : i32
      %dma_start3A_466 = tpu.memref_slice %arg6[%dma_start3A_465] : memref<54400xf32, #tpu.memory_space<vmem>> -> memref<3200xf32, #tpu.memory_space<vmem>>
      tpu.enqueue_dma source(%dma_start3A_466 : memref<3200xf32, #tpu.memory_space<vmem>>) target(%dma_start3A_464 : memref<3200xf32, #tpu.memory_space<hbm>>) target_semaphore(%arg10 : memref<!tpu.dma_semaphore, #tpu.memory_space<semaphore_mem>>)
      %dma_start3A_467 = arith.constant 6400 : i32
      %dma_start3A_468 = tpu.memref_slice %arg6[%dma_start3A_467] : memref<54400xf32, #tpu.memory_space<vmem>> -> memref<3200xf32, #tpu.memory_space<vmem>>
      %dma_start3A_469 = tpu.memref_slice %arg3[%add3A_384] : memref<55705600xf32, #tpu.memory_space<hbm>> -> memref<3200xf32, #tpu.memory_space<hbm>>
      %dma_start3A_470 = tpu.memref_slice %arg3[%add3A_384] : memref<55705600xf32, #tpu.memory_space<hbm>> -> memref<3200xf32, #tpu.memory_space<hbm>>
      %dma_start3A_471 = arith.constant 6400 : i32
      %dma_start3A_472 = tpu.memref_slice %arg6[%dma_start3A_471] : memref<54400xf32, #tpu.memory_space<vmem>> -> memref<3200xf32, #tpu.memory_space<vmem>>
      tpu.enqueue_dma source(%dma_start3A_472 : memref<3200xf32, #tpu.memory_space<vmem>>) target(%dma_start3A_470 : memref<3200xf32, #tpu.memory_space<hbm>>) target_semaphore(%arg10 : memref<!tpu.dma_semaphore, #tpu.memory_space<semaphore_mem>>)
      %dma_start3A_473 = arith.constant 9600 : i32
      %dma_start3A_474 = tpu.memref_slice %arg6[%dma_start3A_473] : memref<54400xf32, #tpu.memory_space<vmem>> -> memref<3200xf32, #tpu.memory_space<vmem>>
      %dma_start3A_475 = tpu.memref_slice %arg3[%add3A_389] : memref<55705600xf32, #tpu.memory_space<hbm>> -> memref<3200xf32, #tpu.memory_space<hbm>>
      %dma_start3A_476 = tpu.memref_slice %arg3[%add3A_389] : memref<55705600xf32, #tpu.memory_space<hbm>> -> memref<3200xf32, #tpu.memory_space<hbm>>
      %dma_start3A_477 = arith.constant 9600 : i32
      %dma_start3A_478 = tpu.memref_slice %arg6[%dma_start3A_477] : memref<54400xf32, #tpu.memory_space<vmem>> -> memref<3200xf32, #tpu.memory_space<vmem>>
      tpu.enqueue_dma source(%dma_start3A_478 : memref<3200xf32, #tpu.memory_space<vmem>>) target(%dma_start3A_476 : memref<3200xf32, #tpu.memory_space<hbm>>) target_semaphore(%arg10 : memref<!tpu.dma_semaphore, #tpu.memory_space<semaphore_mem>>)
      %dma_start3A_479 = arith.constant 12800 : i32
      %dma_start3A_480 = tpu.memref_slice %arg6[%dma_start3A_479] : memref<54400xf32, #tpu.memory_space<vmem>> -> memref<3200xf32, #tpu.memory_space<vmem>>
      %dma_start3A_481 = tpu.memref_slice %arg3[%add3A_394] : memref<55705600xf32, #tpu.memory_space<hbm>> -> memref<3200xf32, #tpu.memory_space<hbm>>
      %dma_start3A_482 = tpu.memref_slice %arg3[%add3A_394] : memref<55705600xf32, #tpu.memory_space<hbm>> -> memref<3200xf32, #tpu.memory_space<hbm>>
      %dma_start3A_483 = arith.constant 12800 : i32
      %dma_start3A_484 = tpu.memref_slice %arg6[%dma_start3A_483] : memref<54400xf32, #tpu.memory_space<vmem>> -> memref<3200xf32, #tpu.memory_space<vmem>>
      tpu.enqueue_dma source(%dma_start3A_484 : memref<3200xf32, #tpu.memory_space<vmem>>) target(%dma_start3A_482 : memref<3200xf32, #tpu.memory_space<hbm>>) target_semaphore(%arg10 : memref<!tpu.dma_semaphore, #tpu.memory_space<semaphore_mem>>)
      %dma_start3A_485 = arith.constant 16000 : i32
      %dma_start3A_486 = tpu.memref_slice %arg6[%dma_start3A_485] : memref<54400xf32, #tpu.memory_space<vmem>> -> memref<3200xf32, #tpu.memory_space<vmem>>
      %dma_start3A_487 = tpu.memref_slice %arg3[%add3A_399] : memref<55705600xf32, #tpu.memory_space<hbm>> -> memref<3200xf32, #tpu.memory_space<hbm>>
      %dma_start3A_488 = tpu.memref_slice %arg3[%add3A_399] : memref<55705600xf32, #tpu.memory_space<hbm>> -> memref<3200xf32, #tpu.memory_space<hbm>>
      %dma_start3A_489 = arith.constant 16000 : i32
      %dma_start3A_490 = tpu.memref_slice %arg6[%dma_start3A_489] : memref<54400xf32, #tpu.memory_space<vmem>> -> memref<3200xf32, #tpu.memory_space<vmem>>
      tpu.enqueue_dma source(%dma_start3A_490 : memref<3200xf32, #tpu.memory_space<vmem>>) target(%dma_start3A_488 : memref<3200xf32, #tpu.memory_space<hbm>>) target_semaphore(%arg10 : memref<!tpu.dma_semaphore, #tpu.memory_space<semaphore_mem>>)
      %dma_start3A_491 = arith.constant 19200 : i32
      %dma_start3A_492 = tpu.memref_slice %arg6[%dma_start3A_491] : memref<54400xf32, #tpu.memory_space<vmem>> -> memref<3200xf32, #tpu.memory_space<vmem>>
      %dma_start3A_493 = tpu.memref_slice %arg3[%add3A_404] : memref<55705600xf32, #tpu.memory_space<hbm>> -> memref<3200xf32, #tpu.memory_space<hbm>>
      %dma_start3A_494 = tpu.memref_slice %arg3[%add3A_404] : memref<55705600xf32, #tpu.memory_space<hbm>> -> memref<3200xf32, #tpu.memory_space<hbm>>
      %dma_start3A_495 = arith.constant 19200 : i32
      %dma_start3A_496 = tpu.memref_slice %arg6[%dma_start3A_495] : memref<54400xf32, #tpu.memory_space<vmem>> -> memref<3200xf32, #tpu.memory_space<vmem>>
      tpu.enqueue_dma source(%dma_start3A_496 : memref<3200xf32, #tpu.memory_space<vmem>>) target(%dma_start3A_494 : memref<3200xf32, #tpu.memory_space<hbm>>) target_semaphore(%arg10 : memref<!tpu.dma_semaphore, #tpu.memory_space<semaphore_mem>>)
      %dma_start3A_497 = arith.constant 22400 : i32
      %dma_start3A_498 = tpu.memref_slice %arg6[%dma_start3A_497] : memref<54400xf32, #tpu.memory_space<vmem>> -> memref<3200xf32, #tpu.memory_space<vmem>>
      %dma_start3A_499 = tpu.memref_slice %arg3[%add3A_409] : memref<55705600xf32, #tpu.memory_space<hbm>> -> memref<3200xf32, #tpu.memory_space<hbm>>
      %dma_start3A_500 = tpu.memref_slice %arg3[%add3A_409] : memref<55705600xf32, #tpu.memory_space<hbm>> -> memref<3200xf32, #tpu.memory_space<hbm>>
      %dma_start3A_501 = arith.constant 22400 : i32
      %dma_start3A_502 = tpu.memref_slice %arg6[%dma_start3A_501] : memref<54400xf32, #tpu.memory_space<vmem>> -> memref<3200xf32, #tpu.memory_space<vmem>>
      tpu.enqueue_dma source(%dma_start3A_502 : memref<3200xf32, #tpu.memory_space<vmem>>) target(%dma_start3A_500 : memref<3200xf32, #tpu.memory_space<hbm>>) target_semaphore(%arg10 : memref<!tpu.dma_semaphore, #tpu.memory_space<semaphore_mem>>)
      %dma_start3A_503 = arith.constant 25600 : i32
      %dma_start3A_504 = tpu.memref_slice %arg6[%dma_start3A_503] : memref<54400xf32, #tpu.memory_space<vmem>> -> memref<3200xf32, #tpu.memory_space<vmem>>
      %dma_start3A_505 = tpu.memref_slice %arg3[%add3A_414] : memref<55705600xf32, #tpu.memory_space<hbm>> -> memref<3200xf32, #tpu.memory_space<hbm>>
      %dma_start3A_506 = tpu.memref_slice %arg3[%add3A_414] : memref<55705600xf32, #tpu.memory_space<hbm>> -> memref<3200xf32, #tpu.memory_space<hbm>>
      %dma_start3A_507 = arith.constant 25600 : i32
      %dma_start3A_508 = tpu.memref_slice %arg6[%dma_start3A_507] : memref<54400xf32, #tpu.memory_space<vmem>> -> memref<3200xf32, #tpu.memory_space<vmem>>
      tpu.enqueue_dma source(%dma_start3A_508 : memref<3200xf32, #tpu.memory_space<vmem>>) target(%dma_start3A_506 : memref<3200xf32, #tpu.memory_space<hbm>>) target_semaphore(%arg10 : memref<!tpu.dma_semaphore, #tpu.memory_space<semaphore_mem>>)
      %dma_start3A_509 = arith.constant 28800 : i32
      %dma_start3A_510 = tpu.memref_slice %arg6[%dma_start3A_509] : memref<54400xf32, #tpu.memory_space<vmem>> -> memref<3200xf32, #tpu.memory_space<vmem>>
      %dma_start3A_511 = tpu.memref_slice %arg3[%add3A_419] : memref<55705600xf32, #tpu.memory_space<hbm>> -> memref<3200xf32, #tpu.memory_space<hbm>>
      %dma_start3A_512 = tpu.memref_slice %arg3[%add3A_419] : memref<55705600xf32, #tpu.memory_space<hbm>> -> memref<3200xf32, #tpu.memory_space<hbm>>
      %dma_start3A_513 = arith.constant 28800 : i32
      %dma_start3A_514 = tpu.memref_slice %arg6[%dma_start3A_513] : memref<54400xf32, #tpu.memory_space<vmem>> -> memref<3200xf32, #tpu.memory_space<vmem>>
      tpu.enqueue_dma source(%dma_start3A_514 : memref<3200xf32, #tpu.memory_space<vmem>>) target(%dma_start3A_512 : memref<3200xf32, #tpu.memory_space<hbm>>) target_semaphore(%arg10 : memref<!tpu.dma_semaphore, #tpu.memory_space<semaphore_mem>>)
      %dma_start3A_515 = arith.constant 32000 : i32
      %dma_start3A_516 = tpu.memref_slice %arg6[%dma_start3A_515] : memref<54400xf32, #tpu.memory_space<vmem>> -> memref<3200xf32, #tpu.memory_space<vmem>>
      %dma_start3A_517 = tpu.memref_slice %arg3[%add3A_424] : memref<55705600xf32, #tpu.memory_space<hbm>> -> memref<3200xf32, #tpu.memory_space<hbm>>
      %dma_start3A_518 = tpu.memref_slice %arg3[%add3A_424] : memref<55705600xf32, #tpu.memory_space<hbm>> -> memref<3200xf32, #tpu.memory_space<hbm>>
      %dma_start3A_519 = arith.constant 32000 : i32
      %dma_start3A_520 = tpu.memref_slice %arg6[%dma_start3A_519] : memref<54400xf32, #tpu.memory_space<vmem>> -> memref<3200xf32, #tpu.memory_space<vmem>>
      tpu.enqueue_dma source(%dma_start3A_520 : memref<3200xf32, #tpu.memory_space<vmem>>) target(%dma_start3A_518 : memref<3200xf32, #tpu.memory_space<hbm>>) target_semaphore(%arg10 : memref<!tpu.dma_semaphore, #tpu.memory_space<semaphore_mem>>)
      %dma_start3A_521 = arith.constant 35200 : i32
      %dma_start3A_522 = tpu.memref_slice %arg6[%dma_start3A_521] : memref<54400xf32, #tpu.memory_space<vmem>> -> memref<3200xf32, #tpu.memory_space<vmem>>
      %dma_start3A_523 = tpu.memref_slice %arg3[%add3A_429] : memref<55705600xf32, #tpu.memory_space<hbm>> -> memref<3200xf32, #tpu.memory_space<hbm>>
      %dma_start3A_524 = tpu.memref_slice %arg3[%add3A_429] : memref<55705600xf32, #tpu.memory_space<hbm>> -> memref<3200xf32, #tpu.memory_space<hbm>>
      %dma_start3A_525 = arith.constant 35200 : i32
      %dma_start3A_526 = tpu.memref_slice %arg6[%dma_start3A_525] : memref<54400xf32, #tpu.memory_space<vmem>> -> memref<3200xf32, #tpu.memory_space<vmem>>
      tpu.enqueue_dma source(%dma_start3A_526 : memref<3200xf32, #tpu.memory_space<vmem>>) target(%dma_start3A_524 : memref<3200xf32, #tpu.memory_space<hbm>>) target_semaphore(%arg10 : memref<!tpu.dma_semaphore, #tpu.memory_space<semaphore_mem>>)
      %dma_start3A_527 = arith.constant 38400 : i32
      %dma_start3A_528 = tpu.memref_slice %arg6[%dma_start3A_527] : memref<54400xf32, #tpu.memory_space<vmem>> -> memref<3200xf32, #tpu.memory_space<vmem>>
      %dma_start3A_529 = tpu.memref_slice %arg3[%add3A_434] : memref<55705600xf32, #tpu.memory_space<hbm>> -> memref<3200xf32, #tpu.memory_space<hbm>>
      %dma_start3A_530 = tpu.memref_slice %arg3[%add3A_434] : memref<55705600xf32, #tpu.memory_space<hbm>> -> memref<3200xf32, #tpu.memory_space<hbm>>
      %dma_start3A_531 = arith.constant 38400 : i32
      %dma_start3A_532 = tpu.memref_slice %arg6[%dma_start3A_531] : memref<54400xf32, #tpu.memory_space<vmem>> -> memref<3200xf32, #tpu.memory_space<vmem>>
      tpu.enqueue_dma source(%dma_start3A_532 : memref<3200xf32, #tpu.memory_space<vmem>>) target(%dma_start3A_530 : memref<3200xf32, #tpu.memory_space<hbm>>) target_semaphore(%arg10 : memref<!tpu.dma_semaphore, #tpu.memory_space<semaphore_mem>>)
      %dma_start3A_533 = arith.constant 41600 : i32
      %dma_start3A_534 = tpu.memref_slice %arg6[%dma_start3A_533] : memref<54400xf32, #tpu.memory_space<vmem>> -> memref<3200xf32, #tpu.memory_space<vmem>>
      %dma_start3A_535 = tpu.memref_slice %arg3[%add3A_439] : memref<55705600xf32, #tpu.memory_space<hbm>> -> memref<3200xf32, #tpu.memory_space<hbm>>
      %dma_start3A_536 = tpu.memref_slice %arg3[%add3A_439] : memref<55705600xf32, #tpu.memory_space<hbm>> -> memref<3200xf32, #tpu.memory_space<hbm>>
      %dma_start3A_537 = arith.constant 41600 : i32
      %dma_start3A_538 = tpu.memref_slice %arg6[%dma_start3A_537] : memref<54400xf32, #tpu.memory_space<vmem>> -> memref<3200xf32, #tpu.memory_space<vmem>>
      tpu.enqueue_dma source(%dma_start3A_538 : memref<3200xf32, #tpu.memory_space<vmem>>) target(%dma_start3A_536 : memref<3200xf32, #tpu.memory_space<hbm>>) target_semaphore(%arg10 : memref<!tpu.dma_semaphore, #tpu.memory_space<semaphore_mem>>)
      %dma_start3A_539 = arith.constant 44800 : i32
      %dma_start3A_540 = tpu.memref_slice %arg6[%dma_start3A_539] : memref<54400xf32, #tpu.memory_space<vmem>> -> memref<3200xf32, #tpu.memory_space<vmem>>
      %dma_start3A_541 = tpu.memref_slice %arg3[%add3A_444] : memref<55705600xf32, #tpu.memory_space<hbm>> -> memref<3200xf32, #tpu.memory_space<hbm>>
      %dma_start3A_542 = tpu.memref_slice %arg3[%add3A_444] : memref<55705600xf32, #tpu.memory_space<hbm>> -> memref<3200xf32, #tpu.memory_space<hbm>>
      %dma_start3A_543 = arith.constant 44800 : i32
      %dma_start3A_544 = tpu.memref_slice %arg6[%dma_start3A_543] : memref<54400xf32, #tpu.memory_space<vmem>> -> memref<3200xf32, #tpu.memory_space<vmem>>
      tpu.enqueue_dma source(%dma_start3A_544 : memref<3200xf32, #tpu.memory_space<vmem>>) target(%dma_start3A_542 : memref<3200xf32, #tpu.memory_space<hbm>>) target_semaphore(%arg10 : memref<!tpu.dma_semaphore, #tpu.memory_space<semaphore_mem>>)
      %dma_start3A_545 = arith.constant 48000 : i32
      %dma_start3A_546 = tpu.memref_slice %arg6[%dma_start3A_545] : memref<54400xf32, #tpu.memory_space<vmem>> -> memref<3200xf32, #tpu.memory_space<vmem>>
      %dma_start3A_547 = tpu.memref_slice %arg3[%add3A_449] : memref<55705600xf32, #tpu.memory_space<hbm>> -> memref<3200xf32, #tpu.memory_space<hbm>>
      %dma_start3A_548 = tpu.memref_slice %arg3[%add3A_449] : memref<55705600xf32, #tpu.memory_space<hbm>> -> memref<3200xf32, #tpu.memory_space<hbm>>
      %dma_start3A_549 = arith.constant 48000 : i32
      %dma_start3A_550 = tpu.memref_slice %arg6[%dma_start3A_549] : memref<54400xf32, #tpu.memory_space<vmem>> -> memref<3200xf32, #tpu.memory_space<vmem>>
      tpu.enqueue_dma source(%dma_start3A_550 : memref<3200xf32, #tpu.memory_space<vmem>>) target(%dma_start3A_548 : memref<3200xf32, #tpu.memory_space<hbm>>) target_semaphore(%arg10 : memref<!tpu.dma_semaphore, #tpu.memory_space<semaphore_mem>>)
      %dma_start3A_551 = arith.constant 51200 : i32
      %dma_start3A_552 = tpu.memref_slice %arg6[%dma_start3A_551] : memref<54400xf32, #tpu.memory_space<vmem>> -> memref<3200xf32, #tpu.memory_space<vmem>>
      %dma_start3A_553 = tpu.memref_slice %arg3[%add3A_454] : memref<55705600xf32, #tpu.memory_space<hbm>> -> memref<3200xf32, #tpu.memory_space<hbm>>
      %dma_start3A_554 = tpu.memref_slice %arg3[%add3A_454] : memref<55705600xf32, #tpu.memory_space<hbm>> -> memref<3200xf32, #tpu.memory_space<hbm>>
      %dma_start3A_555 = arith.constant 51200 : i32
      %dma_start3A_556 = tpu.memref_slice %arg6[%dma_start3A_555] : memref<54400xf32, #tpu.memory_space<vmem>> -> memref<3200xf32, #tpu.memory_space<vmem>>
      tpu.enqueue_dma source(%dma_start3A_556 : memref<3200xf32, #tpu.memory_space<vmem>>) target(%dma_start3A_554 : memref<3200xf32, #tpu.memory_space<hbm>>) target_semaphore(%arg10 : memref<!tpu.dma_semaphore, #tpu.memory_space<semaphore_mem>>)
      %lt3A = arith.constant 15 : i32
      %lt3A_557 = arith.cmpi slt, %scan3A_354, %lt3A : i32
      %convert_element_type3A_558 = arith.extui %lt3A_557 : i1 to i32
      %cond3A_559 = arith.constant 0 : i32
      %cond3A_560 = arith.cmpi ne, %convert_element_type3A_558, %cond3A_559 : i32
      scf.if %cond3A_560 {
        %add3A_766 = arith.constant 2 : i32
        %add3A_767 = arith.addi %mul3A_356, %add3A_766 : i32
        %mul3A_768 = arith.constant 3200 : i32
        %mul3A_769 = arith.muli %add3A_767, %mul3A_768 : i32
        %add3A_770 = arith.addi %mul3A_2, %mul3A_769 : i32
        %dma_start3A_771 = tpu.memref_slice %arg2[%add3A_770] : memref<3276800xi32, #tpu.memory_space<hbm>> -> memref<3200xi32, #tpu.memory_space<hbm>>
        %dma_start3A_772 = tpu.memref_slice %arg2[%add3A_770] : memref<3276800xi32, #tpu.memory_space<hbm>> -> memref<3200xi32, #tpu.memory_space<hbm>>
        tpu.enqueue_dma source(%dma_start3A_772 : memref<3200xi32, #tpu.memory_space<hbm>>) target(%arg4 : memref<3200xi32, #tpu.memory_space<vmem>>) target_semaphore(%arg8 : memref<!tpu.dma_semaphore, #tpu.memory_space<semaphore_mem>>)
      } else {
      }
      %mul3A_561 = arith.constant 3200 : i32
      %mul3A_562 = arith.muli %add3A_360, %mul3A_561 : i32
      %add3A_563 = arith.addi %mul3A_2, %mul3A_562 : i32
      %dma_wait3A_564 = tpu.memref_slice %arg2[%add3A_563] : memref<3276800xi32, #tpu.memory_space<hbm>> -> memref<3200xi32, #tpu.memory_space<hbm>>
      %dma_wait3A_565 = tpu.memref_slice %arg2[%add3A_563] : memref<3276800xi32, #tpu.memory_space<hbm>> -> memref<3200xi32, #tpu.memory_space<hbm>>
      tpu.wait_dma2 semaphore(%arg9 : memref<!tpu.dma_semaphore, #tpu.memory_space<semaphore_mem>>) src(%dma_wait3A_565 : memref<3200xi32, #tpu.memory_space<hbm>>) dst(%arg5 : memref<3200xi32, #tpu.memory_space<vmem>>)
      %gt3A_566 = arith.constant 0 : i32
      %gt3A_567 = arith.cmpi sgt, %scan3A_354, %gt3A_566 : i32
      %convert_element_type3A_568 = arith.extui %gt3A_567 : i1 to i32
      %cond3A_569 = arith.constant 0 : i32
      %cond3A_570 = arith.cmpi ne, %convert_element_type3A_568, %cond3A_569 : i32
      scf.if %cond3A_570 {
        %add3A_766 = arith.constant 0 : i32
        %add3A_767 = arith.addi %add3A_766, %mul3A_2 : i32
        %mul3A_768 = arith.constant 3200 : i32
        %mul3A_769 = arith.muli %add3A_360, %mul3A_768 : i32
        %add3A_770 = arith.addi %add3A_767, %mul3A_769 : i32
        %add3A_771 = arith.constant 3276800 : i32
        %add3A_772 = arith.addi %add3A_771, %mul3A_2 : i32
        %mul3A_773 = arith.constant 3200 : i32
        %mul3A_774 = arith.muli %add3A_360, %mul3A_773 : i32
        %add3A_775 = arith.addi %add3A_772, %mul3A_774 : i32
        %add3A_776 = arith.constant 6553600 : i32
        %add3A_777 = arith.addi %add3A_776, %mul3A_2 : i32
        %mul3A_778 = arith.constant 3200 : i32
        %mul3A_779 = arith.muli %add3A_360, %mul3A_778 : i32
        %add3A_780 = arith.addi %add3A_777, %mul3A_779 : i32
        %add3A_781 = arith.constant 9830400 : i32
        %add3A_782 = arith.addi %add3A_781, %mul3A_2 : i32
        %mul3A_783 = arith.constant 3200 : i32
        %mul3A_784 = arith.muli %add3A_360, %mul3A_783 : i32
        %add3A_785 = arith.addi %add3A_782, %mul3A_784 : i32
        %add3A_786 = arith.constant 13107200 : i32
        %add3A_787 = arith.addi %add3A_786, %mul3A_2 : i32
        %mul3A_788 = arith.constant 3200 : i32
        %mul3A_789 = arith.muli %add3A_360, %mul3A_788 : i32
        %add3A_790 = arith.addi %add3A_787, %mul3A_789 : i32
        %add3A_791 = arith.constant 16384000 : i32
        %add3A_792 = arith.addi %add3A_791, %mul3A_2 : i32
        %mul3A_793 = arith.constant 3200 : i32
        %mul3A_794 = arith.muli %add3A_360, %mul3A_793 : i32
        %add3A_795 = arith.addi %add3A_792, %mul3A_794 : i32
        %add3A_796 = arith.constant 19660800 : i32
        %add3A_797 = arith.addi %add3A_796, %mul3A_2 : i32
        %mul3A_798 = arith.constant 3200 : i32
        %mul3A_799 = arith.muli %add3A_360, %mul3A_798 : i32
        %add3A_800 = arith.addi %add3A_797, %mul3A_799 : i32
        %add3A_801 = arith.constant 22937600 : i32
        %add3A_802 = arith.addi %add3A_801, %mul3A_2 : i32
        %mul3A_803 = arith.constant 3200 : i32
        %mul3A_804 = arith.muli %add3A_360, %mul3A_803 : i32
        %add3A_805 = arith.addi %add3A_802, %mul3A_804 : i32
        %add3A_806 = arith.constant 26214400 : i32
        %add3A_807 = arith.addi %add3A_806, %mul3A_2 : i32
        %mul3A_808 = arith.constant 3200 : i32
        %mul3A_809 = arith.muli %add3A_360, %mul3A_808 : i32
        %add3A_810 = arith.addi %add3A_807, %mul3A_809 : i32
        %add3A_811 = arith.constant 29491200 : i32
        %add3A_812 = arith.addi %add3A_811, %mul3A_2 : i32
        %mul3A_813 = arith.constant 3200 : i32
        %mul3A_814 = arith.muli %add3A_360, %mul3A_813 : i32
        %add3A_815 = arith.addi %add3A_812, %mul3A_814 : i32
        %add3A_816 = arith.constant 32768000 : i32
        %add3A_817 = arith.addi %add3A_816, %mul3A_2 : i32
        %mul3A_818 = arith.constant 3200 : i32
        %mul3A_819 = arith.muli %add3A_360, %mul3A_818 : i32
        %add3A_820 = arith.addi %add3A_817, %mul3A_819 : i32
        %add3A_821 = arith.constant 36044800 : i32
        %add3A_822 = arith.addi %add3A_821, %mul3A_2 : i32
        %mul3A_823 = arith.constant 3200 : i32
        %mul3A_824 = arith.muli %add3A_360, %mul3A_823 : i32
        %add3A_825 = arith.addi %add3A_822, %mul3A_824 : i32
        %add3A_826 = arith.constant 39321600 : i32
        %add3A_827 = arith.addi %add3A_826, %mul3A_2 : i32
        %mul3A_828 = arith.constant 3200 : i32
        %mul3A_829 = arith.muli %add3A_360, %mul3A_828 : i32
        %add3A_830 = arith.addi %add3A_827, %mul3A_829 : i32
        %add3A_831 = arith.constant 42598400 : i32
        %add3A_832 = arith.addi %add3A_831, %mul3A_2 : i32
        %mul3A_833 = arith.constant 3200 : i32
        %mul3A_834 = arith.muli %add3A_360, %mul3A_833 : i32
        %add3A_835 = arith.addi %add3A_832, %mul3A_834 : i32
        %add3A_836 = arith.constant 45875200 : i32
        %add3A_837 = arith.addi %add3A_836, %mul3A_2 : i32
        %mul3A_838 = arith.constant 3200 : i32
        %mul3A_839 = arith.muli %add3A_360, %mul3A_838 : i32
        %add3A_840 = arith.addi %add3A_837, %mul3A_839 : i32
        %add3A_841 = arith.constant 49152000 : i32
        %add3A_842 = arith.addi %add3A_841, %mul3A_2 : i32
        %mul3A_843 = arith.constant 3200 : i32
        %mul3A_844 = arith.muli %add3A_360, %mul3A_843 : i32
        %add3A_845 = arith.addi %add3A_842, %mul3A_844 : i32
        %add3A_846 = arith.constant 52428800 : i32
        %add3A_847 = arith.addi %add3A_846, %mul3A_2 : i32
        %mul3A_848 = arith.constant 3200 : i32
        %mul3A_849 = arith.muli %add3A_360, %mul3A_848 : i32
        %add3A_850 = arith.addi %add3A_847, %mul3A_849 : i32
        %dma_wait3A_851 = arith.constant 0 : i32
        %dma_wait3A_852 = tpu.memref_slice %arg7[%dma_wait3A_851] : memref<54400xf32, #tpu.memory_space<vmem>> -> memref<3200xf32, #tpu.memory_space<vmem>>
        %dma_wait3A_853 = tpu.memref_slice %arg3[%add3A_770] : memref<55705600xf32, #tpu.memory_space<hbm>> -> memref<3200xf32, #tpu.memory_space<hbm>>
        %dma_wait3A_854 = tpu.memref_slice %arg3[%add3A_770] : memref<55705600xf32, #tpu.memory_space<hbm>> -> memref<3200xf32, #tpu.memory_space<hbm>>
        %dma_wait3A_855 = arith.constant 0 : i32
        %dma_wait3A_856 = tpu.memref_slice %arg7[%dma_wait3A_855] : memref<54400xf32, #tpu.memory_space<vmem>> -> memref<3200xf32, #tpu.memory_space<vmem>>
        tpu.wait_dma2 semaphore(%arg11 : memref<!tpu.dma_semaphore, #tpu.memory_space<semaphore_mem>>) src(%dma_wait3A_856 : memref<3200xf32, #tpu.memory_space<vmem>>) dst(%dma_wait3A_854 : memref<3200xf32, #tpu.memory_space<hbm>>)
        %dma_wait3A_857 = arith.constant 3200 : i32
        %dma_wait3A_858 = tpu.memref_slice %arg7[%dma_wait3A_857] : memref<54400xf32, #tpu.memory_space<vmem>> -> memref<3200xf32, #tpu.memory_space<vmem>>
        %dma_wait3A_859 = tpu.memref_slice %arg3[%add3A_775] : memref<55705600xf32, #tpu.memory_space<hbm>> -> memref<3200xf32, #tpu.memory_space<hbm>>
        %dma_wait3A_860 = tpu.memref_slice %arg3[%add3A_775] : memref<55705600xf32, #tpu.memory_space<hbm>> -> memref<3200xf32, #tpu.memory_space<hbm>>
        %dma_wait3A_861 = arith.constant 3200 : i32
        %dma_wait3A_862 = tpu.memref_slice %arg7[%dma_wait3A_861] : memref<54400xf32, #tpu.memory_space<vmem>> -> memref<3200xf32, #tpu.memory_space<vmem>>
        tpu.wait_dma2 semaphore(%arg11 : memref<!tpu.dma_semaphore, #tpu.memory_space<semaphore_mem>>) src(%dma_wait3A_862 : memref<3200xf32, #tpu.memory_space<vmem>>) dst(%dma_wait3A_860 : memref<3200xf32, #tpu.memory_space<hbm>>)
        %dma_wait3A_863 = arith.constant 6400 : i32
        %dma_wait3A_864 = tpu.memref_slice %arg7[%dma_wait3A_863] : memref<54400xf32, #tpu.memory_space<vmem>> -> memref<3200xf32, #tpu.memory_space<vmem>>
        %dma_wait3A_865 = tpu.memref_slice %arg3[%add3A_780] : memref<55705600xf32, #tpu.memory_space<hbm>> -> memref<3200xf32, #tpu.memory_space<hbm>>
        %dma_wait3A_866 = tpu.memref_slice %arg3[%add3A_780] : memref<55705600xf32, #tpu.memory_space<hbm>> -> memref<3200xf32, #tpu.memory_space<hbm>>
        %dma_wait3A_867 = arith.constant 6400 : i32
        %dma_wait3A_868 = tpu.memref_slice %arg7[%dma_wait3A_867] : memref<54400xf32, #tpu.memory_space<vmem>> -> memref<3200xf32, #tpu.memory_space<vmem>>
        tpu.wait_dma2 semaphore(%arg11 : memref<!tpu.dma_semaphore, #tpu.memory_space<semaphore_mem>>) src(%dma_wait3A_868 : memref<3200xf32, #tpu.memory_space<vmem>>) dst(%dma_wait3A_866 : memref<3200xf32, #tpu.memory_space<hbm>>)
        %dma_wait3A_869 = arith.constant 9600 : i32
        %dma_wait3A_870 = tpu.memref_slice %arg7[%dma_wait3A_869] : memref<54400xf32, #tpu.memory_space<vmem>> -> memref<3200xf32, #tpu.memory_space<vmem>>
        %dma_wait3A_871 = tpu.memref_slice %arg3[%add3A_785] : memref<55705600xf32, #tpu.memory_space<hbm>> -> memref<3200xf32, #tpu.memory_space<hbm>>
        %dma_wait3A_872 = tpu.memref_slice %arg3[%add3A_785] : memref<55705600xf32, #tpu.memory_space<hbm>> -> memref<3200xf32, #tpu.memory_space<hbm>>
        %dma_wait3A_873 = arith.constant 9600 : i32
        %dma_wait3A_874 = tpu.memref_slice %arg7[%dma_wait3A_873] : memref<54400xf32, #tpu.memory_space<vmem>> -> memref<3200xf32, #tpu.memory_space<vmem>>
        tpu.wait_dma2 semaphore(%arg11 : memref<!tpu.dma_semaphore, #tpu.memory_space<semaphore_mem>>) src(%dma_wait3A_874 : memref<3200xf32, #tpu.memory_space<vmem>>) dst(%dma_wait3A_872 : memref<3200xf32, #tpu.memory_space<hbm>>)
        %dma_wait3A_875 = arith.constant 12800 : i32
        %dma_wait3A_876 = tpu.memref_slice %arg7[%dma_wait3A_875] : memref<54400xf32, #tpu.memory_space<vmem>> -> memref<3200xf32, #tpu.memory_space<vmem>>
        %dma_wait3A_877 = tpu.memref_slice %arg3[%add3A_790] : memref<55705600xf32, #tpu.memory_space<hbm>> -> memref<3200xf32, #tpu.memory_space<hbm>>
        %dma_wait3A_878 = tpu.memref_slice %arg3[%add3A_790] : memref<55705600xf32, #tpu.memory_space<hbm>> -> memref<3200xf32, #tpu.memory_space<hbm>>
        %dma_wait3A_879 = arith.constant 12800 : i32
        %dma_wait3A_880 = tpu.memref_slice %arg7[%dma_wait3A_879] : memref<54400xf32, #tpu.memory_space<vmem>> -> memref<3200xf32, #tpu.memory_space<vmem>>
        tpu.wait_dma2 semaphore(%arg11 : memref<!tpu.dma_semaphore, #tpu.memory_space<semaphore_mem>>) src(%dma_wait3A_880 : memref<3200xf32, #tpu.memory_space<vmem>>) dst(%dma_wait3A_878 : memref<3200xf32, #tpu.memory_space<hbm>>)
        %dma_wait3A_881 = arith.constant 16000 : i32
        %dma_wait3A_882 = tpu.memref_slice %arg7[%dma_wait3A_881] : memref<54400xf32, #tpu.memory_space<vmem>> -> memref<3200xf32, #tpu.memory_space<vmem>>
        %dma_wait3A_883 = tpu.memref_slice %arg3[%add3A_795] : memref<55705600xf32, #tpu.memory_space<hbm>> -> memref<3200xf32, #tpu.memory_space<hbm>>
        %dma_wait3A_884 = tpu.memref_slice %arg3[%add3A_795] : memref<55705600xf32, #tpu.memory_space<hbm>> -> memref<3200xf32, #tpu.memory_space<hbm>>
        %dma_wait3A_885 = arith.constant 16000 : i32
        %dma_wait3A_886 = tpu.memref_slice %arg7[%dma_wait3A_885] : memref<54400xf32, #tpu.memory_space<vmem>> -> memref<3200xf32, #tpu.memory_space<vmem>>
        tpu.wait_dma2 semaphore(%arg11 : memref<!tpu.dma_semaphore, #tpu.memory_space<semaphore_mem>>) src(%dma_wait3A_886 : memref<3200xf32, #tpu.memory_space<vmem>>) dst(%dma_wait3A_884 : memref<3200xf32, #tpu.memory_space<hbm>>)
        %dma_wait3A_887 = arith.constant 19200 : i32
        %dma_wait3A_888 = tpu.memref_slice %arg7[%dma_wait3A_887] : memref<54400xf32, #tpu.memory_space<vmem>> -> memref<3200xf32, #tpu.memory_space<vmem>>
        %dma_wait3A_889 = tpu.memref_slice %arg3[%add3A_800] : memref<55705600xf32, #tpu.memory_space<hbm>> -> memref<3200xf32, #tpu.memory_space<hbm>>
        %dma_wait3A_890 = tpu.memref_slice %arg3[%add3A_800] : memref<55705600xf32, #tpu.memory_space<hbm>> -> memref<3200xf32, #tpu.memory_space<hbm>>
        %dma_wait3A_891 = arith.constant 19200 : i32
        %dma_wait3A_892 = tpu.memref_slice %arg7[%dma_wait3A_891] : memref<54400xf32, #tpu.memory_space<vmem>> -> memref<3200xf32, #tpu.memory_space<vmem>>
        tpu.wait_dma2 semaphore(%arg11 : memref<!tpu.dma_semaphore, #tpu.memory_space<semaphore_mem>>) src(%dma_wait3A_892 : memref<3200xf32, #tpu.memory_space<vmem>>) dst(%dma_wait3A_890 : memref<3200xf32, #tpu.memory_space<hbm>>)
        %dma_wait3A_893 = arith.constant 22400 : i32
        %dma_wait3A_894 = tpu.memref_slice %arg7[%dma_wait3A_893] : memref<54400xf32, #tpu.memory_space<vmem>> -> memref<3200xf32, #tpu.memory_space<vmem>>
        %dma_wait3A_895 = tpu.memref_slice %arg3[%add3A_805] : memref<55705600xf32, #tpu.memory_space<hbm>> -> memref<3200xf32, #tpu.memory_space<hbm>>
        %dma_wait3A_896 = tpu.memref_slice %arg3[%add3A_805] : memref<55705600xf32, #tpu.memory_space<hbm>> -> memref<3200xf32, #tpu.memory_space<hbm>>
        %dma_wait3A_897 = arith.constant 22400 : i32
        %dma_wait3A_898 = tpu.memref_slice %arg7[%dma_wait3A_897] : memref<54400xf32, #tpu.memory_space<vmem>> -> memref<3200xf32, #tpu.memory_space<vmem>>
        tpu.wait_dma2 semaphore(%arg11 : memref<!tpu.dma_semaphore, #tpu.memory_space<semaphore_mem>>) src(%dma_wait3A_898 : memref<3200xf32, #tpu.memory_space<vmem>>) dst(%dma_wait3A_896 : memref<3200xf32, #tpu.memory_space<hbm>>)
        %dma_wait3A_899 = arith.constant 25600 : i32
        %dma_wait3A_900 = tpu.memref_slice %arg7[%dma_wait3A_899] : memref<54400xf32, #tpu.memory_space<vmem>> -> memref<3200xf32, #tpu.memory_space<vmem>>
        %dma_wait3A_901 = tpu.memref_slice %arg3[%add3A_810] : memref<55705600xf32, #tpu.memory_space<hbm>> -> memref<3200xf32, #tpu.memory_space<hbm>>
        %dma_wait3A_902 = tpu.memref_slice %arg3[%add3A_810] : memref<55705600xf32, #tpu.memory_space<hbm>> -> memref<3200xf32, #tpu.memory_space<hbm>>
        %dma_wait3A_903 = arith.constant 25600 : i32
        %dma_wait3A_904 = tpu.memref_slice %arg7[%dma_wait3A_903] : memref<54400xf32, #tpu.memory_space<vmem>> -> memref<3200xf32, #tpu.memory_space<vmem>>
        tpu.wait_dma2 semaphore(%arg11 : memref<!tpu.dma_semaphore, #tpu.memory_space<semaphore_mem>>) src(%dma_wait3A_904 : memref<3200xf32, #tpu.memory_space<vmem>>) dst(%dma_wait3A_902 : memref<3200xf32, #tpu.memory_space<hbm>>)
        %dma_wait3A_905 = arith.constant 28800 : i32
        %dma_wait3A_906 = tpu.memref_slice %arg7[%dma_wait3A_905] : memref<54400xf32, #tpu.memory_space<vmem>> -> memref<3200xf32, #tpu.memory_space<vmem>>
        %dma_wait3A_907 = tpu.memref_slice %arg3[%add3A_815] : memref<55705600xf32, #tpu.memory_space<hbm>> -> memref<3200xf32, #tpu.memory_space<hbm>>
        %dma_wait3A_908 = tpu.memref_slice %arg3[%add3A_815] : memref<55705600xf32, #tpu.memory_space<hbm>> -> memref<3200xf32, #tpu.memory_space<hbm>>
        %dma_wait3A_909 = arith.constant 28800 : i32
        %dma_wait3A_910 = tpu.memref_slice %arg7[%dma_wait3A_909] : memref<54400xf32, #tpu.memory_space<vmem>> -> memref<3200xf32, #tpu.memory_space<vmem>>
        tpu.wait_dma2 semaphore(%arg11 : memref<!tpu.dma_semaphore, #tpu.memory_space<semaphore_mem>>) src(%dma_wait3A_910 : memref<3200xf32, #tpu.memory_space<vmem>>) dst(%dma_wait3A_908 : memref<3200xf32, #tpu.memory_space<hbm>>)
        %dma_wait3A_911 = arith.constant 32000 : i32
        %dma_wait3A_912 = tpu.memref_slice %arg7[%dma_wait3A_911] : memref<54400xf32, #tpu.memory_space<vmem>> -> memref<3200xf32, #tpu.memory_space<vmem>>
        %dma_wait3A_913 = tpu.memref_slice %arg3[%add3A_820] : memref<55705600xf32, #tpu.memory_space<hbm>> -> memref<3200xf32, #tpu.memory_space<hbm>>
        %dma_wait3A_914 = tpu.memref_slice %arg3[%add3A_820] : memref<55705600xf32, #tpu.memory_space<hbm>> -> memref<3200xf32, #tpu.memory_space<hbm>>
        %dma_wait3A_915 = arith.constant 32000 : i32
        %dma_wait3A_916 = tpu.memref_slice %arg7[%dma_wait3A_915] : memref<54400xf32, #tpu.memory_space<vmem>> -> memref<3200xf32, #tpu.memory_space<vmem>>
        tpu.wait_dma2 semaphore(%arg11 : memref<!tpu.dma_semaphore, #tpu.memory_space<semaphore_mem>>) src(%dma_wait3A_916 : memref<3200xf32, #tpu.memory_space<vmem>>) dst(%dma_wait3A_914 : memref<3200xf32, #tpu.memory_space<hbm>>)
        %dma_wait3A_917 = arith.constant 35200 : i32
        %dma_wait3A_918 = tpu.memref_slice %arg7[%dma_wait3A_917] : memref<54400xf32, #tpu.memory_space<vmem>> -> memref<3200xf32, #tpu.memory_space<vmem>>
        %dma_wait3A_919 = tpu.memref_slice %arg3[%add3A_825] : memref<55705600xf32, #tpu.memory_space<hbm>> -> memref<3200xf32, #tpu.memory_space<hbm>>
        %dma_wait3A_920 = tpu.memref_slice %arg3[%add3A_825] : memref<55705600xf32, #tpu.memory_space<hbm>> -> memref<3200xf32, #tpu.memory_space<hbm>>
        %dma_wait3A_921 = arith.constant 35200 : i32
        %dma_wait3A_922 = tpu.memref_slice %arg7[%dma_wait3A_921] : memref<54400xf32, #tpu.memory_space<vmem>> -> memref<3200xf32, #tpu.memory_space<vmem>>
        tpu.wait_dma2 semaphore(%arg11 : memref<!tpu.dma_semaphore, #tpu.memory_space<semaphore_mem>>) src(%dma_wait3A_922 : memref<3200xf32, #tpu.memory_space<vmem>>) dst(%dma_wait3A_920 : memref<3200xf32, #tpu.memory_space<hbm>>)
        %dma_wait3A_923 = arith.constant 38400 : i32
        %dma_wait3A_924 = tpu.memref_slice %arg7[%dma_wait3A_923] : memref<54400xf32, #tpu.memory_space<vmem>> -> memref<3200xf32, #tpu.memory_space<vmem>>
        %dma_wait3A_925 = tpu.memref_slice %arg3[%add3A_830] : memref<55705600xf32, #tpu.memory_space<hbm>> -> memref<3200xf32, #tpu.memory_space<hbm>>
        %dma_wait3A_926 = tpu.memref_slice %arg3[%add3A_830] : memref<55705600xf32, #tpu.memory_space<hbm>> -> memref<3200xf32, #tpu.memory_space<hbm>>
        %dma_wait3A_927 = arith.constant 38400 : i32
        %dma_wait3A_928 = tpu.memref_slice %arg7[%dma_wait3A_927] : memref<54400xf32, #tpu.memory_space<vmem>> -> memref<3200xf32, #tpu.memory_space<vmem>>
        tpu.wait_dma2 semaphore(%arg11 : memref<!tpu.dma_semaphore, #tpu.memory_space<semaphore_mem>>) src(%dma_wait3A_928 : memref<3200xf32, #tpu.memory_space<vmem>>) dst(%dma_wait3A_926 : memref<3200xf32, #tpu.memory_space<hbm>>)
        %dma_wait3A_929 = arith.constant 41600 : i32
        %dma_wait3A_930 = tpu.memref_slice %arg7[%dma_wait3A_929] : memref<54400xf32, #tpu.memory_space<vmem>> -> memref<3200xf32, #tpu.memory_space<vmem>>
        %dma_wait3A_931 = tpu.memref_slice %arg3[%add3A_835] : memref<55705600xf32, #tpu.memory_space<hbm>> -> memref<3200xf32, #tpu.memory_space<hbm>>
        %dma_wait3A_932 = tpu.memref_slice %arg3[%add3A_835] : memref<55705600xf32, #tpu.memory_space<hbm>> -> memref<3200xf32, #tpu.memory_space<hbm>>
        %dma_wait3A_933 = arith.constant 41600 : i32
        %dma_wait3A_934 = tpu.memref_slice %arg7[%dma_wait3A_933] : memref<54400xf32, #tpu.memory_space<vmem>> -> memref<3200xf32, #tpu.memory_space<vmem>>
        tpu.wait_dma2 semaphore(%arg11 : memref<!tpu.dma_semaphore, #tpu.memory_space<semaphore_mem>>) src(%dma_wait3A_934 : memref<3200xf32, #tpu.memory_space<vmem>>) dst(%dma_wait3A_932 : memref<3200xf32, #tpu.memory_space<hbm>>)
        %dma_wait3A_935 = arith.constant 44800 : i32
        %dma_wait3A_936 = tpu.memref_slice %arg7[%dma_wait3A_935] : memref<54400xf32, #tpu.memory_space<vmem>> -> memref<3200xf32, #tpu.memory_space<vmem>>
        %dma_wait3A_937 = tpu.memref_slice %arg3[%add3A_840] : memref<55705600xf32, #tpu.memory_space<hbm>> -> memref<3200xf32, #tpu.memory_space<hbm>>
        %dma_wait3A_938 = tpu.memref_slice %arg3[%add3A_840] : memref<55705600xf32, #tpu.memory_space<hbm>> -> memref<3200xf32, #tpu.memory_space<hbm>>
        %dma_wait3A_939 = arith.constant 44800 : i32
        %dma_wait3A_940 = tpu.memref_slice %arg7[%dma_wait3A_939] : memref<54400xf32, #tpu.memory_space<vmem>> -> memref<3200xf32, #tpu.memory_space<vmem>>
        tpu.wait_dma2 semaphore(%arg11 : memref<!tpu.dma_semaphore, #tpu.memory_space<semaphore_mem>>) src(%dma_wait3A_940 : memref<3200xf32, #tpu.memory_space<vmem>>) dst(%dma_wait3A_938 : memref<3200xf32, #tpu.memory_space<hbm>>)
        %dma_wait3A_941 = arith.constant 48000 : i32
        %dma_wait3A_942 = tpu.memref_slice %arg7[%dma_wait3A_941] : memref<54400xf32, #tpu.memory_space<vmem>> -> memref<3200xf32, #tpu.memory_space<vmem>>
        %dma_wait3A_943 = tpu.memref_slice %arg3[%add3A_845] : memref<55705600xf32, #tpu.memory_space<hbm>> -> memref<3200xf32, #tpu.memory_space<hbm>>
        %dma_wait3A_944 = tpu.memref_slice %arg3[%add3A_845] : memref<55705600xf32, #tpu.memory_space<hbm>> -> memref<3200xf32, #tpu.memory_space<hbm>>
        %dma_wait3A_945 = arith.constant 48000 : i32
        %dma_wait3A_946 = tpu.memref_slice %arg7[%dma_wait3A_945] : memref<54400xf32, #tpu.memory_space<vmem>> -> memref<3200xf32, #tpu.memory_space<vmem>>
        tpu.wait_dma2 semaphore(%arg11 : memref<!tpu.dma_semaphore, #tpu.memory_space<semaphore_mem>>) src(%dma_wait3A_946 : memref<3200xf32, #tpu.memory_space<vmem>>) dst(%dma_wait3A_944 : memref<3200xf32, #tpu.memory_space<hbm>>)
        %dma_wait3A_947 = arith.constant 51200 : i32
        %dma_wait3A_948 = tpu.memref_slice %arg7[%dma_wait3A_947] : memref<54400xf32, #tpu.memory_space<vmem>> -> memref<3200xf32, #tpu.memory_space<vmem>>
        %dma_wait3A_949 = tpu.memref_slice %arg3[%add3A_850] : memref<55705600xf32, #tpu.memory_space<hbm>> -> memref<3200xf32, #tpu.memory_space<hbm>>
        %dma_wait3A_950 = tpu.memref_slice %arg3[%add3A_850] : memref<55705600xf32, #tpu.memory_space<hbm>> -> memref<3200xf32, #tpu.memory_space<hbm>>
        %dma_wait3A_951 = arith.constant 51200 : i32
        %dma_wait3A_952 = tpu.memref_slice %arg7[%dma_wait3A_951] : memref<54400xf32, #tpu.memory_space<vmem>> -> memref<3200xf32, #tpu.memory_space<vmem>>
        tpu.wait_dma2 semaphore(%arg11 : memref<!tpu.dma_semaphore, #tpu.memory_space<semaphore_mem>>) src(%dma_wait3A_952 : memref<3200xf32, #tpu.memory_space<vmem>>) dst(%dma_wait3A_950 : memref<3200xf32, #tpu.memory_space<hbm>>)
      } else {
      }
      %parallel_loop3A_571 = arith.constant 0 : i32
      %parallel_loop3A_572 = arith.constant 200 : i32
      %parallel_loop3A_573 = arith.constant 1 : i32
      scf.for %parallel_loop3A_766 = %parallel_loop3A_571 to %parallel_loop3A_572 step %parallel_loop3A_573  : i32 {
        %parallel_loop3A_767 = arith.constant 16 : i32
        %parallel_loop3A_768 = arith.muli %parallel_loop3A_766, %parallel_loop3A_767 : i32
        %parallel_loop3A_769 = arith.index_cast %parallel_loop3A_768 : i32 to index
        %parallel_loop3A_770 = tpu.vector_load %arg5[%parallel_loop3A_769] {strides = array<i32>} : memref<3200xi32, #tpu.memory_space<vmem>>, vector<16xi32>,
        %parallel_loop3A_771 = arith.constant -65535 : i32
        %parallel_loop3A_772 = arith.constant 65535 : i32
        %parallel_loop3A_773 = vector.broadcast %parallel_loop3A_771 : i32 to vector<16xi32>
        %parallel_loop3A_774 = arith.maxsi %parallel_loop3A_773, %parallel_loop3A_770 : vector<16xi32>
        %parallel_loop3A_775 = vector.broadcast %parallel_loop3A_772 : i32 to vector<16xi32>
        %parallel_loop3A_776 = arith.minsi %parallel_loop3A_775, %parallel_loop3A_774 : vector<16xi32>
        %parallel_loop3A_777 = math.absi %parallel_loop3A_776 : vector<16xi32>
        %parallel_loop3A_778 = arith.constant 0 : i32
        %parallel_loop3A_779 = vector.broadcast %parallel_loop3A_778 : i32 to vector<16xi32>
        %parallel_loop3A_780 = arith.cmpi slt, %parallel_loop3A_776, %parallel_loop3A_779 : vector<16xi32>
        %parallel_loop3A_781 = arith.constant 65536 : i32
        %parallel_loop3A_782 = arith.constant 0 : i32
        %parallel_loop3A_783 = vector.broadcast %parallel_loop3A_781 : i32 to vector<16xi32>
        %parallel_loop3A_784 = vector.broadcast %parallel_loop3A_782 : i32 to vector<16xi32>
        %parallel_loop3A_785 = arith.select %parallel_loop3A_780, %parallel_loop3A_783, %parallel_loop3A_784 : vector<16xi1>, vector<16xi32>
        %parallel_loop3A_786 = arith.addi %parallel_loop3A_777, %parallel_loop3A_785 : vector<16xi32>
        %parallel_loop3A_787 = arith.constant 16 : i32
        %parallel_loop3A_788 = vector.broadcast %parallel_loop3A_787 : i32 to vector<16xi32>
        %parallel_loop3A_789 = arith.shrsi %parallel_loop3A_786, %parallel_loop3A_788 : vector<16xi32>
        %parallel_loop3A_790 = arith.constant 1 : i32
        %parallel_loop3A_791 = vector.broadcast %parallel_loop3A_790 : i32 to vector<16xi32>
        %parallel_loop3A_792 = arith.andi %parallel_loop3A_789, %parallel_loop3A_791 : vector<16xi32>
        %parallel_loop3A_793 = arith.sitofp %parallel_loop3A_792 : vector<16xi32> to vector<16xf32>
        %parallel_loop3A_794 = arith.constant 16 : i32
        %parallel_loop3A_795 = arith.muli %parallel_loop3A_766, %parallel_loop3A_794 : i32
        %parallel_loop3A_796 = arith.constant 0 : i32
        %parallel_loop3A_797 = arith.addi %parallel_loop3A_796, %parallel_loop3A_795 : i32
        %parallel_loop3A_798 = arith.index_cast %parallel_loop3A_797 : i32 to index
        %parallel_loop3A_799 = tpu.vector_load %arg7[%parallel_loop3A_798] {strides = array<i32>} : memref<54400xf32, #tpu.memory_space<vmem>>, vector<16xf32>,
        tpu.vector_store %arg7[%parallel_loop3A_798], %parallel_loop3A_793 {strides = array<i32>} : memref<54400xf32, #tpu.memory_space<vmem>>, vector<16xf32>,
        %parallel_loop3A_800 = arith.constant 15 : i32
        %parallel_loop3A_801 = vector.broadcast %parallel_loop3A_800 : i32 to vector<16xi32>
        %parallel_loop3A_802 = arith.shrsi %parallel_loop3A_786, %parallel_loop3A_801 : vector<16xi32>
        %parallel_loop3A_803 = arith.constant 1 : i32
        %parallel_loop3A_804 = vector.broadcast %parallel_loop3A_803 : i32 to vector<16xi32>
        %parallel_loop3A_805 = arith.andi %parallel_loop3A_802, %parallel_loop3A_804 : vector<16xi32>
        %parallel_loop3A_806 = arith.sitofp %parallel_loop3A_805 : vector<16xi32> to vector<16xf32>
        %parallel_loop3A_807 = arith.constant 16 : i32
        %parallel_loop3A_808 = arith.muli %parallel_loop3A_766, %parallel_loop3A_807 : i32
        %parallel_loop3A_809 = arith.constant 3200 : i32
        %parallel_loop3A_810 = arith.addi %parallel_loop3A_809, %parallel_loop3A_808 : i32
        %parallel_loop3A_811 = arith.index_cast %parallel_loop3A_810 : i32 to index
        %parallel_loop3A_812 = tpu.vector_load %arg7[%parallel_loop3A_811] {strides = array<i32>} : memref<54400xf32, #tpu.memory_space<vmem>>, vector<16xf32>,
        tpu.vector_store %arg7[%parallel_loop3A_811], %parallel_loop3A_806 {strides = array<i32>} : memref<54400xf32, #tpu.memory_space<vmem>>, vector<16xf32>,
        %parallel_loop3A_813 = arith.constant 14 : i32
        %parallel_loop3A_814 = vector.broadcast %parallel_loop3A_813 : i32 to vector<16xi32>
        %parallel_loop3A_815 = arith.shrsi %parallel_loop3A_786, %parallel_loop3A_814 : vector<16xi32>
        %parallel_loop3A_816 = arith.constant 1 : i32
        %parallel_loop3A_817 = vector.broadcast %parallel_loop3A_816 : i32 to vector<16xi32>
        %parallel_loop3A_818 = arith.andi %parallel_loop3A_815, %parallel_loop3A_817 : vector<16xi32>
        %parallel_loop3A_819 = arith.sitofp %parallel_loop3A_818 : vector<16xi32> to vector<16xf32>
        %parallel_loop3A_820 = arith.constant 16 : i32
        %parallel_loop3A_821 = arith.muli %parallel_loop3A_766, %parallel_loop3A_820 : i32
        %parallel_loop3A_822 = arith.constant 6400 : i32
        %parallel_loop3A_823 = arith.addi %parallel_loop3A_822, %parallel_loop3A_821 : i32
        %parallel_loop3A_824 = arith.index_cast %parallel_loop3A_823 : i32 to index
        %parallel_loop3A_825 = tpu.vector_load %arg7[%parallel_loop3A_824] {strides = array<i32>} : memref<54400xf32, #tpu.memory_space<vmem>>, vector<16xf32>,
        tpu.vector_store %arg7[%parallel_loop3A_824], %parallel_loop3A_819 {strides = array<i32>} : memref<54400xf32, #tpu.memory_space<vmem>>, vector<16xf32>,
        %parallel_loop3A_826 = arith.constant 13 : i32
        %parallel_loop3A_827 = vector.broadcast %parallel_loop3A_826 : i32 to vector<16xi32>
        %parallel_loop3A_828 = arith.shrsi %parallel_loop3A_786, %parallel_loop3A_827 : vector<16xi32>
        %parallel_loop3A_829 = arith.constant 1 : i32
        %parallel_loop3A_830 = vector.broadcast %parallel_loop3A_829 : i32 to vector<16xi32>
        %parallel_loop3A_831 = arith.andi %parallel_loop3A_828, %parallel_loop3A_830 : vector<16xi32>
        %parallel_loop3A_832 = arith.sitofp %parallel_loop3A_831 : vector<16xi32> to vector<16xf32>
        %parallel_loop3A_833 = arith.constant 16 : i32
        %parallel_loop3A_834 = arith.muli %parallel_loop3A_766, %parallel_loop3A_833 : i32
        %parallel_loop3A_835 = arith.constant 9600 : i32
        %parallel_loop3A_836 = arith.addi %parallel_loop3A_835, %parallel_loop3A_834 : i32
        %parallel_loop3A_837 = arith.index_cast %parallel_loop3A_836 : i32 to index
        %parallel_loop3A_838 = tpu.vector_load %arg7[%parallel_loop3A_837] {strides = array<i32>} : memref<54400xf32, #tpu.memory_space<vmem>>, vector<16xf32>,
        tpu.vector_store %arg7[%parallel_loop3A_837], %parallel_loop3A_832 {strides = array<i32>} : memref<54400xf32, #tpu.memory_space<vmem>>, vector<16xf32>,
        %parallel_loop3A_839 = arith.constant 12 : i32
        %parallel_loop3A_840 = vector.broadcast %parallel_loop3A_839 : i32 to vector<16xi32>
        %parallel_loop3A_841 = arith.shrsi %parallel_loop3A_786, %parallel_loop3A_840 : vector<16xi32>
        %parallel_loop3A_842 = arith.constant 1 : i32
        %parallel_loop3A_843 = vector.broadcast %parallel_loop3A_842 : i32 to vector<16xi32>
        %parallel_loop3A_844 = arith.andi %parallel_loop3A_841, %parallel_loop3A_843 : vector<16xi32>
        %parallel_loop3A_845 = arith.sitofp %parallel_loop3A_844 : vector<16xi32> to vector<16xf32>
        %parallel_loop3A_846 = arith.constant 16 : i32
        %parallel_loop3A_847 = arith.muli %parallel_loop3A_766, %parallel_loop3A_846 : i32
        %parallel_loop3A_848 = arith.constant 12800 : i32
        %parallel_loop3A_849 = arith.addi %parallel_loop3A_848, %parallel_loop3A_847 : i32
        %parallel_loop3A_850 = arith.index_cast %parallel_loop3A_849 : i32 to index
        %parallel_loop3A_851 = tpu.vector_load %arg7[%parallel_loop3A_850] {strides = array<i32>} : memref<54400xf32, #tpu.memory_space<vmem>>, vector<16xf32>,
        tpu.vector_store %arg7[%parallel_loop3A_850], %parallel_loop3A_845 {strides = array<i32>} : memref<54400xf32, #tpu.memory_space<vmem>>, vector<16xf32>,
        %parallel_loop3A_852 = arith.constant 11 : i32
        %parallel_loop3A_853 = vector.broadcast %parallel_loop3A_852 : i32 to vector<16xi32>
        %parallel_loop3A_854 = arith.shrsi %parallel_loop3A_786, %parallel_loop3A_853 : vector<16xi32>
        %parallel_loop3A_855 = arith.constant 1 : i32
        %parallel_loop3A_856 = vector.broadcast %parallel_loop3A_855 : i32 to vector<16xi32>
        %parallel_loop3A_857 = arith.andi %parallel_loop3A_854, %parallel_loop3A_856 : vector<16xi32>
        %parallel_loop3A_858 = arith.sitofp %parallel_loop3A_857 : vector<16xi32> to vector<16xf32>
        %parallel_loop3A_859 = arith.constant 16 : i32
        %parallel_loop3A_860 = arith.muli %parallel_loop3A_766, %parallel_loop3A_859 : i32
        %parallel_loop3A_861 = arith.constant 16000 : i32
        %parallel_loop3A_862 = arith.addi %parallel_loop3A_861, %parallel_loop3A_860 : i32
        %parallel_loop3A_863 = arith.index_cast %parallel_loop3A_862 : i32 to index
        %parallel_loop3A_864 = tpu.vector_load %arg7[%parallel_loop3A_863] {strides = array<i32>} : memref<54400xf32, #tpu.memory_space<vmem>>, vector<16xf32>,
        tpu.vector_store %arg7[%parallel_loop3A_863], %parallel_loop3A_858 {strides = array<i32>} : memref<54400xf32, #tpu.memory_space<vmem>>, vector<16xf32>,
        %parallel_loop3A_865 = arith.constant 10 : i32
        %parallel_loop3A_866 = vector.broadcast %parallel_loop3A_865 : i32 to vector<16xi32>
        %parallel_loop3A_867 = arith.shrsi %parallel_loop3A_786, %parallel_loop3A_866 : vector<16xi32>
        %parallel_loop3A_868 = arith.constant 1 : i32
        %parallel_loop3A_869 = vector.broadcast %parallel_loop3A_868 : i32 to vector<16xi32>
        %parallel_loop3A_870 = arith.andi %parallel_loop3A_867, %parallel_loop3A_869 : vector<16xi32>
        %parallel_loop3A_871 = arith.sitofp %parallel_loop3A_870 : vector<16xi32> to vector<16xf32>
        %parallel_loop3A_872 = arith.constant 16 : i32
        %parallel_loop3A_873 = arith.muli %parallel_loop3A_766, %parallel_loop3A_872 : i32
        %parallel_loop3A_874 = arith.constant 19200 : i32
        %parallel_loop3A_875 = arith.addi %parallel_loop3A_874, %parallel_loop3A_873 : i32
        %parallel_loop3A_876 = arith.index_cast %parallel_loop3A_875 : i32 to index
        %parallel_loop3A_877 = tpu.vector_load %arg7[%parallel_loop3A_876] {strides = array<i32>} : memref<54400xf32, #tpu.memory_space<vmem>>, vector<16xf32>,
        tpu.vector_store %arg7[%parallel_loop3A_876], %parallel_loop3A_871 {strides = array<i32>} : memref<54400xf32, #tpu.memory_space<vmem>>, vector<16xf32>,
        %parallel_loop3A_878 = arith.constant 9 : i32
        %parallel_loop3A_879 = vector.broadcast %parallel_loop3A_878 : i32 to vector<16xi32>
        %parallel_loop3A_880 = arith.shrsi %parallel_loop3A_786, %parallel_loop3A_879 : vector<16xi32>
        %parallel_loop3A_881 = arith.constant 1 : i32
        %parallel_loop3A_882 = vector.broadcast %parallel_loop3A_881 : i32 to vector<16xi32>
        %parallel_loop3A_883 = arith.andi %parallel_loop3A_880, %parallel_loop3A_882 : vector<16xi32>
        %parallel_loop3A_884 = arith.sitofp %parallel_loop3A_883 : vector<16xi32> to vector<16xf32>
        %parallel_loop3A_885 = arith.constant 16 : i32
        %parallel_loop3A_886 = arith.muli %parallel_loop3A_766, %parallel_loop3A_885 : i32
        %parallel_loop3A_887 = arith.constant 22400 : i32
        %parallel_loop3A_888 = arith.addi %parallel_loop3A_887, %parallel_loop3A_886 : i32
        %parallel_loop3A_889 = arith.index_cast %parallel_loop3A_888 : i32 to index
        %parallel_loop3A_890 = tpu.vector_load %arg7[%parallel_loop3A_889] {strides = array<i32>} : memref<54400xf32, #tpu.memory_space<vmem>>, vector<16xf32>,
        tpu.vector_store %arg7[%parallel_loop3A_889], %parallel_loop3A_884 {strides = array<i32>} : memref<54400xf32, #tpu.memory_space<vmem>>, vector<16xf32>,
        %parallel_loop3A_891 = arith.constant 8 : i32
        %parallel_loop3A_892 = vector.broadcast %parallel_loop3A_891 : i32 to vector<16xi32>
        %parallel_loop3A_893 = arith.shrsi %parallel_loop3A_786, %parallel_loop3A_892 : vector<16xi32>
        %parallel_loop3A_894 = arith.constant 1 : i32
        %parallel_loop3A_895 = vector.broadcast %parallel_loop3A_894 : i32 to vector<16xi32>
        %parallel_loop3A_896 = arith.andi %parallel_loop3A_893, %parallel_loop3A_895 : vector<16xi32>
        %parallel_loop3A_897 = arith.sitofp %parallel_loop3A_896 : vector<16xi32> to vector<16xf32>
        %parallel_loop3A_898 = arith.constant 16 : i32
        %parallel_loop3A_899 = arith.muli %parallel_loop3A_766, %parallel_loop3A_898 : i32
        %parallel_loop3A_900 = arith.constant 25600 : i32
        %parallel_loop3A_901 = arith.addi %parallel_loop3A_900, %parallel_loop3A_899 : i32
        %parallel_loop3A_902 = arith.index_cast %parallel_loop3A_901 : i32 to index
        %parallel_loop3A_903 = tpu.vector_load %arg7[%parallel_loop3A_902] {strides = array<i32>} : memref<54400xf32, #tpu.memory_space<vmem>>, vector<16xf32>,
        tpu.vector_store %arg7[%parallel_loop3A_902], %parallel_loop3A_897 {strides = array<i32>} : memref<54400xf32, #tpu.memory_space<vmem>>, vector<16xf32>,
        %parallel_loop3A_904 = arith.constant 7 : i32
        %parallel_loop3A_905 = vector.broadcast %parallel_loop3A_904 : i32 to vector<16xi32>
        %parallel_loop3A_906 = arith.shrsi %parallel_loop3A_786, %parallel_loop3A_905 : vector<16xi32>
        %parallel_loop3A_907 = arith.constant 1 : i32
        %parallel_loop3A_908 = vector.broadcast %parallel_loop3A_907 : i32 to vector<16xi32>
        %parallel_loop3A_909 = arith.andi %parallel_loop3A_906, %parallel_loop3A_908 : vector<16xi32>
        %parallel_loop3A_910 = arith.sitofp %parallel_loop3A_909 : vector<16xi32> to vector<16xf32>
        %parallel_loop3A_911 = arith.constant 16 : i32
        %parallel_loop3A_912 = arith.muli %parallel_loop3A_766, %parallel_loop3A_911 : i32
        %parallel_loop3A_913 = arith.constant 28800 : i32
        %parallel_loop3A_914 = arith.addi %parallel_loop3A_913, %parallel_loop3A_912 : i32
        %parallel_loop3A_915 = arith.index_cast %parallel_loop3A_914 : i32 to index
        %parallel_loop3A_916 = tpu.vector_load %arg7[%parallel_loop3A_915] {strides = array<i32>} : memref<54400xf32, #tpu.memory_space<vmem>>, vector<16xf32>,
        tpu.vector_store %arg7[%parallel_loop3A_915], %parallel_loop3A_910 {strides = array<i32>} : memref<54400xf32, #tpu.memory_space<vmem>>, vector<16xf32>,
        %parallel_loop3A_917 = arith.constant 6 : i32
        %parallel_loop3A_918 = vector.broadcast %parallel_loop3A_917 : i32 to vector<16xi32>
        %parallel_loop3A_919 = arith.shrsi %parallel_loop3A_786, %parallel_loop3A_918 : vector<16xi32>
        %parallel_loop3A_920 = arith.constant 1 : i32
        %parallel_loop3A_921 = vector.broadcast %parallel_loop3A_920 : i32 to vector<16xi32>
        %parallel_loop3A_922 = arith.andi %parallel_loop3A_919, %parallel_loop3A_921 : vector<16xi32>
        %parallel_loop3A_923 = arith.sitofp %parallel_loop3A_922 : vector<16xi32> to vector<16xf32>
        %parallel_loop3A_924 = arith.constant 16 : i32
        %parallel_loop3A_925 = arith.muli %parallel_loop3A_766, %parallel_loop3A_924 : i32
        %parallel_loop3A_926 = arith.constant 32000 : i32
        %parallel_loop3A_927 = arith.addi %parallel_loop3A_926, %parallel_loop3A_925 : i32
        %parallel_loop3A_928 = arith.index_cast %parallel_loop3A_927 : i32 to index
        %parallel_loop3A_929 = tpu.vector_load %arg7[%parallel_loop3A_928] {strides = array<i32>} : memref<54400xf32, #tpu.memory_space<vmem>>, vector<16xf32>,
        tpu.vector_store %arg7[%parallel_loop3A_928], %parallel_loop3A_923 {strides = array<i32>} : memref<54400xf32, #tpu.memory_space<vmem>>, vector<16xf32>,
        %parallel_loop3A_930 = arith.constant 5 : i32
        %parallel_loop3A_931 = vector.broadcast %parallel_loop3A_930 : i32 to vector<16xi32>
        %parallel_loop3A_932 = arith.shrsi %parallel_loop3A_786, %parallel_loop3A_931 : vector<16xi32>
        %parallel_loop3A_933 = arith.constant 1 : i32
        %parallel_loop3A_934 = vector.broadcast %parallel_loop3A_933 : i32 to vector<16xi32>
        %parallel_loop3A_935 = arith.andi %parallel_loop3A_932, %parallel_loop3A_934 : vector<16xi32>
        %parallel_loop3A_936 = arith.sitofp %parallel_loop3A_935 : vector<16xi32> to vector<16xf32>
        %parallel_loop3A_937 = arith.constant 16 : i32
        %parallel_loop3A_938 = arith.muli %parallel_loop3A_766, %parallel_loop3A_937 : i32
        %parallel_loop3A_939 = arith.constant 35200 : i32
        %parallel_loop3A_940 = arith.addi %parallel_loop3A_939, %parallel_loop3A_938 : i32
        %parallel_loop3A_941 = arith.index_cast %parallel_loop3A_940 : i32 to index
        %parallel_loop3A_942 = tpu.vector_load %arg7[%parallel_loop3A_941] {strides = array<i32>} : memref<54400xf32, #tpu.memory_space<vmem>>, vector<16xf32>,
        tpu.vector_store %arg7[%parallel_loop3A_941], %parallel_loop3A_936 {strides = array<i32>} : memref<54400xf32, #tpu.memory_space<vmem>>, vector<16xf32>,
        %parallel_loop3A_943 = arith.constant 4 : i32
        %parallel_loop3A_944 = vector.broadcast %parallel_loop3A_943 : i32 to vector<16xi32>
        %parallel_loop3A_945 = arith.shrsi %parallel_loop3A_786, %parallel_loop3A_944 : vector<16xi32>
        %parallel_loop3A_946 = arith.constant 1 : i32
        %parallel_loop3A_947 = vector.broadcast %parallel_loop3A_946 : i32 to vector<16xi32>
        %parallel_loop3A_948 = arith.andi %parallel_loop3A_945, %parallel_loop3A_947 : vector<16xi32>
        %parallel_loop3A_949 = arith.sitofp %parallel_loop3A_948 : vector<16xi32> to vector<16xf32>
        %parallel_loop3A_950 = arith.constant 16 : i32
        %parallel_loop3A_951 = arith.muli %parallel_loop3A_766, %parallel_loop3A_950 : i32
        %parallel_loop3A_952 = arith.constant 38400 : i32
        %parallel_loop3A_953 = arith.addi %parallel_loop3A_952, %parallel_loop3A_951 : i32
        %parallel_loop3A_954 = arith.index_cast %parallel_loop3A_953 : i32 to index
        %parallel_loop3A_955 = tpu.vector_load %arg7[%parallel_loop3A_954] {strides = array<i32>} : memref<54400xf32, #tpu.memory_space<vmem>>, vector<16xf32>,
        tpu.vector_store %arg7[%parallel_loop3A_954], %parallel_loop3A_949 {strides = array<i32>} : memref<54400xf32, #tpu.memory_space<vmem>>, vector<16xf32>,
        %parallel_loop3A_956 = arith.constant 3 : i32
        %parallel_loop3A_957 = vector.broadcast %parallel_loop3A_956 : i32 to vector<16xi32>
        %parallel_loop3A_958 = arith.shrsi %parallel_loop3A_786, %parallel_loop3A_957 : vector<16xi32>
        %parallel_loop3A_959 = arith.constant 1 : i32
        %parallel_loop3A_960 = vector.broadcast %parallel_loop3A_959 : i32 to vector<16xi32>
        %parallel_loop3A_961 = arith.andi %parallel_loop3A_958, %parallel_loop3A_960 : vector<16xi32>
        %parallel_loop3A_962 = arith.sitofp %parallel_loop3A_961 : vector<16xi32> to vector<16xf32>
        %parallel_loop3A_963 = arith.constant 16 : i32
        %parallel_loop3A_964 = arith.muli %parallel_loop3A_766, %parallel_loop3A_963 : i32
        %parallel_loop3A_965 = arith.constant 41600 : i32
        %parallel_loop3A_966 = arith.addi %parallel_loop3A_965, %parallel_loop3A_964 : i32
        %parallel_loop3A_967 = arith.index_cast %parallel_loop3A_966 : i32 to index
        %parallel_loop3A_968 = tpu.vector_load %arg7[%parallel_loop3A_967] {strides = array<i32>} : memref<54400xf32, #tpu.memory_space<vmem>>, vector<16xf32>,
        tpu.vector_store %arg7[%parallel_loop3A_967], %parallel_loop3A_962 {strides = array<i32>} : memref<54400xf32, #tpu.memory_space<vmem>>, vector<16xf32>,
        %parallel_loop3A_969 = arith.constant 2 : i32
        %parallel_loop3A_970 = vector.broadcast %parallel_loop3A_969 : i32 to vector<16xi32>
        %parallel_loop3A_971 = arith.shrsi %parallel_loop3A_786, %parallel_loop3A_970 : vector<16xi32>
        %parallel_loop3A_972 = arith.constant 1 : i32
        %parallel_loop3A_973 = vector.broadcast %parallel_loop3A_972 : i32 to vector<16xi32>
        %parallel_loop3A_974 = arith.andi %parallel_loop3A_971, %parallel_loop3A_973 : vector<16xi32>
        %parallel_loop3A_975 = arith.sitofp %parallel_loop3A_974 : vector<16xi32> to vector<16xf32>
        %parallel_loop3A_976 = arith.constant 16 : i32
        %parallel_loop3A_977 = arith.muli %parallel_loop3A_766, %parallel_loop3A_976 : i32
        %parallel_loop3A_978 = arith.constant 44800 : i32
        %parallel_loop3A_979 = arith.addi %parallel_loop3A_978, %parallel_loop3A_977 : i32
        %parallel_loop3A_980 = arith.index_cast %parallel_loop3A_979 : i32 to index
        %parallel_loop3A_981 = tpu.vector_load %arg7[%parallel_loop3A_980] {strides = array<i32>} : memref<54400xf32, #tpu.memory_space<vmem>>, vector<16xf32>,
        tpu.vector_store %arg7[%parallel_loop3A_980], %parallel_loop3A_975 {strides = array<i32>} : memref<54400xf32, #tpu.memory_space<vmem>>, vector<16xf32>,
        %parallel_loop3A_982 = arith.constant 1 : i32
        %parallel_loop3A_983 = vector.broadcast %parallel_loop3A_982 : i32 to vector<16xi32>
        %parallel_loop3A_984 = arith.shrsi %parallel_loop3A_786, %parallel_loop3A_983 : vector<16xi32>
        %parallel_loop3A_985 = arith.constant 1 : i32
        %parallel_loop3A_986 = vector.broadcast %parallel_loop3A_985 : i32 to vector<16xi32>
        %parallel_loop3A_987 = arith.andi %parallel_loop3A_984, %parallel_loop3A_986 : vector<16xi32>
        %parallel_loop3A_988 = arith.sitofp %parallel_loop3A_987 : vector<16xi32> to vector<16xf32>
        %parallel_loop3A_989 = arith.constant 16 : i32
        %parallel_loop3A_990 = arith.muli %parallel_loop3A_766, %parallel_loop3A_989 : i32
        %parallel_loop3A_991 = arith.constant 48000 : i32
        %parallel_loop3A_992 = arith.addi %parallel_loop3A_991, %parallel_loop3A_990 : i32
        %parallel_loop3A_993 = arith.index_cast %parallel_loop3A_992 : i32 to index
        %parallel_loop3A_994 = tpu.vector_load %arg7[%parallel_loop3A_993] {strides = array<i32>} : memref<54400xf32, #tpu.memory_space<vmem>>, vector<16xf32>,
        tpu.vector_store %arg7[%parallel_loop3A_993], %parallel_loop3A_988 {strides = array<i32>} : memref<54400xf32, #tpu.memory_space<vmem>>, vector<16xf32>,
        %parallel_loop3A_995 = arith.constant 0 : i32
        %parallel_loop3A_996 = vector.broadcast %parallel_loop3A_995 : i32 to vector<16xi32>
        %parallel_loop3A_997 = arith.shrsi %parallel_loop3A_786, %parallel_loop3A_996 : vector<16xi32>
        %parallel_loop3A_998 = arith.constant 1 : i32
        %parallel_loop3A_999 = vector.broadcast %parallel_loop3A_998 : i32 to vector<16xi32>
        %parallel_loop3A_1000 = arith.andi %parallel_loop3A_997, %parallel_loop3A_999 : vector<16xi32>
        %parallel_loop3A_1001 = arith.sitofp %parallel_loop3A_1000 : vector<16xi32> to vector<16xf32>
        %parallel_loop3A_1002 = arith.constant 16 : i32
        %parallel_loop3A_1003 = arith.muli %parallel_loop3A_766, %parallel_loop3A_1002 : i32
        %parallel_loop3A_1004 = arith.constant 51200 : i32
        %parallel_loop3A_1005 = arith.addi %parallel_loop3A_1004, %parallel_loop3A_1003 : i32
        %parallel_loop3A_1006 = arith.index_cast %parallel_loop3A_1005 : i32 to index
        %parallel_loop3A_1007 = tpu.vector_load %arg7[%parallel_loop3A_1006] {strides = array<i32>} : memref<54400xf32, #tpu.memory_space<vmem>>, vector<16xf32>,
        tpu.vector_store %arg7[%parallel_loop3A_1006], %parallel_loop3A_1001 {strides = array<i32>} : memref<54400xf32, #tpu.memory_space<vmem>>, vector<16xf32>,
      } {sc.loop_unroll_factor = 8 : i64, sc.parallel_access}
      %add3A_574 = arith.constant 0 : i32
      %add3A_575 = arith.addi %add3A_574, %mul3A_2 : i32
      %mul3A_576 = arith.constant 3200 : i32
      %mul3A_577 = arith.muli %add3A_360, %mul3A_576 : i32
      %add3A_578 = arith.addi %add3A_575, %mul3A_577 : i32
      %add3A_579 = arith.constant 3276800 : i32
      %add3A_580 = arith.addi %add3A_579, %mul3A_2 : i32
      %mul3A_581 = arith.constant 3200 : i32
      %mul3A_582 = arith.muli %add3A_360, %mul3A_581 : i32
      %add3A_583 = arith.addi %add3A_580, %mul3A_582 : i32
      %add3A_584 = arith.constant 6553600 : i32
      %add3A_585 = arith.addi %add3A_584, %mul3A_2 : i32
      %mul3A_586 = arith.constant 3200 : i32
      %mul3A_587 = arith.muli %add3A_360, %mul3A_586 : i32
      %add3A_588 = arith.addi %add3A_585, %mul3A_587 : i32
      %add3A_589 = arith.constant 9830400 : i32
      %add3A_590 = arith.addi %add3A_589, %mul3A_2 : i32
      %mul3A_591 = arith.constant 3200 : i32
      %mul3A_592 = arith.muli %add3A_360, %mul3A_591 : i32
      %add3A_593 = arith.addi %add3A_590, %mul3A_592 : i32
      %add3A_594 = arith.constant 13107200 : i32
      %add3A_595 = arith.addi %add3A_594, %mul3A_2 : i32
      %mul3A_596 = arith.constant 3200 : i32
      %mul3A_597 = arith.muli %add3A_360, %mul3A_596 : i32
      %add3A_598 = arith.addi %add3A_595, %mul3A_597 : i32
      %add3A_599 = arith.constant 16384000 : i32
      %add3A_600 = arith.addi %add3A_599, %mul3A_2 : i32
      %mul3A_601 = arith.constant 3200 : i32
      %mul3A_602 = arith.muli %add3A_360, %mul3A_601 : i32
      %add3A_603 = arith.addi %add3A_600, %mul3A_602 : i32
      %add3A_604 = arith.constant 19660800 : i32
      %add3A_605 = arith.addi %add3A_604, %mul3A_2 : i32
      %mul3A_606 = arith.constant 3200 : i32
      %mul3A_607 = arith.muli %add3A_360, %mul3A_606 : i32
      %add3A_608 = arith.addi %add3A_605, %mul3A_607 : i32
      %add3A_609 = arith.constant 22937600 : i32
      %add3A_610 = arith.addi %add3A_609, %mul3A_2 : i32
      %mul3A_611 = arith.constant 3200 : i32
      %mul3A_612 = arith.muli %add3A_360, %mul3A_611 : i32
      %add3A_613 = arith.addi %add3A_610, %mul3A_612 : i32
      %add3A_614 = arith.constant 26214400 : i32
      %add3A_615 = arith.addi %add3A_614, %mul3A_2 : i32
      %mul3A_616 = arith.constant 3200 : i32
      %mul3A_617 = arith.muli %add3A_360, %mul3A_616 : i32
      %add3A_618 = arith.addi %add3A_615, %mul3A_617 : i32
      %add3A_619 = arith.constant 29491200 : i32
      %add3A_620 = arith.addi %add3A_619, %mul3A_2 : i32
      %mul3A_621 = arith.constant 3200 : i32
      %mul3A_622 = arith.muli %add3A_360, %mul3A_621 : i32
      %add3A_623 = arith.addi %add3A_620, %mul3A_622 : i32
      %add3A_624 = arith.constant 32768000 : i32
      %add3A_625 = arith.addi %add3A_624, %mul3A_2 : i32
      %mul3A_626 = arith.constant 3200 : i32
      %mul3A_627 = arith.muli %add3A_360, %mul3A_626 : i32
      %add3A_628 = arith.addi %add3A_625, %mul3A_627 : i32
      %add3A_629 = arith.constant 36044800 : i32
      %add3A_630 = arith.addi %add3A_629, %mul3A_2 : i32
      %mul3A_631 = arith.constant 3200 : i32
      %mul3A_632 = arith.muli %add3A_360, %mul3A_631 : i32
      %add3A_633 = arith.addi %add3A_630, %mul3A_632 : i32
      %add3A_634 = arith.constant 39321600 : i32
      %add3A_635 = arith.addi %add3A_634, %mul3A_2 : i32
      %mul3A_636 = arith.constant 3200 : i32
      %mul3A_637 = arith.muli %add3A_360, %mul3A_636 : i32
      %add3A_638 = arith.addi %add3A_635, %mul3A_637 : i32
      %add3A_639 = arith.constant 42598400 : i32
      %add3A_640 = arith.addi %add3A_639, %mul3A_2 : i32
      %mul3A_641 = arith.constant 3200 : i32
      %mul3A_642 = arith.muli %add3A_360, %mul3A_641 : i32
      %add3A_643 = arith.addi %add3A_640, %mul3A_642 : i32
      %add3A_644 = arith.constant 45875200 : i32
      %add3A_645 = arith.addi %add3A_644, %mul3A_2 : i32
      %mul3A_646 = arith.constant 3200 : i32
      %mul3A_647 = arith.muli %add3A_360, %mul3A_646 : i32
      %add3A_648 = arith.addi %add3A_645, %mul3A_647 : i32
      %add3A_649 = arith.constant 49152000 : i32
      %add3A_650 = arith.addi %add3A_649, %mul3A_2 : i32
      %mul3A_651 = arith.constant 3200 : i32
      %mul3A_652 = arith.muli %add3A_360, %mul3A_651 : i32
      %add3A_653 = arith.addi %add3A_650, %mul3A_652 : i32
      %add3A_654 = arith.constant 52428800 : i32
      %add3A_655 = arith.addi %add3A_654, %mul3A_2 : i32
      %mul3A_656 = arith.constant 3200 : i32
      %mul3A_657 = arith.muli %add3A_360, %mul3A_656 : i32
      %add3A_658 = arith.addi %add3A_655, %mul3A_657 : i32
      %dma_start3A_659 = arith.constant 0 : i32
      %dma_start3A_660 = tpu.memref_slice %arg7[%dma_start3A_659] : memref<54400xf32, #tpu.memory_space<vmem>> -> memref<3200xf32, #tpu.memory_space<vmem>>
      %dma_start3A_661 = tpu.memref_slice %arg3[%add3A_578] : memref<55705600xf32, #tpu.memory_space<hbm>> -> memref<3200xf32, #tpu.memory_space<hbm>>
      %dma_start3A_662 = tpu.memref_slice %arg3[%add3A_578] : memref<55705600xf32, #tpu.memory_space<hbm>> -> memref<3200xf32, #tpu.memory_space<hbm>>
      %dma_start3A_663 = arith.constant 0 : i32
      %dma_start3A_664 = tpu.memref_slice %arg7[%dma_start3A_663] : memref<54400xf32, #tpu.memory_space<vmem>> -> memref<3200xf32, #tpu.memory_space<vmem>>
      tpu.enqueue_dma source(%dma_start3A_664 : memref<3200xf32, #tpu.memory_space<vmem>>) target(%dma_start3A_662 : memref<3200xf32, #tpu.memory_space<hbm>>) target_semaphore(%arg11 : memref<!tpu.dma_semaphore, #tpu.memory_space<semaphore_mem>>)
      %dma_start3A_665 = arith.constant 3200 : i32
      %dma_start3A_666 = tpu.memref_slice %arg7[%dma_start3A_665] : memref<54400xf32, #tpu.memory_space<vmem>> -> memref<3200xf32, #tpu.memory_space<vmem>>
      %dma_start3A_667 = tpu.memref_slice %arg3[%add3A_583] : memref<55705600xf32, #tpu.memory_space<hbm>> -> memref<3200xf32, #tpu.memory_space<hbm>>
      %dma_start3A_668 = tpu.memref_slice %arg3[%add3A_583] : memref<55705600xf32, #tpu.memory_space<hbm>> -> memref<3200xf32, #tpu.memory_space<hbm>>
      %dma_start3A_669 = arith.constant 3200 : i32
      %dma_start3A_670 = tpu.memref_slice %arg7[%dma_start3A_669] : memref<54400xf32, #tpu.memory_space<vmem>> -> memref<3200xf32, #tpu.memory_space<vmem>>
      tpu.enqueue_dma source(%dma_start3A_670 : memref<3200xf32, #tpu.memory_space<vmem>>) target(%dma_start3A_668 : memref<3200xf32, #tpu.memory_space<hbm>>) target_semaphore(%arg11 : memref<!tpu.dma_semaphore, #tpu.memory_space<semaphore_mem>>)
      %dma_start3A_671 = arith.constant 6400 : i32
      %dma_start3A_672 = tpu.memref_slice %arg7[%dma_start3A_671] : memref<54400xf32, #tpu.memory_space<vmem>> -> memref<3200xf32, #tpu.memory_space<vmem>>
      %dma_start3A_673 = tpu.memref_slice %arg3[%add3A_588] : memref<55705600xf32, #tpu.memory_space<hbm>> -> memref<3200xf32, #tpu.memory_space<hbm>>
      %dma_start3A_674 = tpu.memref_slice %arg3[%add3A_588] : memref<55705600xf32, #tpu.memory_space<hbm>> -> memref<3200xf32, #tpu.memory_space<hbm>>
      %dma_start3A_675 = arith.constant 6400 : i32
      %dma_start3A_676 = tpu.memref_slice %arg7[%dma_start3A_675] : memref<54400xf32, #tpu.memory_space<vmem>> -> memref<3200xf32, #tpu.memory_space<vmem>>
      tpu.enqueue_dma source(%dma_start3A_676 : memref<3200xf32, #tpu.memory_space<vmem>>) target(%dma_start3A_674 : memref<3200xf32, #tpu.memory_space<hbm>>) target_semaphore(%arg11 : memref<!tpu.dma_semaphore, #tpu.memory_space<semaphore_mem>>)
      %dma_start3A_677 = arith.constant 9600 : i32
      %dma_start3A_678 = tpu.memref_slice %arg7[%dma_start3A_677] : memref<54400xf32, #tpu.memory_space<vmem>> -> memref<3200xf32, #tpu.memory_space<vmem>>
      %dma_start3A_679 = tpu.memref_slice %arg3[%add3A_593] : memref<55705600xf32, #tpu.memory_space<hbm>> -> memref<3200xf32, #tpu.memory_space<hbm>>
      %dma_start3A_680 = tpu.memref_slice %arg3[%add3A_593] : memref<55705600xf32, #tpu.memory_space<hbm>> -> memref<3200xf32, #tpu.memory_space<hbm>>
      %dma_start3A_681 = arith.constant 9600 : i32
      %dma_start3A_682 = tpu.memref_slice %arg7[%dma_start3A_681] : memref<54400xf32, #tpu.memory_space<vmem>> -> memref<3200xf32, #tpu.memory_space<vmem>>
      tpu.enqueue_dma source(%dma_start3A_682 : memref<3200xf32, #tpu.memory_space<vmem>>) target(%dma_start3A_680 : memref<3200xf32, #tpu.memory_space<hbm>>) target_semaphore(%arg11 : memref<!tpu.dma_semaphore, #tpu.memory_space<semaphore_mem>>)
      %dma_start3A_683 = arith.constant 12800 : i32
      %dma_start3A_684 = tpu.memref_slice %arg7[%dma_start3A_683] : memref<54400xf32, #tpu.memory_space<vmem>> -> memref<3200xf32, #tpu.memory_space<vmem>>
      %dma_start3A_685 = tpu.memref_slice %arg3[%add3A_598] : memref<55705600xf32, #tpu.memory_space<hbm>> -> memref<3200xf32, #tpu.memory_space<hbm>>
      %dma_start3A_686 = tpu.memref_slice %arg3[%add3A_598] : memref<55705600xf32, #tpu.memory_space<hbm>> -> memref<3200xf32, #tpu.memory_space<hbm>>
      %dma_start3A_687 = arith.constant 12800 : i32
      %dma_start3A_688 = tpu.memref_slice %arg7[%dma_start3A_687] : memref<54400xf32, #tpu.memory_space<vmem>> -> memref<3200xf32, #tpu.memory_space<vmem>>
      tpu.enqueue_dma source(%dma_start3A_688 : memref<3200xf32, #tpu.memory_space<vmem>>) target(%dma_start3A_686 : memref<3200xf32, #tpu.memory_space<hbm>>) target_semaphore(%arg11 : memref<!tpu.dma_semaphore, #tpu.memory_space<semaphore_mem>>)
      %dma_start3A_689 = arith.constant 16000 : i32
      %dma_start3A_690 = tpu.memref_slice %arg7[%dma_start3A_689] : memref<54400xf32, #tpu.memory_space<vmem>> -> memref<3200xf32, #tpu.memory_space<vmem>>
      %dma_start3A_691 = tpu.memref_slice %arg3[%add3A_603] : memref<55705600xf32, #tpu.memory_space<hbm>> -> memref<3200xf32, #tpu.memory_space<hbm>>
      %dma_start3A_692 = tpu.memref_slice %arg3[%add3A_603] : memref<55705600xf32, #tpu.memory_space<hbm>> -> memref<3200xf32, #tpu.memory_space<hbm>>
      %dma_start3A_693 = arith.constant 16000 : i32
      %dma_start3A_694 = tpu.memref_slice %arg7[%dma_start3A_693] : memref<54400xf32, #tpu.memory_space<vmem>> -> memref<3200xf32, #tpu.memory_space<vmem>>
      tpu.enqueue_dma source(%dma_start3A_694 : memref<3200xf32, #tpu.memory_space<vmem>>) target(%dma_start3A_692 : memref<3200xf32, #tpu.memory_space<hbm>>) target_semaphore(%arg11 : memref<!tpu.dma_semaphore, #tpu.memory_space<semaphore_mem>>)
      %dma_start3A_695 = arith.constant 19200 : i32
      %dma_start3A_696 = tpu.memref_slice %arg7[%dma_start3A_695] : memref<54400xf32, #tpu.memory_space<vmem>> -> memref<3200xf32, #tpu.memory_space<vmem>>
      %dma_start3A_697 = tpu.memref_slice %arg3[%add3A_608] : memref<55705600xf32, #tpu.memory_space<hbm>> -> memref<3200xf32, #tpu.memory_space<hbm>>
      %dma_start3A_698 = tpu.memref_slice %arg3[%add3A_608] : memref<55705600xf32, #tpu.memory_space<hbm>> -> memref<3200xf32, #tpu.memory_space<hbm>>
      %dma_start3A_699 = arith.constant 19200 : i32
      %dma_start3A_700 = tpu.memref_slice %arg7[%dma_start3A_699] : memref<54400xf32, #tpu.memory_space<vmem>> -> memref<3200xf32, #tpu.memory_space<vmem>>
      tpu.enqueue_dma source(%dma_start3A_700 : memref<3200xf32, #tpu.memory_space<vmem>>) target(%dma_start3A_698 : memref<3200xf32, #tpu.memory_space<hbm>>) target_semaphore(%arg11 : memref<!tpu.dma_semaphore, #tpu.memory_space<semaphore_mem>>)
      %dma_start3A_701 = arith.constant 22400 : i32
      %dma_start3A_702 = tpu.memref_slice %arg7[%dma_start3A_701] : memref<54400xf32, #tpu.memory_space<vmem>> -> memref<3200xf32, #tpu.memory_space<vmem>>
      %dma_start3A_703 = tpu.memref_slice %arg3[%add3A_613] : memref<55705600xf32, #tpu.memory_space<hbm>> -> memref<3200xf32, #tpu.memory_space<hbm>>
      %dma_start3A_704 = tpu.memref_slice %arg3[%add3A_613] : memref<55705600xf32, #tpu.memory_space<hbm>> -> memref<3200xf32, #tpu.memory_space<hbm>>
      %dma_start3A_705 = arith.constant 22400 : i32
      %dma_start3A_706 = tpu.memref_slice %arg7[%dma_start3A_705] : memref<54400xf32, #tpu.memory_space<vmem>> -> memref<3200xf32, #tpu.memory_space<vmem>>
      tpu.enqueue_dma source(%dma_start3A_706 : memref<3200xf32, #tpu.memory_space<vmem>>) target(%dma_start3A_704 : memref<3200xf32, #tpu.memory_space<hbm>>) target_semaphore(%arg11 : memref<!tpu.dma_semaphore, #tpu.memory_space<semaphore_mem>>)
      %dma_start3A_707 = arith.constant 25600 : i32
      %dma_start3A_708 = tpu.memref_slice %arg7[%dma_start3A_707] : memref<54400xf32, #tpu.memory_space<vmem>> -> memref<3200xf32, #tpu.memory_space<vmem>>
      %dma_start3A_709 = tpu.memref_slice %arg3[%add3A_618] : memref<55705600xf32, #tpu.memory_space<hbm>> -> memref<3200xf32, #tpu.memory_space<hbm>>
      %dma_start3A_710 = tpu.memref_slice %arg3[%add3A_618] : memref<55705600xf32, #tpu.memory_space<hbm>> -> memref<3200xf32, #tpu.memory_space<hbm>>
      %dma_start3A_711 = arith.constant 25600 : i32
      %dma_start3A_712 = tpu.memref_slice %arg7[%dma_start3A_711] : memref<54400xf32, #tpu.memory_space<vmem>> -> memref<3200xf32, #tpu.memory_space<vmem>>
      tpu.enqueue_dma source(%dma_start3A_712 : memref<3200xf32, #tpu.memory_space<vmem>>) target(%dma_start3A_710 : memref<3200xf32, #tpu.memory_space<hbm>>) target_semaphore(%arg11 : memref<!tpu.dma_semaphore, #tpu.memory_space<semaphore_mem>>)
      %dma_start3A_713 = arith.constant 28800 : i32
      %dma_start3A_714 = tpu.memref_slice %arg7[%dma_start3A_713] : memref<54400xf32, #tpu.memory_space<vmem>> -> memref<3200xf32, #tpu.memory_space<vmem>>
      %dma_start3A_715 = tpu.memref_slice %arg3[%add3A_623] : memref<55705600xf32, #tpu.memory_space<hbm>> -> memref<3200xf32, #tpu.memory_space<hbm>>
      %dma_start3A_716 = tpu.memref_slice %arg3[%add3A_623] : memref<55705600xf32, #tpu.memory_space<hbm>> -> memref<3200xf32, #tpu.memory_space<hbm>>
      %dma_start3A_717 = arith.constant 28800 : i32
      %dma_start3A_718 = tpu.memref_slice %arg7[%dma_start3A_717] : memref<54400xf32, #tpu.memory_space<vmem>> -> memref<3200xf32, #tpu.memory_space<vmem>>
      tpu.enqueue_dma source(%dma_start3A_718 : memref<3200xf32, #tpu.memory_space<vmem>>) target(%dma_start3A_716 : memref<3200xf32, #tpu.memory_space<hbm>>) target_semaphore(%arg11 : memref<!tpu.dma_semaphore, #tpu.memory_space<semaphore_mem>>)
      %dma_start3A_719 = arith.constant 32000 : i32
      %dma_start3A_720 = tpu.memref_slice %arg7[%dma_start3A_719] : memref<54400xf32, #tpu.memory_space<vmem>> -> memref<3200xf32, #tpu.memory_space<vmem>>
      %dma_start3A_721 = tpu.memref_slice %arg3[%add3A_628] : memref<55705600xf32, #tpu.memory_space<hbm>> -> memref<3200xf32, #tpu.memory_space<hbm>>
      %dma_start3A_722 = tpu.memref_slice %arg3[%add3A_628] : memref<55705600xf32, #tpu.memory_space<hbm>> -> memref<3200xf32, #tpu.memory_space<hbm>>
      %dma_start3A_723 = arith.constant 32000 : i32
      %dma_start3A_724 = tpu.memref_slice %arg7[%dma_start3A_723] : memref<54400xf32, #tpu.memory_space<vmem>> -> memref<3200xf32, #tpu.memory_space<vmem>>
      tpu.enqueue_dma source(%dma_start3A_724 : memref<3200xf32, #tpu.memory_space<vmem>>) target(%dma_start3A_722 : memref<3200xf32, #tpu.memory_space<hbm>>) target_semaphore(%arg11 : memref<!tpu.dma_semaphore, #tpu.memory_space<semaphore_mem>>)
      %dma_start3A_725 = arith.constant 35200 : i32
      %dma_start3A_726 = tpu.memref_slice %arg7[%dma_start3A_725] : memref<54400xf32, #tpu.memory_space<vmem>> -> memref<3200xf32, #tpu.memory_space<vmem>>
      %dma_start3A_727 = tpu.memref_slice %arg3[%add3A_633] : memref<55705600xf32, #tpu.memory_space<hbm>> -> memref<3200xf32, #tpu.memory_space<hbm>>
      %dma_start3A_728 = tpu.memref_slice %arg3[%add3A_633] : memref<55705600xf32, #tpu.memory_space<hbm>> -> memref<3200xf32, #tpu.memory_space<hbm>>
      %dma_start3A_729 = arith.constant 35200 : i32
      %dma_start3A_730 = tpu.memref_slice %arg7[%dma_start3A_729] : memref<54400xf32, #tpu.memory_space<vmem>> -> memref<3200xf32, #tpu.memory_space<vmem>>
      tpu.enqueue_dma source(%dma_start3A_730 : memref<3200xf32, #tpu.memory_space<vmem>>) target(%dma_start3A_728 : memref<3200xf32, #tpu.memory_space<hbm>>) target_semaphore(%arg11 : memref<!tpu.dma_semaphore, #tpu.memory_space<semaphore_mem>>)
      %dma_start3A_731 = arith.constant 38400 : i32
      %dma_start3A_732 = tpu.memref_slice %arg7[%dma_start3A_731] : memref<54400xf32, #tpu.memory_space<vmem>> -> memref<3200xf32, #tpu.memory_space<vmem>>
      %dma_start3A_733 = tpu.memref_slice %arg3[%add3A_638] : memref<55705600xf32, #tpu.memory_space<hbm>> -> memref<3200xf32, #tpu.memory_space<hbm>>
      %dma_start3A_734 = tpu.memref_slice %arg3[%add3A_638] : memref<55705600xf32, #tpu.memory_space<hbm>> -> memref<3200xf32, #tpu.memory_space<hbm>>
      %dma_start3A_735 = arith.constant 38400 : i32
      %dma_start3A_736 = tpu.memref_slice %arg7[%dma_start3A_735] : memref<54400xf32, #tpu.memory_space<vmem>> -> memref<3200xf32, #tpu.memory_space<vmem>>
      tpu.enqueue_dma source(%dma_start3A_736 : memref<3200xf32, #tpu.memory_space<vmem>>) target(%dma_start3A_734 : memref<3200xf32, #tpu.memory_space<hbm>>) target_semaphore(%arg11 : memref<!tpu.dma_semaphore, #tpu.memory_space<semaphore_mem>>)
      %dma_start3A_737 = arith.constant 41600 : i32
      %dma_start3A_738 = tpu.memref_slice %arg7[%dma_start3A_737] : memref<54400xf32, #tpu.memory_space<vmem>> -> memref<3200xf32, #tpu.memory_space<vmem>>
      %dma_start3A_739 = tpu.memref_slice %arg3[%add3A_643] : memref<55705600xf32, #tpu.memory_space<hbm>> -> memref<3200xf32, #tpu.memory_space<hbm>>
      %dma_start3A_740 = tpu.memref_slice %arg3[%add3A_643] : memref<55705600xf32, #tpu.memory_space<hbm>> -> memref<3200xf32, #tpu.memory_space<hbm>>
      %dma_start3A_741 = arith.constant 41600 : i32
      %dma_start3A_742 = tpu.memref_slice %arg7[%dma_start3A_741] : memref<54400xf32, #tpu.memory_space<vmem>> -> memref<3200xf32, #tpu.memory_space<vmem>>
      tpu.enqueue_dma source(%dma_start3A_742 : memref<3200xf32, #tpu.memory_space<vmem>>) target(%dma_start3A_740 : memref<3200xf32, #tpu.memory_space<hbm>>) target_semaphore(%arg11 : memref<!tpu.dma_semaphore, #tpu.memory_space<semaphore_mem>>)
      %dma_start3A_743 = arith.constant 44800 : i32
      %dma_start3A_744 = tpu.memref_slice %arg7[%dma_start3A_743] : memref<54400xf32, #tpu.memory_space<vmem>> -> memref<3200xf32, #tpu.memory_space<vmem>>
      %dma_start3A_745 = tpu.memref_slice %arg3[%add3A_648] : memref<55705600xf32, #tpu.memory_space<hbm>> -> memref<3200xf32, #tpu.memory_space<hbm>>
      %dma_start3A_746 = tpu.memref_slice %arg3[%add3A_648] : memref<55705600xf32, #tpu.memory_space<hbm>> -> memref<3200xf32, #tpu.memory_space<hbm>>
      %dma_start3A_747 = arith.constant 44800 : i32
      %dma_start3A_748 = tpu.memref_slice %arg7[%dma_start3A_747] : memref<54400xf32, #tpu.memory_space<vmem>> -> memref<3200xf32, #tpu.memory_space<vmem>>
      tpu.enqueue_dma source(%dma_start3A_748 : memref<3200xf32, #tpu.memory_space<vmem>>) target(%dma_start3A_746 : memref<3200xf32, #tpu.memory_space<hbm>>) target_semaphore(%arg11 : memref<!tpu.dma_semaphore, #tpu.memory_space<semaphore_mem>>)
      %dma_start3A_749 = arith.constant 48000 : i32
      %dma_start3A_750 = tpu.memref_slice %arg7[%dma_start3A_749] : memref<54400xf32, #tpu.memory_space<vmem>> -> memref<3200xf32, #tpu.memory_space<vmem>>
      %dma_start3A_751 = tpu.memref_slice %arg3[%add3A_653] : memref<55705600xf32, #tpu.memory_space<hbm>> -> memref<3200xf32, #tpu.memory_space<hbm>>
      %dma_start3A_752 = tpu.memref_slice %arg3[%add3A_653] : memref<55705600xf32, #tpu.memory_space<hbm>> -> memref<3200xf32, #tpu.memory_space<hbm>>
      %dma_start3A_753 = arith.constant 48000 : i32
      %dma_start3A_754 = tpu.memref_slice %arg7[%dma_start3A_753] : memref<54400xf32, #tpu.memory_space<vmem>> -> memref<3200xf32, #tpu.memory_space<vmem>>
      tpu.enqueue_dma source(%dma_start3A_754 : memref<3200xf32, #tpu.memory_space<vmem>>) target(%dma_start3A_752 : memref<3200xf32, #tpu.memory_space<hbm>>) target_semaphore(%arg11 : memref<!tpu.dma_semaphore, #tpu.memory_space<semaphore_mem>>)
      %dma_start3A_755 = arith.constant 51200 : i32
      %dma_start3A_756 = tpu.memref_slice %arg7[%dma_start3A_755] : memref<54400xf32, #tpu.memory_space<vmem>> -> memref<3200xf32, #tpu.memory_space<vmem>>
      %dma_start3A_757 = tpu.memref_slice %arg3[%add3A_658] : memref<55705600xf32, #tpu.memory_space<hbm>> -> memref<3200xf32, #tpu.memory_space<hbm>>
      %dma_start3A_758 = tpu.memref_slice %arg3[%add3A_658] : memref<55705600xf32, #tpu.memory_space<hbm>> -> memref<3200xf32, #tpu.memory_space<hbm>>
      %dma_start3A_759 = arith.constant 51200 : i32
      %dma_start3A_760 = tpu.memref_slice %arg7[%dma_start3A_759] : memref<54400xf32, #tpu.memory_space<vmem>> -> memref<3200xf32, #tpu.memory_space<vmem>>
      tpu.enqueue_dma source(%dma_start3A_760 : memref<3200xf32, #tpu.memory_space<vmem>>) target(%dma_start3A_758 : memref<3200xf32, #tpu.memory_space<hbm>>) target_semaphore(%arg11 : memref<!tpu.dma_semaphore, #tpu.memory_space<semaphore_mem>>)
      %lt3A_761 = arith.constant 15 : i32
      %lt3A_762 = arith.cmpi slt, %scan3A_354, %lt3A_761 : i32
      %convert_element_type3A_763 = arith.extui %lt3A_762 : i1 to i32
      %cond3A_764 = arith.constant 0 : i32
      %cond3A_765 = arith.cmpi ne, %convert_element_type3A_763, %cond3A_764 : i32
      scf.if %cond3A_765 {
        %add3A_766 = arith.constant 2 : i32
        %add3A_767 = arith.addi %add3A_360, %add3A_766 : i32
        %mul3A_768 = arith.constant 3200 : i32
        %mul3A_769 = arith.muli %add3A_767, %mul3A_768 : i32
        %add3A_770 = arith.addi %mul3A_2, %mul3A_769 : i32
        %dma_start3A_771 = tpu.memref_slice %arg2[%add3A_770] : memref<3276800xi32, #tpu.memory_space<hbm>> -> memref<3200xi32, #tpu.memory_space<hbm>>
        %dma_start3A_772 = tpu.memref_slice %arg2[%add3A_770] : memref<3276800xi32, #tpu.memory_space<hbm>> -> memref<3200xi32, #tpu.memory_space<hbm>>
        tpu.enqueue_dma source(%dma_start3A_772 : memref<3200xi32, #tpu.memory_space<hbm>>) target(%arg5 : memref<3200xi32, #tpu.memory_space<vmem>>) target_semaphore(%arg9 : memref<!tpu.dma_semaphore, #tpu.memory_space<semaphore_mem>>)
      } else {
      }
    }
    %scan3A_14 = arith.constant 16 : i32
    %add3A_15 = arith.constant 0 : i32
    %add3A_16 = arith.addi %add3A_15, %mul3A_2 : i32
    %add3A_17 = arith.constant 96000 : i32
    %add3A_18 = arith.addi %add3A_16, %add3A_17 : i32
    %add3A_19 = arith.constant 3276800 : i32
    %add3A_20 = arith.addi %add3A_19, %mul3A_2 : i32
    %add3A_21 = arith.constant 96000 : i32
    %add3A_22 = arith.addi %add3A_20, %add3A_21 : i32
    %add3A_23 = arith.constant 6553600 : i32
    %add3A_24 = arith.addi %add3A_23, %mul3A_2 : i32
    %add3A_25 = arith.constant 96000 : i32
    %add3A_26 = arith.addi %add3A_24, %add3A_25 : i32
    %add3A_27 = arith.constant 9830400 : i32
    %add3A_28 = arith.addi %add3A_27, %mul3A_2 : i32
    %add3A_29 = arith.constant 96000 : i32
    %add3A_30 = arith.addi %add3A_28, %add3A_29 : i32
    %add3A_31 = arith.constant 13107200 : i32
    %add3A_32 = arith.addi %add3A_31, %mul3A_2 : i32
    %add3A_33 = arith.constant 96000 : i32
    %add3A_34 = arith.addi %add3A_32, %add3A_33 : i32
    %add3A_35 = arith.constant 16384000 : i32
    %add3A_36 = arith.addi %add3A_35, %mul3A_2 : i32
    %add3A_37 = arith.constant 96000 : i32
    %add3A_38 = arith.addi %add3A_36, %add3A_37 : i32
    %add3A_39 = arith.constant 19660800 : i32
    %add3A_40 = arith.addi %add3A_39, %mul3A_2 : i32
    %add3A_41 = arith.constant 96000 : i32
    %add3A_42 = arith.addi %add3A_40, %add3A_41 : i32
    %add3A_43 = arith.constant 22937600 : i32
    %add3A_44 = arith.addi %add3A_43, %mul3A_2 : i32
    %add3A_45 = arith.constant 96000 : i32
    %add3A_46 = arith.addi %add3A_44, %add3A_45 : i32
    %add3A_47 = arith.constant 26214400 : i32
    %add3A_48 = arith.addi %add3A_47, %mul3A_2 : i32
    %add3A_49 = arith.constant 96000 : i32
    %add3A_50 = arith.addi %add3A_48, %add3A_49 : i32
    %add3A_51 = arith.constant 29491200 : i32
    %add3A_52 = arith.addi %add3A_51, %mul3A_2 : i32
    %add3A_53 = arith.constant 96000 : i32
    %add3A_54 = arith.addi %add3A_52, %add3A_53 : i32
    %add3A_55 = arith.constant 32768000 : i32
    %add3A_56 = arith.addi %add3A_55, %mul3A_2 : i32
    %add3A_57 = arith.constant 96000 : i32
    %add3A_58 = arith.addi %add3A_56, %add3A_57 : i32
    %add3A_59 = arith.constant 36044800 : i32
    %add3A_60 = arith.addi %add3A_59, %mul3A_2 : i32
    %add3A_61 = arith.constant 96000 : i32
    %add3A_62 = arith.addi %add3A_60, %add3A_61 : i32
    %add3A_63 = arith.constant 39321600 : i32
    %add3A_64 = arith.addi %add3A_63, %mul3A_2 : i32
    %add3A_65 = arith.constant 96000 : i32
    %add3A_66 = arith.addi %add3A_64, %add3A_65 : i32
    %add3A_67 = arith.constant 42598400 : i32
    %add3A_68 = arith.addi %add3A_67, %mul3A_2 : i32
    %add3A_69 = arith.constant 96000 : i32
    %add3A_70 = arith.addi %add3A_68, %add3A_69 : i32
    %add3A_71 = arith.constant 45875200 : i32
    %add3A_72 = arith.addi %add3A_71, %mul3A_2 : i32
    %add3A_73 = arith.constant 96000 : i32
    %add3A_74 = arith.addi %add3A_72, %add3A_73 : i32
    %add3A_75 = arith.constant 49152000 : i32
    %add3A_76 = arith.addi %add3A_75, %mul3A_2 : i32
    %add3A_77 = arith.constant 96000 : i32
    %add3A_78 = arith.addi %add3A_76, %add3A_77 : i32
    %add3A_79 = arith.constant 52428800 : i32
    %add3A_80 = arith.addi %add3A_79, %mul3A_2 : i32
    %add3A_81 = arith.constant 96000 : i32
    %add3A_82 = arith.addi %add3A_80, %add3A_81 : i32
    %dma_wait3A = arith.constant 0 : i32
    %dma_wait3A_83 = tpu.memref_slice %arg6[%dma_wait3A] : memref<54400xf32, #tpu.memory_space<vmem>> -> memref<3200xf32, #tpu.memory_space<vmem>>
    %dma_wait3A_84 = tpu.memref_slice %arg3[%add3A_18] : memref<55705600xf32, #tpu.memory_space<hbm>> -> memref<3200xf32, #tpu.memory_space<hbm>>
    %dma_wait3A_85 = tpu.memref_slice %arg3[%add3A_18] : memref<55705600xf32, #tpu.memory_space<hbm>> -> memref<3200xf32, #tpu.memory_space<hbm>>
    %dma_wait3A_86 = arith.constant 0 : i32
    %dma_wait3A_87 = tpu.memref_slice %arg6[%dma_wait3A_86] : memref<54400xf32, #tpu.memory_space<vmem>> -> memref<3200xf32, #tpu.memory_space<vmem>>
    tpu.wait_dma2 semaphore(%arg10 : memref<!tpu.dma_semaphore, #tpu.memory_space<semaphore_mem>>) src(%dma_wait3A_87 : memref<3200xf32, #tpu.memory_space<vmem>>) dst(%dma_wait3A_85 : memref<3200xf32, #tpu.memory_space<hbm>>)
    %dma_wait3A_88 = arith.constant 3200 : i32
    %dma_wait3A_89 = tpu.memref_slice %arg6[%dma_wait3A_88] : memref<54400xf32, #tpu.memory_space<vmem>> -> memref<3200xf32, #tpu.memory_space<vmem>>
    %dma_wait3A_90 = tpu.memref_slice %arg3[%add3A_22] : memref<55705600xf32, #tpu.memory_space<hbm>> -> memref<3200xf32, #tpu.memory_space<hbm>>
    %dma_wait3A_91 = tpu.memref_slice %arg3[%add3A_22] : memref<55705600xf32, #tpu.memory_space<hbm>> -> memref<3200xf32, #tpu.memory_space<hbm>>
    %dma_wait3A_92 = arith.constant 3200 : i32
    %dma_wait3A_93 = tpu.memref_slice %arg6[%dma_wait3A_92] : memref<54400xf32, #tpu.memory_space<vmem>> -> memref<3200xf32, #tpu.memory_space<vmem>>
    tpu.wait_dma2 semaphore(%arg10 : memref<!tpu.dma_semaphore, #tpu.memory_space<semaphore_mem>>) src(%dma_wait3A_93 : memref<3200xf32, #tpu.memory_space<vmem>>) dst(%dma_wait3A_91 : memref<3200xf32, #tpu.memory_space<hbm>>)
    %dma_wait3A_94 = arith.constant 6400 : i32
    %dma_wait3A_95 = tpu.memref_slice %arg6[%dma_wait3A_94] : memref<54400xf32, #tpu.memory_space<vmem>> -> memref<3200xf32, #tpu.memory_space<vmem>>
    %dma_wait3A_96 = tpu.memref_slice %arg3[%add3A_26] : memref<55705600xf32, #tpu.memory_space<hbm>> -> memref<3200xf32, #tpu.memory_space<hbm>>
    %dma_wait3A_97 = tpu.memref_slice %arg3[%add3A_26] : memref<55705600xf32, #tpu.memory_space<hbm>> -> memref<3200xf32, #tpu.memory_space<hbm>>
    %dma_wait3A_98 = arith.constant 6400 : i32
    %dma_wait3A_99 = tpu.memref_slice %arg6[%dma_wait3A_98] : memref<54400xf32, #tpu.memory_space<vmem>> -> memref<3200xf32, #tpu.memory_space<vmem>>
    tpu.wait_dma2 semaphore(%arg10 : memref<!tpu.dma_semaphore, #tpu.memory_space<semaphore_mem>>) src(%dma_wait3A_99 : memref<3200xf32, #tpu.memory_space<vmem>>) dst(%dma_wait3A_97 : memref<3200xf32, #tpu.memory_space<hbm>>)
    %dma_wait3A_100 = arith.constant 9600 : i32
    %dma_wait3A_101 = tpu.memref_slice %arg6[%dma_wait3A_100] : memref<54400xf32, #tpu.memory_space<vmem>> -> memref<3200xf32, #tpu.memory_space<vmem>>
    %dma_wait3A_102 = tpu.memref_slice %arg3[%add3A_30] : memref<55705600xf32, #tpu.memory_space<hbm>> -> memref<3200xf32, #tpu.memory_space<hbm>>
    %dma_wait3A_103 = tpu.memref_slice %arg3[%add3A_30] : memref<55705600xf32, #tpu.memory_space<hbm>> -> memref<3200xf32, #tpu.memory_space<hbm>>
    %dma_wait3A_104 = arith.constant 9600 : i32
    %dma_wait3A_105 = tpu.memref_slice %arg6[%dma_wait3A_104] : memref<54400xf32, #tpu.memory_space<vmem>> -> memref<3200xf32, #tpu.memory_space<vmem>>
    tpu.wait_dma2 semaphore(%arg10 : memref<!tpu.dma_semaphore, #tpu.memory_space<semaphore_mem>>) src(%dma_wait3A_105 : memref<3200xf32, #tpu.memory_space<vmem>>) dst(%dma_wait3A_103 : memref<3200xf32, #tpu.memory_space<hbm>>)
    %dma_wait3A_106 = arith.constant 12800 : i32
    %dma_wait3A_107 = tpu.memref_slice %arg6[%dma_wait3A_106] : memref<54400xf32, #tpu.memory_space<vmem>> -> memref<3200xf32, #tpu.memory_space<vmem>>
    %dma_wait3A_108 = tpu.memref_slice %arg3[%add3A_34] : memref<55705600xf32, #tpu.memory_space<hbm>> -> memref<3200xf32, #tpu.memory_space<hbm>>
    %dma_wait3A_109 = tpu.memref_slice %arg3[%add3A_34] : memref<55705600xf32, #tpu.memory_space<hbm>> -> memref<3200xf32, #tpu.memory_space<hbm>>
    %dma_wait3A_110 = arith.constant 12800 : i32
    %dma_wait3A_111 = tpu.memref_slice %arg6[%dma_wait3A_110] : memref<54400xf32, #tpu.memory_space<vmem>> -> memref<3200xf32, #tpu.memory_space<vmem>>
    tpu.wait_dma2 semaphore(%arg10 : memref<!tpu.dma_semaphore, #tpu.memory_space<semaphore_mem>>) src(%dma_wait3A_111 : memref<3200xf32, #tpu.memory_space<vmem>>) dst(%dma_wait3A_109 : memref<3200xf32, #tpu.memory_space<hbm>>)
    %dma_wait3A_112 = arith.constant 16000 : i32
    %dma_wait3A_113 = tpu.memref_slice %arg6[%dma_wait3A_112] : memref<54400xf32, #tpu.memory_space<vmem>> -> memref<3200xf32, #tpu.memory_space<vmem>>
    %dma_wait3A_114 = tpu.memref_slice %arg3[%add3A_38] : memref<55705600xf32, #tpu.memory_space<hbm>> -> memref<3200xf32, #tpu.memory_space<hbm>>
    %dma_wait3A_115 = tpu.memref_slice %arg3[%add3A_38] : memref<55705600xf32, #tpu.memory_space<hbm>> -> memref<3200xf32, #tpu.memory_space<hbm>>
    %dma_wait3A_116 = arith.constant 16000 : i32
    %dma_wait3A_117 = tpu.memref_slice %arg6[%dma_wait3A_116] : memref<54400xf32, #tpu.memory_space<vmem>> -> memref<3200xf32, #tpu.memory_space<vmem>>
    tpu.wait_dma2 semaphore(%arg10 : memref<!tpu.dma_semaphore, #tpu.memory_space<semaphore_mem>>) src(%dma_wait3A_117 : memref<3200xf32, #tpu.memory_space<vmem>>) dst(%dma_wait3A_115 : memref<3200xf32, #tpu.memory_space<hbm>>)
    %dma_wait3A_118 = arith.constant 19200 : i32
    %dma_wait3A_119 = tpu.memref_slice %arg6[%dma_wait3A_118] : memref<54400xf32, #tpu.memory_space<vmem>> -> memref<3200xf32, #tpu.memory_space<vmem>>
    %dma_wait3A_120 = tpu.memref_slice %arg3[%add3A_42] : memref<55705600xf32, #tpu.memory_space<hbm>> -> memref<3200xf32, #tpu.memory_space<hbm>>
    %dma_wait3A_121 = tpu.memref_slice %arg3[%add3A_42] : memref<55705600xf32, #tpu.memory_space<hbm>> -> memref<3200xf32, #tpu.memory_space<hbm>>
    %dma_wait3A_122 = arith.constant 19200 : i32
    %dma_wait3A_123 = tpu.memref_slice %arg6[%dma_wait3A_122] : memref<54400xf32, #tpu.memory_space<vmem>> -> memref<3200xf32, #tpu.memory_space<vmem>>
    tpu.wait_dma2 semaphore(%arg10 : memref<!tpu.dma_semaphore, #tpu.memory_space<semaphore_mem>>) src(%dma_wait3A_123 : memref<3200xf32, #tpu.memory_space<vmem>>) dst(%dma_wait3A_121 : memref<3200xf32, #tpu.memory_space<hbm>>)
    %dma_wait3A_124 = arith.constant 22400 : i32
    %dma_wait3A_125 = tpu.memref_slice %arg6[%dma_wait3A_124] : memref<54400xf32, #tpu.memory_space<vmem>> -> memref<3200xf32, #tpu.memory_space<vmem>>
    %dma_wait3A_126 = tpu.memref_slice %arg3[%add3A_46] : memref<55705600xf32, #tpu.memory_space<hbm>> -> memref<3200xf32, #tpu.memory_space<hbm>>
    %dma_wait3A_127 = tpu.memref_slice %arg3[%add3A_46] : memref<55705600xf32, #tpu.memory_space<hbm>> -> memref<3200xf32, #tpu.memory_space<hbm>>
    %dma_wait3A_128 = arith.constant 22400 : i32
    %dma_wait3A_129 = tpu.memref_slice %arg6[%dma_wait3A_128] : memref<54400xf32, #tpu.memory_space<vmem>> -> memref<3200xf32, #tpu.memory_space<vmem>>
    tpu.wait_dma2 semaphore(%arg10 : memref<!tpu.dma_semaphore, #tpu.memory_space<semaphore_mem>>) src(%dma_wait3A_129 : memref<3200xf32, #tpu.memory_space<vmem>>) dst(%dma_wait3A_127 : memref<3200xf32, #tpu.memory_space<hbm>>)
    %dma_wait3A_130 = arith.constant 25600 : i32
    %dma_wait3A_131 = tpu.memref_slice %arg6[%dma_wait3A_130] : memref<54400xf32, #tpu.memory_space<vmem>> -> memref<3200xf32, #tpu.memory_space<vmem>>
    %dma_wait3A_132 = tpu.memref_slice %arg3[%add3A_50] : memref<55705600xf32, #tpu.memory_space<hbm>> -> memref<3200xf32, #tpu.memory_space<hbm>>
    %dma_wait3A_133 = tpu.memref_slice %arg3[%add3A_50] : memref<55705600xf32, #tpu.memory_space<hbm>> -> memref<3200xf32, #tpu.memory_space<hbm>>
    %dma_wait3A_134 = arith.constant 25600 : i32
    %dma_wait3A_135 = tpu.memref_slice %arg6[%dma_wait3A_134] : memref<54400xf32, #tpu.memory_space<vmem>> -> memref<3200xf32, #tpu.memory_space<vmem>>
    tpu.wait_dma2 semaphore(%arg10 : memref<!tpu.dma_semaphore, #tpu.memory_space<semaphore_mem>>) src(%dma_wait3A_135 : memref<3200xf32, #tpu.memory_space<vmem>>) dst(%dma_wait3A_133 : memref<3200xf32, #tpu.memory_space<hbm>>)
    %dma_wait3A_136 = arith.constant 28800 : i32
    %dma_wait3A_137 = tpu.memref_slice %arg6[%dma_wait3A_136] : memref<54400xf32, #tpu.memory_space<vmem>> -> memref<3200xf32, #tpu.memory_space<vmem>>
    %dma_wait3A_138 = tpu.memref_slice %arg3[%add3A_54] : memref<55705600xf32, #tpu.memory_space<hbm>> -> memref<3200xf32, #tpu.memory_space<hbm>>
    %dma_wait3A_139 = tpu.memref_slice %arg3[%add3A_54] : memref<55705600xf32, #tpu.memory_space<hbm>> -> memref<3200xf32, #tpu.memory_space<hbm>>
    %dma_wait3A_140 = arith.constant 28800 : i32
    %dma_wait3A_141 = tpu.memref_slice %arg6[%dma_wait3A_140] : memref<54400xf32, #tpu.memory_space<vmem>> -> memref<3200xf32, #tpu.memory_space<vmem>>
    tpu.wait_dma2 semaphore(%arg10 : memref<!tpu.dma_semaphore, #tpu.memory_space<semaphore_mem>>) src(%dma_wait3A_141 : memref<3200xf32, #tpu.memory_space<vmem>>) dst(%dma_wait3A_139 : memref<3200xf32, #tpu.memory_space<hbm>>)
    %dma_wait3A_142 = arith.constant 32000 : i32
    %dma_wait3A_143 = tpu.memref_slice %arg6[%dma_wait3A_142] : memref<54400xf32, #tpu.memory_space<vmem>> -> memref<3200xf32, #tpu.memory_space<vmem>>
    %dma_wait3A_144 = tpu.memref_slice %arg3[%add3A_58] : memref<55705600xf32, #tpu.memory_space<hbm>> -> memref<3200xf32, #tpu.memory_space<hbm>>
    %dma_wait3A_145 = tpu.memref_slice %arg3[%add3A_58] : memref<55705600xf32, #tpu.memory_space<hbm>> -> memref<3200xf32, #tpu.memory_space<hbm>>
    %dma_wait3A_146 = arith.constant 32000 : i32
    %dma_wait3A_147 = tpu.memref_slice %arg6[%dma_wait3A_146] : memref<54400xf32, #tpu.memory_space<vmem>> -> memref<3200xf32, #tpu.memory_space<vmem>>
    tpu.wait_dma2 semaphore(%arg10 : memref<!tpu.dma_semaphore, #tpu.memory_space<semaphore_mem>>) src(%dma_wait3A_147 : memref<3200xf32, #tpu.memory_space<vmem>>) dst(%dma_wait3A_145 : memref<3200xf32, #tpu.memory_space<hbm>>)
    %dma_wait3A_148 = arith.constant 35200 : i32
    %dma_wait3A_149 = tpu.memref_slice %arg6[%dma_wait3A_148] : memref<54400xf32, #tpu.memory_space<vmem>> -> memref<3200xf32, #tpu.memory_space<vmem>>
    %dma_wait3A_150 = tpu.memref_slice %arg3[%add3A_62] : memref<55705600xf32, #tpu.memory_space<hbm>> -> memref<3200xf32, #tpu.memory_space<hbm>>
    %dma_wait3A_151 = tpu.memref_slice %arg3[%add3A_62] : memref<55705600xf32, #tpu.memory_space<hbm>> -> memref<3200xf32, #tpu.memory_space<hbm>>
    %dma_wait3A_152 = arith.constant 35200 : i32
    %dma_wait3A_153 = tpu.memref_slice %arg6[%dma_wait3A_152] : memref<54400xf32, #tpu.memory_space<vmem>> -> memref<3200xf32, #tpu.memory_space<vmem>>
    tpu.wait_dma2 semaphore(%arg10 : memref<!tpu.dma_semaphore, #tpu.memory_space<semaphore_mem>>) src(%dma_wait3A_153 : memref<3200xf32, #tpu.memory_space<vmem>>) dst(%dma_wait3A_151 : memref<3200xf32, #tpu.memory_space<hbm>>)
    %dma_wait3A_154 = arith.constant 38400 : i32
    %dma_wait3A_155 = tpu.memref_slice %arg6[%dma_wait3A_154] : memref<54400xf32, #tpu.memory_space<vmem>> -> memref<3200xf32, #tpu.memory_space<vmem>>
    %dma_wait3A_156 = tpu.memref_slice %arg3[%add3A_66] : memref<55705600xf32, #tpu.memory_space<hbm>> -> memref<3200xf32, #tpu.memory_space<hbm>>
    %dma_wait3A_157 = tpu.memref_slice %arg3[%add3A_66] : memref<55705600xf32, #tpu.memory_space<hbm>> -> memref<3200xf32, #tpu.memory_space<hbm>>
    %dma_wait3A_158 = arith.constant 38400 : i32
    %dma_wait3A_159 = tpu.memref_slice %arg6[%dma_wait3A_158] : memref<54400xf32, #tpu.memory_space<vmem>> -> memref<3200xf32, #tpu.memory_space<vmem>>
    tpu.wait_dma2 semaphore(%arg10 : memref<!tpu.dma_semaphore, #tpu.memory_space<semaphore_mem>>) src(%dma_wait3A_159 : memref<3200xf32, #tpu.memory_space<vmem>>) dst(%dma_wait3A_157 : memref<3200xf32, #tpu.memory_space<hbm>>)
    %dma_wait3A_160 = arith.constant 41600 : i32
    %dma_wait3A_161 = tpu.memref_slice %arg6[%dma_wait3A_160] : memref<54400xf32, #tpu.memory_space<vmem>> -> memref<3200xf32, #tpu.memory_space<vmem>>
    %dma_wait3A_162 = tpu.memref_slice %arg3[%add3A_70] : memref<55705600xf32, #tpu.memory_space<hbm>> -> memref<3200xf32, #tpu.memory_space<hbm>>
    %dma_wait3A_163 = tpu.memref_slice %arg3[%add3A_70] : memref<55705600xf32, #tpu.memory_space<hbm>> -> memref<3200xf32, #tpu.memory_space<hbm>>
    %dma_wait3A_164 = arith.constant 41600 : i32
    %dma_wait3A_165 = tpu.memref_slice %arg6[%dma_wait3A_164] : memref<54400xf32, #tpu.memory_space<vmem>> -> memref<3200xf32, #tpu.memory_space<vmem>>
    tpu.wait_dma2 semaphore(%arg10 : memref<!tpu.dma_semaphore, #tpu.memory_space<semaphore_mem>>) src(%dma_wait3A_165 : memref<3200xf32, #tpu.memory_space<vmem>>) dst(%dma_wait3A_163 : memref<3200xf32, #tpu.memory_space<hbm>>)
    %dma_wait3A_166 = arith.constant 44800 : i32
    %dma_wait3A_167 = tpu.memref_slice %arg6[%dma_wait3A_166] : memref<54400xf32, #tpu.memory_space<vmem>> -> memref<3200xf32, #tpu.memory_space<vmem>>
    %dma_wait3A_168 = tpu.memref_slice %arg3[%add3A_74] : memref<55705600xf32, #tpu.memory_space<hbm>> -> memref<3200xf32, #tpu.memory_space<hbm>>
    %dma_wait3A_169 = tpu.memref_slice %arg3[%add3A_74] : memref<55705600xf32, #tpu.memory_space<hbm>> -> memref<3200xf32, #tpu.memory_space<hbm>>
    %dma_wait3A_170 = arith.constant 44800 : i32
    %dma_wait3A_171 = tpu.memref_slice %arg6[%dma_wait3A_170] : memref<54400xf32, #tpu.memory_space<vmem>> -> memref<3200xf32, #tpu.memory_space<vmem>>
    tpu.wait_dma2 semaphore(%arg10 : memref<!tpu.dma_semaphore, #tpu.memory_space<semaphore_mem>>) src(%dma_wait3A_171 : memref<3200xf32, #tpu.memory_space<vmem>>) dst(%dma_wait3A_169 : memref<3200xf32, #tpu.memory_space<hbm>>)
    %dma_wait3A_172 = arith.constant 48000 : i32
    %dma_wait3A_173 = tpu.memref_slice %arg6[%dma_wait3A_172] : memref<54400xf32, #tpu.memory_space<vmem>> -> memref<3200xf32, #tpu.memory_space<vmem>>
    %dma_wait3A_174 = tpu.memref_slice %arg3[%add3A_78] : memref<55705600xf32, #tpu.memory_space<hbm>> -> memref<3200xf32, #tpu.memory_space<hbm>>
    %dma_wait3A_175 = tpu.memref_slice %arg3[%add3A_78] : memref<55705600xf32, #tpu.memory_space<hbm>> -> memref<3200xf32, #tpu.memory_space<hbm>>
    %dma_wait3A_176 = arith.constant 48000 : i32
    %dma_wait3A_177 = tpu.memref_slice %arg6[%dma_wait3A_176] : memref<54400xf32, #tpu.memory_space<vmem>> -> memref<3200xf32, #tpu.memory_space<vmem>>
    tpu.wait_dma2 semaphore(%arg10 : memref<!tpu.dma_semaphore, #tpu.memory_space<semaphore_mem>>) src(%dma_wait3A_177 : memref<3200xf32, #tpu.memory_space<vmem>>) dst(%dma_wait3A_175 : memref<3200xf32, #tpu.memory_space<hbm>>)
    %dma_wait3A_178 = arith.constant 51200 : i32
    %dma_wait3A_179 = tpu.memref_slice %arg6[%dma_wait3A_178] : memref<54400xf32, #tpu.memory_space<vmem>> -> memref<3200xf32, #tpu.memory_space<vmem>>
    %dma_wait3A_180 = tpu.memref_slice %arg3[%add3A_82] : memref<55705600xf32, #tpu.memory_space<hbm>> -> memref<3200xf32, #tpu.memory_space<hbm>>
    %dma_wait3A_181 = tpu.memref_slice %arg3[%add3A_82] : memref<55705600xf32, #tpu.memory_space<hbm>> -> memref<3200xf32, #tpu.memory_space<hbm>>
    %dma_wait3A_182 = arith.constant 51200 : i32
    %dma_wait3A_183 = tpu.memref_slice %arg6[%dma_wait3A_182] : memref<54400xf32, #tpu.memory_space<vmem>> -> memref<3200xf32, #tpu.memory_space<vmem>>
    tpu.wait_dma2 semaphore(%arg10 : memref<!tpu.dma_semaphore, #tpu.memory_space<semaphore_mem>>) src(%dma_wait3A_183 : memref<3200xf32, #tpu.memory_space<vmem>>) dst(%dma_wait3A_181 : memref<3200xf32, #tpu.memory_space<hbm>>)
    %add3A_184 = arith.constant 0 : i32
    %add3A_185 = arith.addi %add3A_184, %mul3A_2 : i32
    %add3A_186 = arith.constant 99200 : i32
    %add3A_187 = arith.addi %add3A_185, %add3A_186 : i32
    %add3A_188 = arith.constant 3276800 : i32
    %add3A_189 = arith.addi %add3A_188, %mul3A_2 : i32
    %add3A_190 = arith.constant 99200 : i32
    %add3A_191 = arith.addi %add3A_189, %add3A_190 : i32
    %add3A_192 = arith.constant 6553600 : i32
    %add3A_193 = arith.addi %add3A_192, %mul3A_2 : i32
    %add3A_194 = arith.constant 99200 : i32
    %add3A_195 = arith.addi %add3A_193, %add3A_194 : i32
    %add3A_196 = arith.constant 9830400 : i32
    %add3A_197 = arith.addi %add3A_196, %mul3A_2 : i32
    %add3A_198 = arith.constant 99200 : i32
    %add3A_199 = arith.addi %add3A_197, %add3A_198 : i32
    %add3A_200 = arith.constant 13107200 : i32
    %add3A_201 = arith.addi %add3A_200, %mul3A_2 : i32
    %add3A_202 = arith.constant 99200 : i32
    %add3A_203 = arith.addi %add3A_201, %add3A_202 : i32
    %add3A_204 = arith.constant 16384000 : i32
    %add3A_205 = arith.addi %add3A_204, %mul3A_2 : i32
    %add3A_206 = arith.constant 99200 : i32
    %add3A_207 = arith.addi %add3A_205, %add3A_206 : i32
    %add3A_208 = arith.constant 19660800 : i32
    %add3A_209 = arith.addi %add3A_208, %mul3A_2 : i32
    %add3A_210 = arith.constant 99200 : i32
    %add3A_211 = arith.addi %add3A_209, %add3A_210 : i32
    %add3A_212 = arith.constant 22937600 : i32
    %add3A_213 = arith.addi %add3A_212, %mul3A_2 : i32
    %add3A_214 = arith.constant 99200 : i32
    %add3A_215 = arith.addi %add3A_213, %add3A_214 : i32
    %add3A_216 = arith.constant 26214400 : i32
    %add3A_217 = arith.addi %add3A_216, %mul3A_2 : i32
    %add3A_218 = arith.constant 99200 : i32
    %add3A_219 = arith.addi %add3A_217, %add3A_218 : i32
    %add3A_220 = arith.constant 29491200 : i32
    %add3A_221 = arith.addi %add3A_220, %mul3A_2 : i32
    %add3A_222 = arith.constant 99200 : i32
    %add3A_223 = arith.addi %add3A_221, %add3A_222 : i32
    %add3A_224 = arith.constant 32768000 : i32
    %add3A_225 = arith.addi %add3A_224, %mul3A_2 : i32
    %add3A_226 = arith.constant 99200 : i32
    %add3A_227 = arith.addi %add3A_225, %add3A_226 : i32
    %add3A_228 = arith.constant 36044800 : i32
    %add3A_229 = arith.addi %add3A_228, %mul3A_2 : i32
    %add3A_230 = arith.constant 99200 : i32
    %add3A_231 = arith.addi %add3A_229, %add3A_230 : i32
    %add3A_232 = arith.constant 39321600 : i32
    %add3A_233 = arith.addi %add3A_232, %mul3A_2 : i32
    %add3A_234 = arith.constant 99200 : i32
    %add3A_235 = arith.addi %add3A_233, %add3A_234 : i32
    %add3A_236 = arith.constant 42598400 : i32
    %add3A_237 = arith.addi %add3A_236, %mul3A_2 : i32
    %add3A_238 = arith.constant 99200 : i32
    %add3A_239 = arith.addi %add3A_237, %add3A_238 : i32
    %add3A_240 = arith.constant 45875200 : i32
    %add3A_241 = arith.addi %add3A_240, %mul3A_2 : i32
    %add3A_242 = arith.constant 99200 : i32
    %add3A_243 = arith.addi %add3A_241, %add3A_242 : i32
    %add3A_244 = arith.constant 49152000 : i32
    %add3A_245 = arith.addi %add3A_244, %mul3A_2 : i32
    %add3A_246 = arith.constant 99200 : i32
    %add3A_247 = arith.addi %add3A_245, %add3A_246 : i32
    %add3A_248 = arith.constant 52428800 : i32
    %add3A_249 = arith.addi %add3A_248, %mul3A_2 : i32
    %add3A_250 = arith.constant 99200 : i32
    %add3A_251 = arith.addi %add3A_249, %add3A_250 : i32
    %dma_wait3A_252 = arith.constant 0 : i32
    %dma_wait3A_253 = tpu.memref_slice %arg7[%dma_wait3A_252] : memref<54400xf32, #tpu.memory_space<vmem>> -> memref<3200xf32, #tpu.memory_space<vmem>>
    %dma_wait3A_254 = tpu.memref_slice %arg3[%add3A_187] : memref<55705600xf32, #tpu.memory_space<hbm>> -> memref<3200xf32, #tpu.memory_space<hbm>>
    %dma_wait3A_255 = tpu.memref_slice %arg3[%add3A_187] : memref<55705600xf32, #tpu.memory_space<hbm>> -> memref<3200xf32, #tpu.memory_space<hbm>>
    %dma_wait3A_256 = arith.constant 0 : i32
    %dma_wait3A_257 = tpu.memref_slice %arg7[%dma_wait3A_256] : memref<54400xf32, #tpu.memory_space<vmem>> -> memref<3200xf32, #tpu.memory_space<vmem>>
    tpu.wait_dma2 semaphore(%arg11 : memref<!tpu.dma_semaphore, #tpu.memory_space<semaphore_mem>>) src(%dma_wait3A_257 : memref<3200xf32, #tpu.memory_space<vmem>>) dst(%dma_wait3A_255 : memref<3200xf32, #tpu.memory_space<hbm>>)
    %dma_wait3A_258 = arith.constant 3200 : i32
    %dma_wait3A_259 = tpu.memref_slice %arg7[%dma_wait3A_258] : memref<54400xf32, #tpu.memory_space<vmem>> -> memref<3200xf32, #tpu.memory_space<vmem>>
    %dma_wait3A_260 = tpu.memref_slice %arg3[%add3A_191] : memref<55705600xf32, #tpu.memory_space<hbm>> -> memref<3200xf32, #tpu.memory_space<hbm>>
    %dma_wait3A_261 = tpu.memref_slice %arg3[%add3A_191] : memref<55705600xf32, #tpu.memory_space<hbm>> -> memref<3200xf32, #tpu.memory_space<hbm>>
    %dma_wait3A_262 = arith.constant 3200 : i32
    %dma_wait3A_263 = tpu.memref_slice %arg7[%dma_wait3A_262] : memref<54400xf32, #tpu.memory_space<vmem>> -> memref<3200xf32, #tpu.memory_space<vmem>>
    tpu.wait_dma2 semaphore(%arg11 : memref<!tpu.dma_semaphore, #tpu.memory_space<semaphore_mem>>) src(%dma_wait3A_263 : memref<3200xf32, #tpu.memory_space<vmem>>) dst(%dma_wait3A_261 : memref<3200xf32, #tpu.memory_space<hbm>>)
    %dma_wait3A_264 = arith.constant 6400 : i32
    %dma_wait3A_265 = tpu.memref_slice %arg7[%dma_wait3A_264] : memref<54400xf32, #tpu.memory_space<vmem>> -> memref<3200xf32, #tpu.memory_space<vmem>>
    %dma_wait3A_266 = tpu.memref_slice %arg3[%add3A_195] : memref<55705600xf32, #tpu.memory_space<hbm>> -> memref<3200xf32, #tpu.memory_space<hbm>>
    %dma_wait3A_267 = tpu.memref_slice %arg3[%add3A_195] : memref<55705600xf32, #tpu.memory_space<hbm>> -> memref<3200xf32, #tpu.memory_space<hbm>>
    %dma_wait3A_268 = arith.constant 6400 : i32
    %dma_wait3A_269 = tpu.memref_slice %arg7[%dma_wait3A_268] : memref<54400xf32, #tpu.memory_space<vmem>> -> memref<3200xf32, #tpu.memory_space<vmem>>
    tpu.wait_dma2 semaphore(%arg11 : memref<!tpu.dma_semaphore, #tpu.memory_space<semaphore_mem>>) src(%dma_wait3A_269 : memref<3200xf32, #tpu.memory_space<vmem>>) dst(%dma_wait3A_267 : memref<3200xf32, #tpu.memory_space<hbm>>)
    %dma_wait3A_270 = arith.constant 9600 : i32
    %dma_wait3A_271 = tpu.memref_slice %arg7[%dma_wait3A_270] : memref<54400xf32, #tpu.memory_space<vmem>> -> memref<3200xf32, #tpu.memory_space<vmem>>
    %dma_wait3A_272 = tpu.memref_slice %arg3[%add3A_199] : memref<55705600xf32, #tpu.memory_space<hbm>> -> memref<3200xf32, #tpu.memory_space<hbm>>
    %dma_wait3A_273 = tpu.memref_slice %arg3[%add3A_199] : memref<55705600xf32, #tpu.memory_space<hbm>> -> memref<3200xf32, #tpu.memory_space<hbm>>
    %dma_wait3A_274 = arith.constant 9600 : i32
    %dma_wait3A_275 = tpu.memref_slice %arg7[%dma_wait3A_274] : memref<54400xf32, #tpu.memory_space<vmem>> -> memref<3200xf32, #tpu.memory_space<vmem>>
    tpu.wait_dma2 semaphore(%arg11 : memref<!tpu.dma_semaphore, #tpu.memory_space<semaphore_mem>>) src(%dma_wait3A_275 : memref<3200xf32, #tpu.memory_space<vmem>>) dst(%dma_wait3A_273 : memref<3200xf32, #tpu.memory_space<hbm>>)
    %dma_wait3A_276 = arith.constant 12800 : i32
    %dma_wait3A_277 = tpu.memref_slice %arg7[%dma_wait3A_276] : memref<54400xf32, #tpu.memory_space<vmem>> -> memref<3200xf32, #tpu.memory_space<vmem>>
    %dma_wait3A_278 = tpu.memref_slice %arg3[%add3A_203] : memref<55705600xf32, #tpu.memory_space<hbm>> -> memref<3200xf32, #tpu.memory_space<hbm>>
    %dma_wait3A_279 = tpu.memref_slice %arg3[%add3A_203] : memref<55705600xf32, #tpu.memory_space<hbm>> -> memref<3200xf32, #tpu.memory_space<hbm>>
    %dma_wait3A_280 = arith.constant 12800 : i32
    %dma_wait3A_281 = tpu.memref_slice %arg7[%dma_wait3A_280] : memref<54400xf32, #tpu.memory_space<vmem>> -> memref<3200xf32, #tpu.memory_space<vmem>>
    tpu.wait_dma2 semaphore(%arg11 : memref<!tpu.dma_semaphore, #tpu.memory_space<semaphore_mem>>) src(%dma_wait3A_281 : memref<3200xf32, #tpu.memory_space<vmem>>) dst(%dma_wait3A_279 : memref<3200xf32, #tpu.memory_space<hbm>>)
    %dma_wait3A_282 = arith.constant 16000 : i32
    %dma_wait3A_283 = tpu.memref_slice %arg7[%dma_wait3A_282] : memref<54400xf32, #tpu.memory_space<vmem>> -> memref<3200xf32, #tpu.memory_space<vmem>>
    %dma_wait3A_284 = tpu.memref_slice %arg3[%add3A_207] : memref<55705600xf32, #tpu.memory_space<hbm>> -> memref<3200xf32, #tpu.memory_space<hbm>>
    %dma_wait3A_285 = tpu.memref_slice %arg3[%add3A_207] : memref<55705600xf32, #tpu.memory_space<hbm>> -> memref<3200xf32, #tpu.memory_space<hbm>>
    %dma_wait3A_286 = arith.constant 16000 : i32
    %dma_wait3A_287 = tpu.memref_slice %arg7[%dma_wait3A_286] : memref<54400xf32, #tpu.memory_space<vmem>> -> memref<3200xf32, #tpu.memory_space<vmem>>
    tpu.wait_dma2 semaphore(%arg11 : memref<!tpu.dma_semaphore, #tpu.memory_space<semaphore_mem>>) src(%dma_wait3A_287 : memref<3200xf32, #tpu.memory_space<vmem>>) dst(%dma_wait3A_285 : memref<3200xf32, #tpu.memory_space<hbm>>)
    %dma_wait3A_288 = arith.constant 19200 : i32
    %dma_wait3A_289 = tpu.memref_slice %arg7[%dma_wait3A_288] : memref<54400xf32, #tpu.memory_space<vmem>> -> memref<3200xf32, #tpu.memory_space<vmem>>
    %dma_wait3A_290 = tpu.memref_slice %arg3[%add3A_211] : memref<55705600xf32, #tpu.memory_space<hbm>> -> memref<3200xf32, #tpu.memory_space<hbm>>
    %dma_wait3A_291 = tpu.memref_slice %arg3[%add3A_211] : memref<55705600xf32, #tpu.memory_space<hbm>> -> memref<3200xf32, #tpu.memory_space<hbm>>
    %dma_wait3A_292 = arith.constant 19200 : i32
    %dma_wait3A_293 = tpu.memref_slice %arg7[%dma_wait3A_292] : memref<54400xf32, #tpu.memory_space<vmem>> -> memref<3200xf32, #tpu.memory_space<vmem>>
    tpu.wait_dma2 semaphore(%arg11 : memref<!tpu.dma_semaphore, #tpu.memory_space<semaphore_mem>>) src(%dma_wait3A_293 : memref<3200xf32, #tpu.memory_space<vmem>>) dst(%dma_wait3A_291 : memref<3200xf32, #tpu.memory_space<hbm>>)
    %dma_wait3A_294 = arith.constant 22400 : i32
    %dma_wait3A_295 = tpu.memref_slice %arg7[%dma_wait3A_294] : memref<54400xf32, #tpu.memory_space<vmem>> -> memref<3200xf32, #tpu.memory_space<vmem>>
    %dma_wait3A_296 = tpu.memref_slice %arg3[%add3A_215] : memref<55705600xf32, #tpu.memory_space<hbm>> -> memref<3200xf32, #tpu.memory_space<hbm>>
    %dma_wait3A_297 = tpu.memref_slice %arg3[%add3A_215] : memref<55705600xf32, #tpu.memory_space<hbm>> -> memref<3200xf32, #tpu.memory_space<hbm>>
    %dma_wait3A_298 = arith.constant 22400 : i32
    %dma_wait3A_299 = tpu.memref_slice %arg7[%dma_wait3A_298] : memref<54400xf32, #tpu.memory_space<vmem>> -> memref<3200xf32, #tpu.memory_space<vmem>>
    tpu.wait_dma2 semaphore(%arg11 : memref<!tpu.dma_semaphore, #tpu.memory_space<semaphore_mem>>) src(%dma_wait3A_299 : memref<3200xf32, #tpu.memory_space<vmem>>) dst(%dma_wait3A_297 : memref<3200xf32, #tpu.memory_space<hbm>>)
    %dma_wait3A_300 = arith.constant 25600 : i32
    %dma_wait3A_301 = tpu.memref_slice %arg7[%dma_wait3A_300] : memref<54400xf32, #tpu.memory_space<vmem>> -> memref<3200xf32, #tpu.memory_space<vmem>>
    %dma_wait3A_302 = tpu.memref_slice %arg3[%add3A_219] : memref<55705600xf32, #tpu.memory_space<hbm>> -> memref<3200xf32, #tpu.memory_space<hbm>>
    %dma_wait3A_303 = tpu.memref_slice %arg3[%add3A_219] : memref<55705600xf32, #tpu.memory_space<hbm>> -> memref<3200xf32, #tpu.memory_space<hbm>>
    %dma_wait3A_304 = arith.constant 25600 : i32
    %dma_wait3A_305 = tpu.memref_slice %arg7[%dma_wait3A_304] : memref<54400xf32, #tpu.memory_space<vmem>> -> memref<3200xf32, #tpu.memory_space<vmem>>
    tpu.wait_dma2 semaphore(%arg11 : memref<!tpu.dma_semaphore, #tpu.memory_space<semaphore_mem>>) src(%dma_wait3A_305 : memref<3200xf32, #tpu.memory_space<vmem>>) dst(%dma_wait3A_303 : memref<3200xf32, #tpu.memory_space<hbm>>)
    %dma_wait3A_306 = arith.constant 28800 : i32
    %dma_wait3A_307 = tpu.memref_slice %arg7[%dma_wait3A_306] : memref<54400xf32, #tpu.memory_space<vmem>> -> memref<3200xf32, #tpu.memory_space<vmem>>
    %dma_wait3A_308 = tpu.memref_slice %arg3[%add3A_223] : memref<55705600xf32, #tpu.memory_space<hbm>> -> memref<3200xf32, #tpu.memory_space<hbm>>
    %dma_wait3A_309 = tpu.memref_slice %arg3[%add3A_223] : memref<55705600xf32, #tpu.memory_space<hbm>> -> memref<3200xf32, #tpu.memory_space<hbm>>
    %dma_wait3A_310 = arith.constant 28800 : i32
    %dma_wait3A_311 = tpu.memref_slice %arg7[%dma_wait3A_310] : memref<54400xf32, #tpu.memory_space<vmem>> -> memref<3200xf32, #tpu.memory_space<vmem>>
    tpu.wait_dma2 semaphore(%arg11 : memref<!tpu.dma_semaphore, #tpu.memory_space<semaphore_mem>>) src(%dma_wait3A_311 : memref<3200xf32, #tpu.memory_space<vmem>>) dst(%dma_wait3A_309 : memref<3200xf32, #tpu.memory_space<hbm>>)
    %dma_wait3A_312 = arith.constant 32000 : i32
    %dma_wait3A_313 = tpu.memref_slice %arg7[%dma_wait3A_312] : memref<54400xf32, #tpu.memory_space<vmem>> -> memref<3200xf32, #tpu.memory_space<vmem>>
    %dma_wait3A_314 = tpu.memref_slice %arg3[%add3A_227] : memref<55705600xf32, #tpu.memory_space<hbm>> -> memref<3200xf32, #tpu.memory_space<hbm>>
    %dma_wait3A_315 = tpu.memref_slice %arg3[%add3A_227] : memref<55705600xf32, #tpu.memory_space<hbm>> -> memref<3200xf32, #tpu.memory_space<hbm>>
    %dma_wait3A_316 = arith.constant 32000 : i32
    %dma_wait3A_317 = tpu.memref_slice %arg7[%dma_wait3A_316] : memref<54400xf32, #tpu.memory_space<vmem>> -> memref<3200xf32, #tpu.memory_space<vmem>>
    tpu.wait_dma2 semaphore(%arg11 : memref<!tpu.dma_semaphore, #tpu.memory_space<semaphore_mem>>) src(%dma_wait3A_317 : memref<3200xf32, #tpu.memory_space<vmem>>) dst(%dma_wait3A_315 : memref<3200xf32, #tpu.memory_space<hbm>>)
    %dma_wait3A_318 = arith.constant 35200 : i32
    %dma_wait3A_319 = tpu.memref_slice %arg7[%dma_wait3A_318] : memref<54400xf32, #tpu.memory_space<vmem>> -> memref<3200xf32, #tpu.memory_space<vmem>>
    %dma_wait3A_320 = tpu.memref_slice %arg3[%add3A_231] : memref<55705600xf32, #tpu.memory_space<hbm>> -> memref<3200xf32, #tpu.memory_space<hbm>>
    %dma_wait3A_321 = tpu.memref_slice %arg3[%add3A_231] : memref<55705600xf32, #tpu.memory_space<hbm>> -> memref<3200xf32, #tpu.memory_space<hbm>>
    %dma_wait3A_322 = arith.constant 35200 : i32
    %dma_wait3A_323 = tpu.memref_slice %arg7[%dma_wait3A_322] : memref<54400xf32, #tpu.memory_space<vmem>> -> memref<3200xf32, #tpu.memory_space<vmem>>
    tpu.wait_dma2 semaphore(%arg11 : memref<!tpu.dma_semaphore, #tpu.memory_space<semaphore_mem>>) src(%dma_wait3A_323 : memref<3200xf32, #tpu.memory_space<vmem>>) dst(%dma_wait3A_321 : memref<3200xf32, #tpu.memory_space<hbm>>)
    %dma_wait3A_324 = arith.constant 38400 : i32
    %dma_wait3A_325 = tpu.memref_slice %arg7[%dma_wait3A_324] : memref<54400xf32, #tpu.memory_space<vmem>> -> memref<3200xf32, #tpu.memory_space<vmem>>
    %dma_wait3A_326 = tpu.memref_slice %arg3[%add3A_235] : memref<55705600xf32, #tpu.memory_space<hbm>> -> memref<3200xf32, #tpu.memory_space<hbm>>
    %dma_wait3A_327 = tpu.memref_slice %arg3[%add3A_235] : memref<55705600xf32, #tpu.memory_space<hbm>> -> memref<3200xf32, #tpu.memory_space<hbm>>
    %dma_wait3A_328 = arith.constant 38400 : i32
    %dma_wait3A_329 = tpu.memref_slice %arg7[%dma_wait3A_328] : memref<54400xf32, #tpu.memory_space<vmem>> -> memref<3200xf32, #tpu.memory_space<vmem>>
    tpu.wait_dma2 semaphore(%arg11 : memref<!tpu.dma_semaphore, #tpu.memory_space<semaphore_mem>>) src(%dma_wait3A_329 : memref<3200xf32, #tpu.memory_space<vmem>>) dst(%dma_wait3A_327 : memref<3200xf32, #tpu.memory_space<hbm>>)
    %dma_wait3A_330 = arith.constant 41600 : i32
    %dma_wait3A_331 = tpu.memref_slice %arg7[%dma_wait3A_330] : memref<54400xf32, #tpu.memory_space<vmem>> -> memref<3200xf32, #tpu.memory_space<vmem>>
    %dma_wait3A_332 = tpu.memref_slice %arg3[%add3A_239] : memref<55705600xf32, #tpu.memory_space<hbm>> -> memref<3200xf32, #tpu.memory_space<hbm>>
    %dma_wait3A_333 = tpu.memref_slice %arg3[%add3A_239] : memref<55705600xf32, #tpu.memory_space<hbm>> -> memref<3200xf32, #tpu.memory_space<hbm>>
    %dma_wait3A_334 = arith.constant 41600 : i32
    %dma_wait3A_335 = tpu.memref_slice %arg7[%dma_wait3A_334] : memref<54400xf32, #tpu.memory_space<vmem>> -> memref<3200xf32, #tpu.memory_space<vmem>>
    tpu.wait_dma2 semaphore(%arg11 : memref<!tpu.dma_semaphore, #tpu.memory_space<semaphore_mem>>) src(%dma_wait3A_335 : memref<3200xf32, #tpu.memory_space<vmem>>) dst(%dma_wait3A_333 : memref<3200xf32, #tpu.memory_space<hbm>>)
    %dma_wait3A_336 = arith.constant 44800 : i32
    %dma_wait3A_337 = tpu.memref_slice %arg7[%dma_wait3A_336] : memref<54400xf32, #tpu.memory_space<vmem>> -> memref<3200xf32, #tpu.memory_space<vmem>>
    %dma_wait3A_338 = tpu.memref_slice %arg3[%add3A_243] : memref<55705600xf32, #tpu.memory_space<hbm>> -> memref<3200xf32, #tpu.memory_space<hbm>>
    %dma_wait3A_339 = tpu.memref_slice %arg3[%add3A_243] : memref<55705600xf32, #tpu.memory_space<hbm>> -> memref<3200xf32, #tpu.memory_space<hbm>>
    %dma_wait3A_340 = arith.constant 44800 : i32
    %dma_wait3A_341 = tpu.memref_slice %arg7[%dma_wait3A_340] : memref<54400xf32, #tpu.memory_space<vmem>> -> memref<3200xf32, #tpu.memory_space<vmem>>
    tpu.wait_dma2 semaphore(%arg11 : memref<!tpu.dma_semaphore, #tpu.memory_space<semaphore_mem>>) src(%dma_wait3A_341 : memref<3200xf32, #tpu.memory_space<vmem>>) dst(%dma_wait3A_339 : memref<3200xf32, #tpu.memory_space<hbm>>)
    %dma_wait3A_342 = arith.constant 48000 : i32
    %dma_wait3A_343 = tpu.memref_slice %arg7[%dma_wait3A_342] : memref<54400xf32, #tpu.memory_space<vmem>> -> memref<3200xf32, #tpu.memory_space<vmem>>
    %dma_wait3A_344 = tpu.memref_slice %arg3[%add3A_247] : memref<55705600xf32, #tpu.memory_space<hbm>> -> memref<3200xf32, #tpu.memory_space<hbm>>
    %dma_wait3A_345 = tpu.memref_slice %arg3[%add3A_247] : memref<55705600xf32, #tpu.memory_space<hbm>> -> memref<3200xf32, #tpu.memory_space<hbm>>
    %dma_wait3A_346 = arith.constant 48000 : i32
    %dma_wait3A_347 = tpu.memref_slice %arg7[%dma_wait3A_346] : memref<54400xf32, #tpu.memory_space<vmem>> -> memref<3200xf32, #tpu.memory_space<vmem>>
    tpu.wait_dma2 semaphore(%arg11 : memref<!tpu.dma_semaphore, #tpu.memory_space<semaphore_mem>>) src(%dma_wait3A_347 : memref<3200xf32, #tpu.memory_space<vmem>>) dst(%dma_wait3A_345 : memref<3200xf32, #tpu.memory_space<hbm>>)
    %dma_wait3A_348 = arith.constant 51200 : i32
    %dma_wait3A_349 = tpu.memref_slice %arg7[%dma_wait3A_348] : memref<54400xf32, #tpu.memory_space<vmem>> -> memref<3200xf32, #tpu.memory_space<vmem>>
    %dma_wait3A_350 = tpu.memref_slice %arg3[%add3A_251] : memref<55705600xf32, #tpu.memory_space<hbm>> -> memref<3200xf32, #tpu.memory_space<hbm>>
    %dma_wait3A_351 = tpu.memref_slice %arg3[%add3A_251] : memref<55705600xf32, #tpu.memory_space<hbm>> -> memref<3200xf32, #tpu.memory_space<hbm>>
    %dma_wait3A_352 = arith.constant 51200 : i32
    %dma_wait3A_353 = tpu.memref_slice %arg7[%dma_wait3A_352] : memref<54400xf32, #tpu.memory_space<vmem>> -> memref<3200xf32, #tpu.memory_space<vmem>>
    tpu.wait_dma2 semaphore(%arg11 : memref<!tpu.dma_semaphore, #tpu.memory_space<semaphore_mem>>) src(%dma_wait3A_353 : memref<3200xf32, #tpu.memory_space<vmem>>) dst(%dma_wait3A_351 : memref<3200xf32, #tpu.memory_space<hbm>>)
    return
  }
}

</mosaic_0001>

<sc_bundles>
// kernel: kernel.3.cloned.1.call-start
scs
__scs_entry_jumppad:
0x0: {  	(pc) =	sbr.rel $0x88, $3  }
0x1: {  	(tag) =	ssettag $0x0;
	lr =	simm.s32 $0x1  }
0x2: {  	[smem:$0x3FA0] =	sst lr;
	_ =	strace $0xD0000000  }
0x3: {  	_ = 	snop  }
0x4: {  	_ = 	snop  }
0x5: {  	_ = 	snop  }
0x6: {  	_ = 	snop  }
0x7: {  	_ = 	snop  }
__scs_overlays_trampoline_lowered:
0x8: {  	[smem:$0x3FAF] =	sst s0  }
0x9: {  	[smem:$0x3FB0] =	sst s1  }
0xa: {  	[smem:$0x3FB1] =	sst s2  }
0xb: {  	[smem:$0x3FB2] =	sst s3  }
0xc: {  	[smem:$0x3FB3] =	sst s4  }
0xd: {  	[smem:$0x3FB4] =	sst s5  }
0xe: {  	[smem:$0x3FB5] =	sst s6  }
0xf: {  	[smem:$0x3FB6] =	sst s7  }
0x10: {  	[smem:$0x3FB7] =	sst s8  }
0x11: {  	[smem:$0x3FB8] =	sst s9;
	s0 =	simm.s32 @!p0 $0x0  }
0x12: {  	s1 =	sld [smem:$0x3F9E];
	s0 =	simm.s32 @p0 $0x1  }
0x13: {  	[smem:$0x3FB9] =	sst s0;
	s0 =	simm.s32 @!p1 $0x0  }
0x14: {  	s2 =	sld [smem:$0x3F9D];
	s0 =	simm.s32 @p1 $0x1  }
0x15: {  	[smem:$0x3FBA] =	sst s0;
	s0 =	simm.s32 @!p2 $0x0  }
0x16: {  	s3 =	sld [smem:$0x3FDB];
	s0 =	simm.s32 @p2 $0x1  }
0x17: {  	s4 =	simm.s32 $0x1BF5;
	[smem:$0x3FBC] =	sst s0  }
0x18: {  	s0 =	sld [smem:$0x3F9F];
	_ =	swait.ge [sflag:s4], $0x0  }
0x19: {  	s7 =	sld [smem:$0x3FA0]  }
0x1a: {  	s8 =	sadd.s32 $0xFFFFE003, lr  }
0x1b: {  	s9 =	sadd.s32 $0xFFFFFEF7, lr;
	s5 =	simm.s32 $0xFFFFFFFF;
	p2 =	slt.u32 s8, $0xFFFFF086  }
0x1c: {  	p1 =	slt.u32 s9, $0xF7A;
	s5 =	simm.s32 @!p2 $0x0  }
0x1d: {  	s5 =	simm.s32 @p1 $0x1;
	p0 =	seq.s32 s7, s2  }
0x1e: {  	s7 =	smul.u32 @!p0 $0xF7A, s2;
	p2 =	seq.s32 @!p0 s5, $0x0  }
0x1f: {  	s9 =	smul.u32 $0xF7A, s1;
	s8 =	simm.s32 @!p0 $0x1BF5;
	p2 =	por !p2, p0  }
0x20: {  	[sflag:s8] =	ssyncset.s32 @!p0 $0xFFFFF086;
	s6 =	sadd.s32 @!p0 s3, s7;
	s7 =	simm.s32 @!p0 $0x108  }
0x21: {  	s3 =	sadd.s32 s3, s9;
	s6 =	sadd.s32 @!p0 $0x88, s6;
	s7 =	simm.s32 @p2 $0x1082  }
0x22: {  	[simem:s7], [sflag:s8] =	dma.local @!p0 [hbm:s6], $0xF7A  }
0x23: {  	s9 =	sor.u32 $0xD0000000, s2;
	s6 =	simm.s32 $0x108;
	_ =	swait.ge @!p0 [sflag:s8], $0x0  }
0x24: {  	s3 =	sadd.s32 $0x88, s3;
	s6 =	simm.s32 @!p1 $0x1082;
	[sflag:s4] =	ssyncset.s32 $0xFFFFF086  }
0x25: {  	[simem:s6], [sflag:s4] =	dma.local [hbm:s3], $0xF7A  }
0x26: {  	[smem:$0x3FA0] =	sst s1;
	(tag) =	ssettag s2;
	_ =	strace s9  }
0x27: {  	s1 =	sld [smem:$0x3FB0]  }
0x28: {  	s2 =	sld [smem:$0x3FB1]  }
0x29: {  	s4 =	sld [smem:$0x3FB3]  }
0x2a: {  	p0 =	seq.s32 s5, $0x0;
	s5 =	sld [smem:$0x3FB4]  }
0x2b: {  	s6 =	sld [smem:$0x3FB5]  }
0x2c: {  	s7 =	sld [smem:$0x3FB6]  }
0x2d: {  	s3 =	simm.s32 $0x108;
	s8 =	sld [smem:$0x3FB7]  }
0x2e: {  	s3 =	simm.s32 @!p0 $0x1082;
	s9 =	sld [smem:$0x3FB8]  }
0x2f: {  	lr =	sadd.s32 s0, s3;
	s0 =	sld [smem:$0x3FAF]  }
0x30: {  	s3 =	sld [smem:$0x3FB2]  }
0x31: {  	[smem:$0x3FBB] =	sst s10  }
0x32: {  	s10 =	sld [smem:$0x3FB9];
	_ =	sdelay $0x3  }
0x33: {  	p0 =	seq.s32 s10, $0x1;
	s10 =	sld [smem:$0x3FBB];
	_ =	sdelay $0x3  }
0x34: {  	[smem:$0x3FBB] =	sst s10  }
0x35: {  	s10 =	sld [smem:$0x3FBA];
	_ =	sdelay $0x3  }
0x36: {  	p1 =	seq.s32 s10, $0x1;
	s10 =	sld [smem:$0x3FBB];
	_ =	sdelay $0x3  }
0x37: {  	[smem:$0x3FBB] =	sst s10  }
0x38: {  	s10 =	sld [smem:$0x3FBC]  }
0x39: {  	_ = 	snop;
	(pc) =	sbr.ind lr, $3  }
0x3a: {  	_ = 	snop  }
0x3b: {  	_ = 	snop  }
0x3c: {  	p2 =	seq.s32 s10, $0x1;
	s10 =	sld [smem:$0x3FBB]  }
0x3d: {  	_ =	shalt  }
0x3e: {  	_ =	shalt  }
0x3f: {  	_ =	shalt  }
0x40: {  	_ =	shalt  }
0x41: {  	_ =	shalt  }
0x42: {  	_ =	shalt  }
0x43: {  	_ =	shalt  }
0x44: {  	_ =	shalt  }
0x45: {  	_ =	shalt  }
0x46: {  	_ =	shalt  }
0x47: {  	_ =	shalt  }
0x48: {  	_ =	shalt  }
0x49: {  	_ =	shalt  }
0x4a: {  	_ =	shalt  }
0x4b: {  	_ =	shalt  }
0x4c: {  	_ =	shalt  }
0x4d: {  	_ =	shalt  }
0x4e: {  	_ =	shalt  }
0x4f: {  	_ =	shalt  }
0x50: {  	_ =	shalt  }
0x51: {  	_ =	shalt  }
0x52: {  	_ =	shalt  }
0x53: {  	_ =	shalt  }
0x54: {  	_ =	shalt  }
0x55: {  	_ =	shalt  }
0x56: {  	_ =	shalt  }
0x57: {  	_ =	shalt  }
0x58: {  	_ =	shalt  }
0x59: {  	_ =	shalt  }
0x5a: {  	_ =	shalt  }
0x5b: {  	_ =	shalt  }
0x5c: {  	_ =	shalt  }
0x5d: {  	_ =	shalt  }
0x5e: {  	_ =	shalt  }
0x5f: {  	_ =	shalt  }
0x60: {  	_ =	shalt  }
0x61: {  	_ =	shalt  }
0x62: {  	_ =	shalt  }
0x63: {  	_ =	shalt  }
0x64: {  	_ =	shalt  }
0x65: {  	_ =	shalt  }
0x66: {  	_ =	shalt  }
0x67: {  	_ =	shalt  }
0x68: {  	_ =	shalt  }
0x69: {  	_ =	shalt  }
0x6a: {  	_ =	shalt  }
0x6b: {  	_ =	shalt  }
0x6c: {  	_ =	shalt  }
0x6d: {  	_ =	shalt  }
0x6e: {  	_ =	shalt  }
0x6f: {  	_ =	shalt  }
0x70: {  	_ =	shalt  }
0x71: {  	_ =	shalt  }
0x72: {  	_ =	shalt  }
0x73: {  	_ =	shalt  }
0x74: {  	_ =	shalt  }
0x75: {  	_ =	shalt  }
0x76: {  	_ =	shalt  }
0x77: {  	_ =	shalt  }
0x78: {  	_ =	shalt  }
0x79: {  	_ =	shalt  }
0x7a: {  	_ =	shalt  }
0x7b: {  	_ =	shalt  }
0x7c: {  	_ =	shalt  }
0x7d: {  	_ =	shalt  }
0x7e: {  	_ =	shalt  }
0x7f: {  	_ =	shalt  }
0x80: {  	_ =	shalt  }
0x81: {  	_ =	shalt  }
0x82: {  	_ =	shalt  }
0x83: {  	_ =	shalt  }
0x84: {  	_ =	shalt  }
0x85: {  	_ =	shalt  }
0x86: {  	_ =	shalt  }
0x87: {  	_ =	shalt  }
.Lfunc_end0:
.L_simem_size_0:
called_computation_lowered:
.L_overlay_start_0:
0x88: {  	s2 =	sld [smem:$0x3FD9]  }
0x89: {  	s3 =	sld [smem:$0x3FFE];
	_ =	sdelay $0x1  }
0x8a: {  	s1 =	srdreg.scid  }
0x8b: {  	s0 =	sand.u32 $0x1, s1  }
0x8c: {  	s18 =	sshll.u32 s0, $0xA;
	s2 =	sadd.s32 s3, s2  }
0x8d: {  	s2 =	sadd.s32 s2, s18  }
0x8e: {  	[smem:$0x3FC7] =	sst s2  }
0x8f: {  	_ = 	snop  }
0x90: {  	s2 =	sld [smem:$0x3FC9]  }
0x91: {  	s19 =	sld [smem:$0x3FD0];
	(tm) =	ssettm $0x1  }
0x92: {  	s4 =	sld [smem:$0x3FFB];
	_ =	sdelay $0x3  }
0x93: {  	_ =	strace s4  }
0x94: {  	s4 =	sld [smem:$0x3FFC];
	_ =	sdelay $0x3  }
0x95: {  	_ =	strace s4  }
0x96: {  	s4 =	sld [smem:$0x3FFD];
	_ =	sdelay $0x3  }
0x97: {  	_ =	strace s4  }
0x98: {  	_ =	strace $0x8FFFFFFF  }
0x99: {  	s20 =	sld [smem:$0x3FDB];
	_ =	sdelay $0x1  }
0x9a: {  	s5 =	simm.s32 $_scs_section_size  }
0x9b: {  	s6 =	simm.s32 $_size__tile_overlayer_lowered;
	s7 =	simm.s32 $_tile_overlayer_lowered  }
0x9c: {  	s23 =	simm.s32 $0x1BFF;
	s22 =	sshll.u32 s7, $0x1;
	s4 =	sadd.s32 s5, s20  }
0x9d: {  	s8 =	simm.s32 $0x0;
	s21 =	sshll.u32 s6, $0x1;
	s6 =	sadd.s32 s22, s4  }
0x9e: {  	[timem:s8], [sflag:s23] =	dma.local [hbm:s6], s21  }
0x9f: {  	_ =	swait.ge [sflag:s23], s21  }
0xa0: {  	s5 =	ssub.s32 $0x0, s21;
	[sflag:s23] =	ssyncset.done $0x0  }
0xa1: {  	[sflag:s23] =	ssyncadd.s32 s5;
	_ =	sdelay $0x1  }
0xa2: {  	s24 =	simm.s32 $0x1B8B  }
0xa3: {  	_ =	swait.ge [sflag:s24], $0x1  }
0xa4: {  	[sflag:s24] =	ssyncset.done $0x0  }
0xa5: {  	s25 =	simm.s32 $0x1B8E;
	[sflag:s24] =	ssyncadd.s32 $0xFFFFFFFF  }
0xa6: {  	s26 =	simm.s32 $execute0_lowered;
	[smem:$0x3FD2] =	sst s25  }
0xa7: {  	s5 =	sshll.u32 s26, $0x1;
	_ =	strace $0x80000046;
	[dreg:$0x1] =	wrdreg $0xFFFFFFFF  }
0xa8: {  	s28 =	simm.s32 $_size_execute0_lowered;
	s4 =	sadd.s32 s4, s5;
	[dreg:$0x0] =	wrdreg $0x0  }
0xa9: {  	s5 =	sshll.u32 s28, $0x1;
	[dreg:$0x2] =	wrdreg s4  }
0xaa: {  	[dreg:$0x3] =	wrdreg s5  }
0xab: {  	[dreg:$0x4] =	wrdreg $0xC0  }
0xac: {  	_ =	task [dreg:s8], $0x5FFFF  }
0xad: {  	[dreg:$0x1] =	wrdreg $0xFFFFFFFF  }
0xae: {  	[dreg:$0x0] =	wrdreg $0x60  }
0xaf: {  	[dreg:$0x2] =	wrdreg s2  }
0xb0: {  	[dreg:$0x3] =	wrdreg s19  }
0xb1: {  	[dreg:$0x4] =	wrdreg $0x9  }
0xb2: {  	_ =	task.clear_ibuf [dreg:s8], $0x5FFFF;
	_ =	strace $0x90000046  }
0xb3: {  	s29 =	simm.s32 $0x9;
	_ =	strace $0x80000048  }
0xb4: {  	_ =	swait.ge [sflag:s29], $0x1  }
0xb5: {  	[sflag:s29] =	ssyncadd.s32 $0xFFFFFFFF  }
0xb6: {  	_ =	strace $0x90000048  }
0xb7: {  	_ =	sfence  }
0xb8: {  	s30 =	sld [smem:$0x0];
	_ =	sdelay $0x2  }
0xb9: {  	s31 =	sshll.u32 s1, $0xD;
	s1 =	sshrl.u32 s1, $0x2  }
0xba: {  	s3 =	sand.u32 $0x4000, s31;
	s1 =	sadd.s32 s1, s30  }
0xbb: {  	s0 =	sor.u32 s3, s0;
	s1 =	sshll.u32 s1, $0x11  }
0xbc: {  	s0 =	sor.u32 s1, s0  }
0xbd: {  	s0 =	sadd.s32 $0x8F2B, s0  }
0xbe: {  	[sflag:s0] =	ssyncadd.remote.s32 $0x1  }
0xbf: {  	_ =	sfence.sel $0xFFFF  }
0xc0: {  	[dreg:$0x0] =	wrdreg $0xFFFFFFFF;
	(pc) =	sbr.abs _section_cstart, $3  }
0xc1: {  	[dreg:$0x1] =	wrdreg $0xFFFFFFFF  }
0xc2: {  	_ =	task.clear_ibuf [dreg:s8], $0x2FFFF;
	_ =	strace $0x9FFFFFFF  }
0xc3: {  	(tm) =	ssettm $0x7FFFFFFF  }
tec
execute0_lowered:
.L_overlay_start_1:
0x0: {  	(tag) =	ssettag $0x1  }
0x1: {  	s0 =	srdreg.scid;
	s2 =	rddreg [dreg:$0x0]  }
0x2: {  	s1 =	stileid.u32;
	s3 =	rddreg [dreg:$0x1]  }
0x3: {  	s5 =	simm.s32 $0x0;
	s0 =	sand.u32 $0x1, s0;
	s1 =	sshll.u32 s1, $0x1  }
0x4: {  	s29 =	simm.s32 $0x1;
	s1 =	sor.u32 s0, s1;
	s0 =	ssub.s32 $0x2, s0  }
0x5: {  	[smem:$0x7FF] =	sst s5;
	s4 =	smul.u32 $0x19000, s1;
	s28 =	sshrl.u32 s0, $0x1  }
0x6: {  	s31 =	simm.s32 $0x2;
	_ =	strace $0x80000047;
	s0 =	ssub.s32 s0, s28  }
0x7: {  	s6 =	sshrl.u32 s4, $0x3;
	s8 =	sadd.s32 $0x320000, s4;
	s9 =	sadd.s32 $0x640000, s4  }
0x8: {  	s10 =	sadd.s32 $0x960000, s4;
	s11 =	sadd.s32 $0xC80000, s4;
	s12 =	sadd.s32 $0xFA0000, s4  }
0x9: {  	s13 =	sadd.s32 $0x12C0000, s4;
	s14 =	sadd.s32 $0x15E0000, s4;
	s15 =	sadd.s32 $0x1900000, s4  }
0xa: {  	s16 =	sadd.s32 $0x1C20000, s4;
	s17 =	sadd.s32 $0x1F40000, s4;
	s18 =	sadd.s32 $0x2260000, s4  }
.Ltmp0:
0xb: {  	s19 =	sadd.s32 $0x2580000, s4;
	s20 =	sadd.s32 $0x28A0000, s4;
	(pc) =	sbr.rel .LBB2_1-.Ltmp0, $4  }
0xc: {  	s21 =	sadd.s32 $0x2BC0000, s4;
	s22 =	sadd.s32 $0x2EE0000, s4;
	s0 =	smax.u32 s0, $0x1  }
0xd: {  	s23 =	sadd.s32 $0x3200000, s4;
	s30 =	sadd.s32 s2, s6;
	[dreg:$0x5] =	wrdreg s0  }
0xe: {  	s24 =	sadd.s32 $0x1900, s4;
	[dreg:$0x3] =	wrdreg s30;
	s1 =	sadd.s32 $0x190, s30  }
0xf: {  	s26 =	sadd.s32 $0x2580, s4;
	s6 =	simm.s32 $0x0;
	[dreg:$0x4] =	wrdreg s1  }
.LBB2_8:
0x10: {  	s0 =	simm.s32 $0x3  }
0x11: {  	_ =	swait.ge [sflag:s0], $0xC80  }
0x12: {  	[sflag:s0] =	ssyncset.done $0x0  }
0x13: {  	[sflag:s0] =	ssyncadd.s32 $0xFFFFF380  }
0x14: {  	_ =	swait.ge [sflag:s0], $0xC80  }
0x15: {  	[sflag:s0] =	ssyncset.done $0x0  }
0x16: {  	[sflag:s0] =	ssyncadd.s32 $0xFFFFF380  }
0x17: {  	_ =	swait.ge [sflag:s0], $0xC80  }
0x18: {  	[sflag:s0] =	ssyncset.done $0x0  }
0x19: {  	[sflag:s0] =	ssyncadd.s32 $0xFFFFF380  }
0x1a: {  	_ =	swait.ge [sflag:s0], $0xC80  }
0x1b: {  	[sflag:s0] =	ssyncset.done $0x0  }
0x1c: {  	[sflag:s0] =	ssyncadd.s32 $0xFFFFF380  }
0x1d: {  	_ =	swait.ge [sflag:s0], $0xC80  }
0x1e: {  	[sflag:s0] =	ssyncset.done $0x0  }
0x1f: {  	[sflag:s0] =	ssyncadd.s32 $0xFFFFF380  }
0x20: {  	_ =	swait.ge [sflag:s0], $0xC80  }
0x21: {  	[sflag:s0] =	ssyncset.done $0x0  }
0x22: {  	[sflag:s0] =	ssyncadd.s32 $0xFFFFF380  }
0x23: {  	_ =	swait.ge [sflag:s0], $0xC80  }
0x24: {  	[sflag:s0] =	ssyncset.done $0x0  }
0x25: {  	[sflag:s0] =	ssyncadd.s32 $0xFFFFF380  }
0x26: {  	_ =	swait.ge [sflag:s0], $0xC80  }
0x27: {  	[sflag:s0] =	ssyncset.done $0x0  }
0x28: {  	[sflag:s0] =	ssyncadd.s32 $0xFFFFF380  }
0x29: {  	_ =	swait.ge [sflag:s0], $0xC80  }
0x2a: {  	[sflag:s0] =	ssyncset.done $0x0  }
0x2b: {  	[sflag:s0] =	ssyncadd.s32 $0xFFFFF380  }
0x2c: {  	_ =	swait.ge [sflag:s0], $0xC80  }
0x2d: {  	[sflag:s0] =	ssyncset.done $0x0  }
0x2e: {  	[sflag:s0] =	ssyncadd.s32 $0xFFFFF380  }
0x2f: {  	_ =	swait.ge [sflag:s0], $0xC80  }
0x30: {  	[sflag:s0] =	ssyncset.done $0x0  }
0x31: {  	[sflag:s0] =	ssyncadd.s32 $0xFFFFF380  }
0x32: {  	_ =	swait.ge [sflag:s0], $0xC80  }
0x33: {  	[sflag:s0] =	ssyncset.done $0x0  }
0x34: {  	[sflag:s0] =	ssyncadd.s32 $0xFFFFF380  }
0x35: {  	_ =	swait.ge [sflag:s0], $0xC80  }
0x36: {  	[sflag:s0] =	ssyncset.done $0x0  }
0x37: {  	[sflag:s0] =	ssyncadd.s32 $0xFFFFF380  }
0x38: {  	_ =	swait.ge [sflag:s0], $0xC80  }
0x39: {  	[sflag:s0] =	ssyncset.done $0x0  }
0x3a: {  	[sflag:s0] =	ssyncadd.s32 $0xFFFFF380  }
0x3b: {  	_ =	swait.ge [sflag:s0], $0xC80  }
0x3c: {  	[sflag:s0] =	ssyncset.done $0x0  }
0x3d: {  	[sflag:s0] =	ssyncadd.s32 $0xFFFFF380  }
0x3e: {  	_ =	swait.ge [sflag:s0], $0xC80  }
0x3f: {  	[sflag:s0] =	ssyncset.done $0x0  }
0x40: {  	[sflag:s0] =	ssyncadd.s32 $0xFFFFF380  }
0x41: {  	_ =	swait.ge [sflag:s0], $0xC80  }
0x42: {  	[sflag:s0] =	ssyncset.done $0x0  }
0x43: {  	s1 =	simm.s32 $0x4;
	[sflag:s0] =	ssyncadd.s32 $0xFFFFF380  }
0x44: {  	_ =	swait.ge [sflag:s1], $0xC80  }
0x45: {  	[sflag:s1] =	ssyncset.done $0x0  }
0x46: {  	[sflag:s1] =	ssyncadd.s32 $0xFFFFF380  }
0x47: {  	_ =	swait.ge [sflag:s1], $0xC80  }
0x48: {  	[sflag:s1] =	ssyncset.done $0x0  }
0x49: {  	[sflag:s1] =	ssyncadd.s32 $0xFFFFF380  }
0x4a: {  	_ =	swait.ge [sflag:s1], $0xC80  }
0x4b: {  	[sflag:s1] =	ssyncset.done $0x0  }
0x4c: {  	[sflag:s1] =	ssyncadd.s32 $0xFFFFF380  }
0x4d: {  	_ =	swait.ge [sflag:s1], $0xC80  }
0x4e: {  	[sflag:s1] =	ssyncset.done $0x0  }
0x4f: {  	[sflag:s1] =	ssyncadd.s32 $0xFFFFF380  }
0x50: {  	_ =	swait.ge [sflag:s1], $0xC80  }
0x51: {  	[sflag:s1] =	ssyncset.done $0x0  }
0x52: {  	[sflag:s1] =	ssyncadd.s32 $0xFFFFF380  }
0x53: {  	_ =	swait.ge [sflag:s1], $0xC80  }
0x54: {  	[sflag:s1] =	ssyncset.done $0x0  }
0x55: {  	[sflag:s1] =	ssyncadd.s32 $0xFFFFF380  }
0x56: {  	_ =	swait.ge [sflag:s1], $0xC80  }
0x57: {  	[sflag:s1] =	ssyncset.done $0x0  }
0x58: {  	[sflag:s1] =	ssyncadd.s32 $0xFFFFF380  }
0x59: {  	_ =	swait.ge [sflag:s1], $0xC80  }
0x5a: {  	[sflag:s1] =	ssyncset.done $0x0  }
0x5b: {  	[sflag:s1] =	ssyncadd.s32 $0xFFFFF380  }
0x5c: {  	_ =	swait.ge [sflag:s1], $0xC80  }
0x5d: {  	[sflag:s1] =	ssyncset.done $0x0  }
0x5e: {  	[sflag:s1] =	ssyncadd.s32 $0xFFFFF380  }
0x5f: {  	_ =	swait.ge [sflag:s1], $0xC80  }
0x60: {  	[sflag:s1] =	ssyncset.done $0x0  }
0x61: {  	[sflag:s1] =	ssyncadd.s32 $0xFFFFF380  }
0x62: {  	_ =	swait.ge [sflag:s1], $0xC80  }
0x63: {  	[sflag:s1] =	ssyncset.done $0x0  }
0x64: {  	[sflag:s1] =	ssyncadd.s32 $0xFFFFF380  }
0x65: {  	_ =	swait.ge [sflag:s1], $0xC80  }
0x66: {  	[sflag:s1] =	ssyncset.done $0x0  }
0x67: {  	[sflag:s1] =	ssyncadd.s32 $0xFFFFF380  }
0x68: {  	_ =	swait.ge [sflag:s1], $0xC80  }
0x69: {  	[sflag:s1] =	ssyncset.done $0x0  }
0x6a: {  	[sflag:s1] =	ssyncadd.s32 $0xFFFFF380  }
0x6b: {  	_ =	swait.ge [sflag:s1], $0xC80  }
0x6c: {  	[sflag:s1] =	ssyncset.done $0x0  }
0x6d: {  	[sflag:s1] =	ssyncadd.s32 $0xFFFFF380  }
0x6e: {  	_ =	swait.ge [sflag:s1], $0xC80  }
0x6f: {  	[sflag:s1] =	ssyncset.done $0x0  }
0x70: {  	[sflag:s1] =	ssyncadd.s32 $0xFFFFF380  }
0x71: {  	_ =	swait.ge [sflag:s1], $0xC80  }
0x72: {  	[sflag:s1] =	ssyncset.done $0x0  }
0x73: {  	[sflag:s1] =	ssyncadd.s32 $0xFFFFF380  }
0x74: {  	_ =	swait.ge [sflag:s1], $0xC80  }
0x75: {  	s6 =	rddreg [dreg:$0x6]  }
0x76: {  	s30 =	rddreg [dreg:$0x5];
	s6 =	sadd.s32 $0x1, s6  }
0x77: {  	p0 =	sne.s32 s6, s30  }
.Ltmp1:
0x78: {  	_ = 	snop;
	(pc) =	sbr.rel @!p0 .LBB2_9-.Ltmp1, $3  }
0x79: {  	_ =	sdelay $0x1  }
0x7a: {  	[sflag:s1] =	ssyncset.done $0x0  }
0x7b: {  	[sflag:s1] =	ssyncadd.s32 $0xFFFFF380  }
.LBB2_1:
0x7c: {  	[dreg:$0x6] =	wrdreg s6  }
0x7d: {  	s0 =	rddreg [dreg:$0x3]  }
0x7e: {  	[tilespmem:s5], [sflag:$0x1] =	stream.linear.gather [hbm4b:s0+s5], $0xC80, $0x38;
	[tilespmem:$0x1C200] =	vst v63  }
0x7f: {  	s30 =	rddreg [dreg:$0x4];
	s1 =	simm.s32 $0xC80;
	s28 =	simm.s32 $0x0  }
0x80: {  	[tilespmem:s1], [sflag:$0x2] =	stream.linear.gather [hbm4b:s30+s5], $0xC80, $0x38;
	[tilespmem:$0x1C200] =	vst v63  }
.LBB2_2:
0x81: {  	_ =	swait.ge [sflag:s29], $0xC80  }
0x82: {  	p0 =	seq.s32 s28, $0x0;
	[sflag:s29] =	ssyncset.done $0x0  }
0x83: {  	s0 =	simm.s32 @!p0 $0x3;
	[sflag:s29] =	ssyncadd.s32 $0xFFFFF380  }
0x84: {  	_ =	swait.ge @!p0 [sflag:s0], $0xC80  }
0x85: {  	[sflag:s0] =	ssyncset.done @!p0 $0x0  }
0x86: {  	[sflag:s0] =	ssyncadd.s32 @!p0 $0xFFFFF380  }
0x87: {  	_ =	swait.ge @!p0 [sflag:s0], $0xC80  }
0x88: {  	[sflag:s0] =	ssyncset.done @!p0 $0x0  }
0x89: {  	[sflag:s0] =	ssyncadd.s32 @!p0 $0xFFFFF380  }
0x8a: {  	_ =	swait.ge @!p0 [sflag:s0], $0xC80  }
0x8b: {  	[sflag:s0] =	ssyncset.done @!p0 $0x0  }
0x8c: {  	[sflag:s0] =	ssyncadd.s32 @!p0 $0xFFFFF380  }
0x8d: {  	_ =	swait.ge @!p0 [sflag:s0], $0xC80  }
0x8e: {  	[sflag:s0] =	ssyncset.done @!p0 $0x0  }
0x8f: {  	[sflag:s0] =	ssyncadd.s32 @!p0 $0xFFFFF380  }
0x90: {  	_ =	swait.ge @!p0 [sflag:s0], $0xC80  }
0x91: {  	[sflag:s0] =	ssyncset.done @!p0 $0x0  }
0x92: {  	[sflag:s0] =	ssyncadd.s32 @!p0 $0xFFFFF380  }
0x93: {  	_ =	swait.ge @!p0 [sflag:s0], $0xC80  }
0x94: {  	[sflag:s0] =	ssyncset.done @!p0 $0x0  }
0x95: {  	[sflag:s0] =	ssyncadd.s32 @!p0 $0xFFFFF380  }
0x96: {  	_ =	swait.ge @!p0 [sflag:s0], $0xC80  }
0x97: {  	[sflag:s0] =	ssyncset.done @!p0 $0x0  }
0x98: {  	[sflag:s0] =	ssyncadd.s32 @!p0 $0xFFFFF380  }
0x99: {  	_ =	swait.ge @!p0 [sflag:s0], $0xC80  }
0x9a: {  	[sflag:s0] =	ssyncset.done @!p0 $0x0  }
0x9b: {  	[sflag:s0] =	ssyncadd.s32 @!p0 $0xFFFFF380  }
0x9c: {  	_ =	swait.ge @!p0 [sflag:s0], $0xC80  }
0x9d: {  	[sflag:s0] =	ssyncset.done @!p0 $0x0  }
0x9e: {  	[sflag:s0] =	ssyncadd.s32 @!p0 $0xFFFFF380  }
0x9f: {  	_ =	swait.ge @!p0 [sflag:s0], $0xC80  }
0xa0: {  	[sflag:s0] =	ssyncset.done @!p0 $0x0  }
0xa1: {  	[sflag:s0] =	ssyncadd.s32 @!p0 $0xFFFFF380  }
0xa2: {  	_ =	swait.ge @!p0 [sflag:s0], $0xC80  }
0xa3: {  	[sflag:s0] =	ssyncset.done @!p0 $0x0  }
0xa4: {  	[sflag:s0] =	ssyncadd.s32 @!p0 $0xFFFFF380  }
0xa5: {  	_ =	swait.ge @!p0 [sflag:s0], $0xC80  }
0xa6: {  	[sflag:s0] =	ssyncset.done @!p0 $0x0  }
0xa7: {  	[sflag:s0] =	ssyncadd.s32 @!p0 $0xFFFFF380  }
0xa8: {  	_ =	swait.ge @!p0 [sflag:s0], $0xC80  }
0xa9: {  	[sflag:s0] =	ssyncset.done @!p0 $0x0  }
0xaa: {  	[sflag:s0] =	ssyncadd.s32 @!p0 $0xFFFFF380  }
0xab: {  	_ =	swait.ge @!p0 [sflag:s0], $0xC80  }
0xac: {  	[sflag:s0] =	ssyncset.done @!p0 $0x0  }
0xad: {  	[sflag:s0] =	ssyncadd.s32 @!p0 $0xFFFFF380  }
0xae: {  	_ =	swait.ge @!p0 [sflag:s0], $0xC80  }
0xaf: {  	[sflag:s0] =	ssyncset.done @!p0 $0x0  }
0xb0: {  	[sflag:s0] =	ssyncadd.s32 @!p0 $0xFFFFF380  }
0xb1: {  	_ =	swait.ge @!p0 [sflag:s0], $0xC80  }
0xb2: {  	[sflag:s0] =	ssyncset.done @!p0 $0x0  }
0xb3: {  	[sflag:s0] =	ssyncadd.s32 @!p0 $0xFFFFF380  }
0xb4: {  	s30 =	smul.u32 $0x1900, s28;
	_ =	swait.ge @!p0 [sflag:s0], $0xC80  }
0xb5: {  	s7 =	simm.s32 $0x0;
	[sflag:s0] =	ssyncset.done @!p0 $0x0  }
0xb6: {  	s1 =	sadd.s32 s4, s30;
	[sflag:s0] =	ssyncadd.s32 @!p0 $0xFFFFF380;
	s0 =	simm.s32 $0xFFFFFFF8  }
.LBB2_3:
0xb7: {  	s25 =	sshra.s32 s7, $0x2  }
0xb8: {  	v0 =	vld [tilespmem:s25+$0x0]  }
0xb9: {  	v10 =	vld [tilespmem:s25+$0x10]  }
0xba: {  	v24 =	vld [tilespmem:s25+$0x20];
	_ =	sdelay $0x4  }
0xbb: {  	vm0 =	vgt.s32 v0, $0xFFFF0001;
	vm9 =	vgt.s32 v10, $0xFFFF0001;
	vm10 =	vgt.s32 v24, $0xFFFF0001  }
0xbc: {  	v42 =	vshrl.u32 v24, $0xF;
	v1 =	vnsel vm0, $0xFFFF0001, v0;
	v0 =	vshrl.u32 v0, $0xF  }
0xbd: {  	v16 =	vnsel vm9, $0xFFFF0001, v10;
	v10 =	vshrl.u32 v10, $0xF;
	v35 =	vnsel vm10, $0xFFFF0001, v24  }
0xbe: {  	v44 =	vand.u32 $0x10000, v42;
	vm0 =	vlt.s32 v1, $0xFFFF;
	v0 =	vand.u32 $0x10000, v0  }
0xbf: {  	v10 =	vand.u32 $0x10000, v10;
	v1 =	vnsel vm0, $0xFFFF, v1;
	vm0 =	vlt.s32 v16, $0xFFFF  }
0xc0: {  	v2 =	vsub.s32 $0x0, v1;
	v16 =	vnsel vm0, $0xFFFF, v16;
	vm0 =	vlt.s32 v35, $0xFFFF  }
0xc1: {  	v1 =	vmin.u32 v1, v2;
	v18 =	vsub.s32 $0x0, v16;
	v38 =	vnsel vm0, $0xFFFF, v35  }
0xc2: {  	v0 =	vadd.s32 v0, v1;
	v2 =	vshrl.u32 v1, $0xF;
	v3 =	vshrl.u32 v1, $0xE  }
0xc3: {  	v4 =	vshrl.u32 v1, $0xD;
	v5 =	vshrl.u32 v1, $0xC;
	v6 =	vshrl.u32 v1, $0xB  }
0xc4: {  	v7 =	vshrl.u32 v1, $0xA;
	v8 =	vshrl.u32 v1, $0x9;
	v9 =	vshrl.u32 v1, $0x8  }
0xc5: {  	v11 =	vshrl.u32 v1, $0x7;
	v12 =	vshrl.u32 v1, $0x6;
	v13 =	vshrl.u32 v1, $0x5  }
0xc6: {  	v14 =	vshrl.u32 v1, $0x4;
	v15 =	vshrl.u32 v1, $0x3;
	v17 =	vshrl.u32 v1, $0x2  }
0xc7: {  	v16 =	vmin.u32 v16, v18;
	v45 =	vshrl.u32 v1, $0x1;
	v1 =	vand.u32 $0x1, v1  }
0xc8: {  	v41 =	vsub.s32 $0x0, v38;
	v0 =	vshrl.u32 v0, $0x10;
	v2 =	vcvt.s32.f32 v2  }
0xc9: {  	v3 =	vand.u32 $0x1, v3;
	v4 =	vand.u32 $0x1, v4;
	v5 =	vand.u32 $0x1, v5  }
0xca: {  	v6 =	vand.u32 $0x1, v6;
	v7 =	vand.u32 $0x1, v7;
	v8 =	vand.u32 $0x1, v8  }
0xcb: {  	v9 =	vand.u32 $0x1, v9;
	v11 =	vand.u32 $0x1, v11;
	v12 =	vand.u32 $0x1, v12  }
0xcc: {  	v13 =	vand.u32 $0x1, v13;
	v14 =	vand.u32 $0x1, v14;
	v15 =	vand.u32 $0x1, v15  }
0xcd: {  	v17 =	vand.u32 $0x1, v17;
	v47 =	vand.u32 $0x1, v45;
	v1 =	vcvt.s32.f32 v1  }
0xce: {  	v10 =	vadd.s32 v10, v16;
	v50 =	vshrl.u32 v16, $0xE;
	v0 =	vcvt.s32.f32 v0;
	[tilespmem:s25+$0x2580] =	vst v2  }
0xcf: {  	v51 =	vshrl.u32 v16, $0xF;
	v52 =	vshrl.u32 v16, $0xD;
	v3 =	vcvt.s32.f32 v3;
	[tilespmem:s25+$0xE100] =	vst v1  }
0xd0: {  	v56 =	vshrl.u32 v16, $0xC;
	v57 =	vshrl.u32 v16, $0xB;
	v4 =	vcvt.s32.f32 v4;
	[tilespmem:s25+$0x1900] =	vst v0  }
0xd1: {  	v60 =	vshrl.u32 v16, $0xA;
	v20 =	vshrl.u32 v16, $0x9;
	v5 =	vcvt.s32.f32 v5;
	[tilespmem:s25+$0x3200] =	vst v3  }
0xd2: {  	v21 =	vshrl.u32 v16, $0x8;
	v23 =	vshrl.u32 v16, $0x7;
	v6 =	vcvt.s32.f32 v6;
	[tilespmem:s25+$0x3E80] =	vst v4  }
0xd3: {  	v26 =	vshrl.u32 v16, $0x6;
	v27 =	vshrl.u32 v16, $0x5;
	v7 =	vcvt.s32.f32 v7;
	[tilespmem:s25+$0x4B00] =	vst v5  }
0xd4: {  	v29 =	vshrl.u32 v16, $0x4;
	v32 =	vshrl.u32 v16, $0x3;
	v8 =	vcvt.s32.f32 v8;
	[tilespmem:s25+$0x5780] =	vst v6  }
0xd5: {  	v34 =	vshrl.u32 v16, $0x2;
	v9 =	vcvt.s32.f32 v9;
	v11 =	vcvt.s32.f32 v11;
	[tilespmem:s25+$0x6400] =	vst v7  }
0xd6: {  	v39 =	vshrl.u32 v16, $0x1;
	v12 =	vcvt.s32.f32 v12;
	v13 =	vcvt.s32.f32 v13;
	[tilespmem:s25+$0x7080] =	vst v8  }
0xd7: {  	v43 =	vand.u32 $0x1, v16;
	v14 =	vcvt.s32.f32 v14;
	v15 =	vcvt.s32.f32 v15;
	[tilespmem:s25+$0x7D00] =	vst v9  }
0xd8: {  	v46 =	vcvt.s32.f32 v17;
	v48 =	vcvt.s32.f32 v47;
	v10 =	vshrl.u32 v10, $0x10;
	[tilespmem:s25+$0x8980] =	vst v11  }
0xd9: {  	v54 =	vand.u32 $0x1, v52;
	v58 =	vand.u32 $0x1, v56;
	v59 =	vand.u32 $0x1, v57;
	[tilespmem:s25+$0x9600] =	vst v12  }
0xda: {  	v62 =	vand.u32 $0x1, v60;
	v22 =	vand.u32 $0x1, v21;
	v25 =	vand.u32 $0x1, v23;
	[tilespmem:s25+$0xA280] =	vst v13  }
0xdb: {  	v28 =	vand.u32 $0x1, v27;
	v30 =	vand.u32 $0x1, v29;
	v49 =	vcvt.s32.f32 v10;
	[tilespmem:s25+$0xAF00] =	vst v14  }
0xdc: {  	v33 =	vand.u32 $0x1, v32;
	v55 =	vcvt.s32.f32 v54;
	v61 =	vcvt.s32.f32 v59;
	[tilespmem:s25+$0xBB80] =	vst v15  }
0xdd: {  	v37 =	vand.u32 $0x1, v34;
	v63 =	vcvt.s32.f32 v62;
	v31 =	vcvt.s32.f32 v30;
	[tilespmem:s25+$0xC800] =	vst v46  }
0xde: {  	v10 =	vand.u32 $0x1, v50;
	v36 =	vcvt.s32.f32 v33;
	v2 =	vcvt.s32.f32 v37;
	[tilespmem:s25+$0xD480] =	vst v48  }
0xdf: {  	v40 =	vand.u32 $0x1, v39;
	v4 =	vcvt.s32.f32 v51;
	v53 =	vcvt.s32.f32 v10;
	[tilespmem:s25+$0x1910] =	vst v49  }
0xe0: {  	v7 =	vcvt.s32.f32 v58;
	v10 =	vand.u32 $0x1, v20;
	v11 =	vcvt.s32.f32 v22;
	[tilespmem:s25+$0x3E90] =	vst v55  }
0xe1: {  	v12 =	vcvt.s32.f32 v25;
	v13 =	vand.u32 $0x1, v26;
	v14 =	vcvt.s32.f32 v28;
	[tilespmem:s25+$0x5790] =	vst v61  }
0xe2: {  	v3 =	vmin.u32 v38, v41;
	v5 =	vcvt.s32.f32 v43;
	v10 =	vcvt.s32.f32 v10;
	[tilespmem:s25+$0x6410] =	vst v63  }
0xe3: {  	v13 =	vcvt.s32.f32 v13;
	v45 =	vadd.s32 v44, v3;
	v46 =	vshrl.u32 v3, $0xF;
	[tilespmem:s25+$0xAF10] =	vst v31  }
0xe4: {  	v47 =	vshrl.u32 v3, $0xE;
	v49 =	vshrl.u32 v3, $0xD;
	v50 =	vshrl.u32 v3, $0xC;
	[tilespmem:s25+$0xBB90] =	vst v36  }
0xe5: {  	v52 =	vshrl.u32 v3, $0xB;
	v54 =	vshrl.u32 v3, $0xA;
	v55 =	vshrl.u32 v3, $0x9;
	[tilespmem:s25+$0xC810] =	vst v2  }
0xe6: {  	v57 =	vshrl.u32 v3, $0x8;
	v61 =	vshrl.u32 v3, $0x7;
	v62 =	vshrl.u32 v3, $0x6;
	[tilespmem:s25+$0x2590] =	vst v4  }
0xe7: {  	v19 =	vshrl.u32 v3, $0x5;
	v23 =	vshrl.u32 v3, $0x4;
	v25 =	vshrl.u32 v3, $0x3;
	[tilespmem:s25+$0x3210] =	vst v53  }
0xe8: {  	v29 =	vshrl.u32 v3, $0x2;
	v33 =	vshrl.u32 v3, $0x1;
	v3 =	vand.u32 $0x1, v3;
	[tilespmem:s25+$0x4B10] =	vst v7  }
0xe9: {  	v4 =	vcvt.s32.f32 v40;
	v6 =	vshrl.u32 v45, $0x10;
	v7 =	vcvt.s32.f32 v46;
	[tilespmem:s25+$0x7D10] =	vst v11  }
0xea: {  	v48 =	vand.u32 $0x1, v47;
	v9 =	vand.u32 $0x1, v49;
	v51 =	vand.u32 $0x1, v50;
	[tilespmem:s25+$0x8990] =	vst v12  }
0xeb: {  	v53 =	vand.u32 $0x1, v52;
	v12 =	vand.u32 $0x1, v54;
	v56 =	vand.u32 $0x1, v55;
	[tilespmem:s25+$0xA290] =	vst v14  }
0xec: {  	v59 =	vand.u32 $0x1, v57;
	v63 =	vand.u32 $0x1, v61;
	[tilespmem:s25+$0xE110] =	vst v5;
	v3 =	vcvt.s32.f32 v3  }
0xed: {  	v58 =	vld [tilespmem:s25+$0x30];
	v18 =	vand.u32 $0x1, v62;
	v6 =	vcvt.s32.f32 v6;
	v8 =	vcvt.s32.f32 v48;
	[tilespmem:s25+$0x7090] =	vst v10  }
0xee: {  	v21 =	vand.u32 $0x1, v19;
	v9 =	vcvt.s32.f32 v9;
	v10 =	vcvt.s32.f32 v51;
	[tilespmem:s25+$0x9610] =	vst v13  }
0xef: {  	v24 =	vand.u32 $0x1, v23;
	v11 =	vcvt.s32.f32 v53;
	v12 =	vcvt.s32.f32 v12;
	[tilespmem:s25+$0xD490] =	vst v4  }
0xf0: {  	v27 =	vand.u32 $0x1, v25;
	v55 =	vld [tilespmem:s25+$0x40];
	v13 =	vcvt.s32.f32 v56;
	v60 =	vcvt.s32.f32 v59;
	[tilespmem:s25+$0x25A0] =	vst v7  }
0xf1: {  	v30 =	vand.u32 $0x1, v29;
	v1 =	vcvt.s32.f32 v63;
	v20 =	vcvt.s32.f32 v18;
	[tilespmem:s25+$0xE120] =	vst v3  }
0xf2: {  	v22 =	vcvt.s32.f32 v21;
	v5 =	vcvt.s32.f32 v24;
	vm11 =	vgt.s32 v58, $0xFFFF0001;
	[tilespmem:s25+$0x1920] =	vst v6  }
0xf3: {  	v6 =	vcvt.s32.f32 v27;
	[tilespmem:s25+$0x3220] =	vst v8;
	v32 =	vshrl.u32 v58, $0xF;
	v26 =	vnsel vm11, $0xFFFF0001, v58  }
0xf4: {  	[tilespmem:s25+$0x3EA0] =	vst v9;
	v8 =	vcvt.s32.f32 v30;
	v9 =	vand.u32 $0x1, v33;
	vm0 =	vlt.s32 v26, $0xFFFF  }
0xf5: {  	[tilespmem:s25+$0x4B20] =	vst v10;
	v34 =	vand.u32 $0x10000, v32;
	vm12 =	vgt.s32 v55, $0xFFFF0001;
	v28 =	vnsel vm0, $0xFFFF, v26  }
0xf6: {  	[tilespmem:s25+$0xA2A0] =	vst v22;
	v9 =	vcvt.s32.f32 v9;
	v22 =	vnsel vm12, $0xFFFF0001, v55;
	v31 =	vsub.s32 $0x0, v28  }
0xf7: {  	[tilespmem:s25+$0x57A0] =	vst v11;
	v30 =	vshrl.u32 v55, $0xF;
	vm0 =	vlt.s32 v22, $0xFFFF;
	v7 =	vmin.u32 v28, v31  }
0xf8: {  	[tilespmem:s25+$0x6420] =	vst v12;
	v33 =	vand.u32 $0x10000, v30;
	v26 =	vnsel vm0, $0xFFFF, v22;
	v35 =	vadd.s32 v34, v7  }
0xf9: {  	[tilespmem:s25+$0x70A0] =	vst v13;
	v36 =	vshrl.u32 v7, $0xE;
	v37 =	vshrl.u32 v7, $0xF;
	v38 =	vshrl.u32 v7, $0xD  }
0xfa: {  	[tilespmem:s25+$0x7D20] =	vst v60;
	v42 =	vshrl.u32 v7, $0xC;
	v43 =	vshrl.u32 v7, $0xB;
	v46 =	vshrl.u32 v7, $0xA  }
0xfb: {  	[tilespmem:s25+$0x89A0] =	vst v1;
	v50 =	vshrl.u32 v7, $0x9;
	v51 =	vshrl.u32 v7, $0x8;
	v54 =	vshrl.u32 v7, $0x7  }
0xfc: {  	[tilespmem:s25+$0x9620] =	vst v20;
	v59 =	vshrl.u32 v7, $0x6;
	v60 =	vshrl.u32 v7, $0x5;
	v63 =	vshrl.u32 v7, $0x4  }
0xfd: {  	[tilespmem:s25+$0xAF20] =	vst v5;
	v19 =	vshrl.u32 v7, $0x3;
	v21 =	vshrl.u32 v7, $0x2;
	v27 =	vshrl.u32 v7, $0x1  }
0xfe: {  	[tilespmem:s25+$0xBBA0] =	vst v6;
	v29 =	vsub.s32 $0x0, v26;
	v31 =	vand.u32 $0x1, v7;
	v10 =	vshrl.u32 v35, $0x10  }
0xff: {  	[tilespmem:s25+$0xC820] =	vst v8;
	v11 =	vand.u32 $0x1, v36;
	v39 =	vcvt.s32.f32 v37;
	v40 =	vand.u32 $0x1, v38  }
0x100: {  	[tilespmem:s25+$0xD4A0] =	vst v9;
	v44 =	vand.u32 $0x1, v42;
	v45 =	vand.u32 $0x1, v43;
	v5 =	vcvt.s32.f32 v31  }
0x101: {  	v48 =	vand.u32 $0x1, v46;
	v52 =	vand.u32 $0x1, v50;
	v10 =	vcvt.s32.f32 v10;
	[tilespmem:s25+$0x25B0] =	vst v39  }
0x102: {  	v53 =	vand.u32 $0x1, v51;
	v57 =	vand.u32 $0x1, v54;
	v11 =	vcvt.s32.f32 v11;
	[tilespmem:s25+$0xE130] =	vst v5  }
0x103: {  	v61 =	vand.u32 $0x1, v59;
	v62 =	vand.u32 $0x1, v60;
	v41 =	vcvt.s32.f32 v40;
	[tilespmem:s25+$0x1930] =	vst v10  }
0x104: {  	v17 =	vand.u32 $0x1, v63;
	v2 =	vcvt.s32.f32 v44;
	v47 =	vcvt.s32.f32 v45;
	[tilespmem:s25+$0x3230] =	vst v11  }
0x105: {  	v20 =	vand.u32 $0x1, v19;
	v49 =	vcvt.s32.f32 v48;
	v6 =	vcvt.s32.f32 v52;
	[tilespmem:s25+$0x3EB0] =	vst v41  }
0x106: {  	v24 =	vand.u32 $0x1, v21;
	v56 =	vcvt.s32.f32 v53;
	v58 =	vcvt.s32.f32 v57;
	[tilespmem:s25+$0x4B30] =	vst v2  }
0x107: {  	v28 =	vand.u32 $0x1, v27;
	v3 =	vcvt.s32.f32 v61;
	v16 =	vcvt.s32.f32 v62;
	[tilespmem:s25+$0x57B0] =	vst v47  }
0x108: {  	v32 =	vmin.u32 v26, v29;
	v18 =	vcvt.s32.f32 v17;
	v23 =	vcvt.s32.f32 v20;
	[tilespmem:s25+$0x6430] =	vst v49  }
0x109: {  	v25 =	vcvt.s32.f32 v24;
	v4 =	vcvt.s32.f32 v28;
	v34 =	vadd.s32 v33, v32;
	[tilespmem:s25+$0x70B0] =	vst v6  }
0x10a: {  	v35 =	vshrl.u32 v32, $0xF;
	v36 =	vshrl.u32 v32, $0xE;
	v40 =	vshrl.u32 v32, $0xC;
	[tilespmem:s25+$0x7D30] =	vst v56  }
0x10b: {  	v42 =	vshrl.u32 v32, $0xB;
	v48 =	vshrl.u32 v32, $0x9;
	v51 =	vshrl.u32 v32, $0x8;
	[tilespmem:s25+$0x89B0] =	vst v58  }
0x10c: {  	v57 =	vshrl.u32 v32, $0x6;
	v60 =	vshrl.u32 v32, $0x5;
	v13 =	vshrl.u32 v32, $0x4;
	[tilespmem:s25+$0x9630] =	vst v3  }
0x10d: {  	v15 =	vshrl.u32 v32, $0x3;
	v20 =	vshrl.u32 v32, $0x2;
	v29 =	vand.u32 $0x1, v32;
	[tilespmem:s25+$0xA2B0] =	vst v16  }
0x10e: {  	v8 =	vcvt.s32.f32 v35;
	v37 =	vand.u32 $0x1, v36;
	v39 =	vshrl.u32 v32, $0xD;
	[tilespmem:s25+$0xAF30] =	vst v18  }
0x10f: {  	v45 =	vand.u32 $0x1, v42;
	v50 =	vand.u32 $0x1, v48;
	v54 =	vand.u32 $0x1, v51;
	[tilespmem:s25+$0xBBB0] =	vst v23  }
0x110: {  	v59 =	vand.u32 $0x1, v57;
	v62 =	vand.u32 $0x1, v60;
	v14 =	vand.u32 $0x1, v13;
	[tilespmem:s25+$0xC830] =	vst v25  }
0x111: {  	v17 =	vand.u32 $0x1, v15;
	v21 =	vand.u32 $0x1, v20;
	v38 =	vcvt.s32.f32 v37;
	[tilespmem:s25+$0xD4B0] =	vst v4  }
0x112: {  	v6 =	vshrl.u32 v34, $0x10;
	v9 =	vand.u32 $0x1, v39;
	v46 =	vcvt.s32.f32 v45;
	[tilespmem:s25+$0x25C0] =	vst v8  }
0x113: {  	v52 =	vld [tilespmem:s25+$0x50];
	v41 =	vand.u32 $0x1, v40;
	v53 =	vcvt.s32.f32 v50;
	v55 =	vcvt.s32.f32 v54;
	[tilespmem:s25+$0x3240] =	vst v38  }
0x114: {  	v47 =	vshrl.u32 v32, $0xA;
	v61 =	vcvt.s32.f32 v59;
	v63 =	vcvt.s32.f32 v62;
	[tilespmem:s25+$0x57C0] =	vst v46  }
0x115: {  	v56 =	vshrl.u32 v32, $0x7;
	v0 =	vcvt.s32.f32 v14;
	v18 =	vcvt.s32.f32 v17;
	[tilespmem:s25+$0x70C0] =	vst v53  }
0x116: {  	v25 =	vshrl.u32 v32, $0x1;
	v50 =	vld [tilespmem:s25+$0x60];
	v6 =	vcvt.s32.f32 v6;
	v43 =	vcvt.s32.f32 v9;
	[tilespmem:s25+$0x7D40] =	vst v55  }
0x117: {  	v44 =	vcvt.s32.f32 v41;
	v49 =	vand.u32 $0x1, v47;
	v58 =	vand.u32 $0x1, v56;
	[tilespmem:s25+$0x9640] =	vst v61  }
0x118: {  	v27 =	vand.u32 $0x1, v25;
	v2 =	vcvt.s32.f32 v49;
	[tilespmem:s25+$0xA2C0] =	vst v63;
	vm13 =	vgt.s32 v52, $0xFFFF0001  }
0x119: {  	v5 =	vcvt.s32.f32 v27;
	[tilespmem:s25+$0xAF40] =	vst v0;
	v23 =	vshrl.u32 v52, $0xF;
	v16 =	vnsel vm13, $0xFFFF0001, v52  }
0x11a: {  	[tilespmem:s25+$0x1940] =	vst v6;
	v6 =	vcvt.s32.f32 v58;
	v26 =	vand.u32 $0x10000, v23;
	vm0 =	vlt.s32 v16, $0xFFFF  }
0x11b: {  	[tilespmem:s25+$0x6440] =	vst v2;
	v2 =	vcvt.s32.f32 v21;
	vm14 =	vgt.s32 v50, $0xFFFF0001;
	v19 =	vnsel vm0, $0xFFFF, v16  }
0x11c: {  	[tilespmem:s25+$0x89C0] =	vst v6;
	v6 =	vcvt.s32.f32 v29;
	v14 =	vnsel vm14, $0xFFFF0001, v50;
	v22 =	vsub.s32 $0x0, v19  }
0x11d: {  	[tilespmem:s25+$0xBBC0] =	vst v18;
	v21 =	vshrl.u32 v50, $0xF;
	vm0 =	vlt.s32 v14, $0xFFFF;
	v24 =	vmin.u32 v19, v22  }
0x11e: {  	[tilespmem:s25+$0x3EC0] =	vst v43;
	v23 =	vand.u32 $0x10000, v21;
	v18 =	vnsel vm0, $0xFFFF, v14;
	v28 =	vadd.s32 v26, v24  }
0x11f: {  	[tilespmem:s25+$0x4B40] =	vst v44;
	v31 =	vshrl.u32 v24, $0xF;
	v32 =	vshrl.u32 v24, $0xE;
	v33 =	vshrl.u32 v24, $0xD  }
0x120: {  	[tilespmem:s25+$0xD4C0] =	vst v5;
	v39 =	vshrl.u32 v24, $0xC;
	v41 =	vshrl.u32 v24, $0xB;
	v42 =	vshrl.u32 v24, $0xA  }
0x121: {  	[tilespmem:s25+$0xC840] =	vst v2;
	v46 =	vshrl.u32 v24, $0x9;
	v30 =	vshrl.u32 v28, $0x10;
	v34 =	vcvt.s32.f32 v31  }
0x122: {  	[tilespmem:s25+$0xE140] =	vst v6;
	v48 =	vshrl.u32 v24, $0x8;
	v35 =	vand.u32 $0x1, v32;
	v7 =	vcvt.s32.f32 v30  }
0x123: {  	v49 =	vshrl.u32 v24, $0x7;
	v36 =	vand.u32 $0x1, v33;
	v37 =	vcvt.s32.f32 v35;
	[tilespmem:s25+$0x25D0] =	vst v34  }
0x124: {  	v56 =	vshrl.u32 v24, $0x6;
	v40 =	vand.u32 $0x1, v39;
	v38 =	vcvt.s32.f32 v36;
	[tilespmem:s25+$0x1950] =	vst v7  }
0x125: {  	v58 =	vshrl.u32 v24, $0x5;
	v43 =	vand.u32 $0x1, v41;
	v2 =	vcvt.s32.f32 v40;
	[tilespmem:s25+$0x3250] =	vst v37  }
0x126: {  	v59 =	vshrl.u32 v24, $0x4;
	v44 =	vand.u32 $0x1, v42;
	v5 =	vcvt.s32.f32 v43;
	[tilespmem:s25+$0x3ED0] =	vst v38  }
0x127: {  	v12 =	vshrl.u32 v24, $0x3;
	v47 =	vand.u32 $0x1, v46;
	v45 =	vcvt.s32.f32 v44;
	[tilespmem:s25+$0x4B50] =	vst v2  }
0x128: {  	v13 =	vshrl.u32 v24, $0x2;
	v52 =	vand.u32 $0x1, v48;
	v51 =	vcvt.s32.f32 v47;
	[tilespmem:s25+$0x57D0] =	vst v5  }
0x129: {  	v19 =	vshrl.u32 v24, $0x1;
	v53 =	vand.u32 $0x1, v49;
	v54 =	vcvt.s32.f32 v52;
	[tilespmem:s25+$0x6450] =	vst v45  }
0x12a: {  	v20 =	vsub.s32 $0x0, v18;
	v57 =	vand.u32 $0x1, v56;
	v55 =	vcvt.s32.f32 v53;
	[tilespmem:s25+$0x70D0] =	vst v51  }
0x12b: {  	v24 =	vand.u32 $0x1, v24;
	v61 =	vand.u32 $0x1, v58;
	v60 =	vcvt.s32.f32 v57;
	[tilespmem:s25+$0x7D50] =	vst v54  }
0x12c: {  	v62 =	vand.u32 $0x1, v59;
	v15 =	vand.u32 $0x1, v12;
	v3 =	vcvt.s32.f32 v61;
	[tilespmem:s25+$0x89D0] =	vst v55  }
0x12d: {  	v16 =	vand.u32 $0x1, v13;
	v22 =	vand.u32 $0x1, v19;
	v63 =	vcvt.s32.f32 v62;
	[tilespmem:s25+$0x9650] =	vst v60  }
0x12e: {  	v6 =	vmin.u32 v18, v20;
	v0 =	vcvt.s32.f32 v15;
	v17 =	vcvt.s32.f32 v16;
	[tilespmem:s25+$0xA2D0] =	vst v3  }
0x12f: {  	v25 =	vadd.s32 v23, v6;
	v26 =	vshrl.u32 v6, $0xF;
	v29 =	vshrl.u32 v6, $0xE;
	[tilespmem:s25+$0xAF50] =	vst v63  }
0x130: {  	v31 =	vshrl.u32 v6, $0xD;
	v15 =	vand.u32 $0x1, v6;
	v28 =	vcvt.s32.f32 v26;
	[tilespmem:s25+$0xBBD0] =	vst v0  }
0x131: {  	v32 =	vshrl.u32 v6, $0xC;
	v36 =	vshrl.u32 v6, $0xB;
	v16 =	vcvt.s32.f32 v15;
	[tilespmem:s25+$0xC850] =	vst v17  }
0x132: {  	v39 =	vshrl.u32 v6, $0x9;
	v47 =	vshrl.u32 v6, $0x7;
	v2 =	vcvt.s32.f32 v22;
	[tilespmem:s25+$0x25E0] =	vst v28  }
0x133: {  	v8 =	vshrl.u32 v6, $0x6;
	v4 =	vshrl.u32 v25, $0x10;
	v3 =	vcvt.s32.f32 v24;
	[tilespmem:s25+$0xE160] =	vst v16  }
0x134: {  	v52 =	vshrl.u32 v6, $0x5;
	v30 =	vand.u32 $0x1, v29;
	v27 =	vcvt.s32.f32 v4;
	[tilespmem:s25+$0xD4D0] =	vst v2  }
0x135: {  	v58 =	vshrl.u32 v6, $0x3;
	v34 =	vand.u32 $0x1, v32;
	v1 =	vcvt.s32.f32 v30;
	[tilespmem:s25+$0xE150] =	vst v3  }
0x136: {  	v61 =	vshrl.u32 v6, $0x2;
	v41 =	vand.u32 $0x1, v39;
	v35 =	vcvt.s32.f32 v34;
	[tilespmem:s25+$0x1960] =	vst v27  }
0x137: {  	v42 =	vld [tilespmem:s25+$0x70];
	v9 =	vshrl.u32 v6, $0x1;
	v48 =	vand.u32 $0x1, v47;
	v44 =	vcvt.s32.f32 v41;
	[tilespmem:s25+$0x3260] =	vst v1  }
0x138: {  	v33 =	vand.u32 $0x1, v31;
	v49 =	vand.u32 $0x1, v8;
	v50 =	vcvt.s32.f32 v48;
	[tilespmem:s25+$0x4B60] =	vst v35  }
0x139: {  	v53 =	vand.u32 $0x1, v52;
	v62 =	vand.u32 $0x1, v61;
	v51 =	vcvt.s32.f32 v49;
	[tilespmem:s25+$0x70E0] =	vst v44  }
0x13a: {  	v59 =	vand.u32 $0x1, v58;
	v12 =	vand.u32 $0x1, v9;
	v11 =	vcvt.s32.f32 v62;
	[tilespmem:s25+$0x89E0] =	vst v50  }
0x13b: {  	v37 =	vand.u32 $0x1, v36;
	v38 =	vshrl.u32 v6, $0xA;
	v14 =	vcvt.s32.f32 v12;
	[tilespmem:s25+$0x9660] =	vst v51  }
0x13c: {  	v45 =	vshrl.u32 v6, $0x8;
	v0 =	vcvt.s32.f32 v37;
	vm15 =	vgt.s32 v42, $0xFFFF0001;
	[tilespmem:s25+$0xC860] =	vst v11  }
0x13d: {  	v40 =	vand.u32 $0x1, v38;
	v2 =	vcvt.s32.f32 v33;
	[tilespmem:s25+$0xD4E0] =	vst v14;
	v56 =	vnsel vm15, $0xFFFF0001, v42  }
0x13e: {  	v54 =	vshrl.u32 v6, $0x4;
	v43 =	vcvt.s32.f32 v40;
	[tilespmem:s25+$0x57E0] =	vst v0;
	vm0 =	vlt.s32 v56, $0xFFFF  }
0x13f: {  	v55 =	vand.u32 $0x1, v54;
	v1 =	vcvt.s32.f32 v53;
	[tilespmem:s25+$0x3EE0] =	vst v2;
	v60 =	vnsel vm0, $0xFFFF, v56  }
0x140: {  	v46 =	vand.u32 $0x1, v45;
	v57 =	vcvt.s32.f32 v55;
	[tilespmem:s25+$0x6460] =	vst v43;
	v63 =	vsub.s32 $0x0, v60  }
0x141: {  	v10 =	vshrl.u32 v42, $0xF;
	v0 =	vcvt.s32.f32 v59;
	[tilespmem:s25+$0xA2E0] =	vst v1;
	v8 =	vmin.u32 v60, v63  }
0x142: {  	v13 =	vand.u32 $0x10000, v10;
	v2 =	vcvt.s32.f32 v46;
	[tilespmem:s25+$0xAF60] =	vst v57;
	v19 =	vshrl.u32 v8, $0xF  }
0x143: {  	[tilespmem:s25+$0xBBE0] =	vst v0;
	v4 =	vadd.s32 v13, v8;
	v1 =	vand.u32 $0x1, v8;
	v21 =	vcvt.s32.f32 v19  }
0x144: {  	[tilespmem:s25+$0x7D60] =	vst v2;
	v20 =	vshrl.u32 v8, $0xE;
	v17 =	vshrl.u32 v4, $0x10;
	v63 =	vcvt.s32.f32 v1  }
0x145: {  	v23 =	vshrl.u32 v8, $0xD;
	v22 =	vand.u32 $0x1, v20;
	v18 =	vcvt.s32.f32 v17;
	[tilespmem:s25+$0x25F0] =	vst v21  }
0x146: {  	v26 =	vshrl.u32 v8, $0xC;
	v25 =	vand.u32 $0x1, v23;
	v24 =	vcvt.s32.f32 v22;
	[tilespmem:s25+$0xE170] =	vst v63  }
0x147: {  	v29 =	vshrl.u32 v8, $0xB;
	v28 =	vand.u32 $0x1, v26;
	v27 =	vcvt.s32.f32 v25;
	[tilespmem:s25+$0x1970] =	vst v18  }
0x148: {  	v32 =	vshrl.u32 v8, $0xA;
	v31 =	vand.u32 $0x1, v29;
	v30 =	vcvt.s32.f32 v28;
	[tilespmem:s25+$0x3270] =	vst v24  }
0x149: {  	v35 =	vshrl.u32 v8, $0x9;
	v34 =	vand.u32 $0x1, v32;
	v33 =	vcvt.s32.f32 v31;
	[tilespmem:s25+$0x3EF0] =	vst v27  }
0x14a: {  	v38 =	vshrl.u32 v8, $0x8;
	v37 =	vand.u32 $0x1, v35;
	v36 =	vcvt.s32.f32 v34;
	[tilespmem:s25+$0x4B70] =	vst v30  }
0x14b: {  	v41 =	vshrl.u32 v8, $0x7;
	v40 =	vand.u32 $0x1, v38;
	v39 =	vcvt.s32.f32 v37;
	[tilespmem:s25+$0x57F0] =	vst v33  }
0x14c: {  	v44 =	vshrl.u32 v8, $0x6;
	v43 =	vand.u32 $0x1, v41;
	v42 =	vcvt.s32.f32 v40;
	[tilespmem:s25+$0x6470] =	vst v36  }
0x14d: {  	v47 =	vshrl.u32 v8, $0x5;
	v46 =	vand.u32 $0x1, v44;
	v45 =	vcvt.s32.f32 v43;
	[tilespmem:s25+$0x70F0] =	vst v39  }
0x14e: {  	v50 =	vshrl.u32 v8, $0x4;
	v49 =	vand.u32 $0x1, v47;
	v48 =	vcvt.s32.f32 v46;
	[tilespmem:s25+$0x7D70] =	vst v42  }
0x14f: {  	s0 =	sadd.s32 $0x8, s0;
	v53 =	vshrl.u32 v8, $0x3;
	v52 =	vand.u32 $0x1, v50;
	v51 =	vcvt.s32.f32 v49;
	[tilespmem:s25+$0x89F0] =	vst v45  }
0x150: {  	p1 =	slt.u32 s0, $0xC0;
	v56 =	vshrl.u32 v8, $0x2;
	v55 =	vand.u32 $0x1, v53;
	v54 =	vcvt.s32.f32 v52;
	[tilespmem:s25+$0x9670] =	vst v48  }
.Ltmp2:
0x151: {  	v59 =	vshrl.u32 v8, $0x1;
	v58 =	vand.u32 $0x1, v56;
	v57 =	vcvt.s32.f32 v55;
	[tilespmem:s25+$0xA2F0] =	vst v51;
	(pc) =	sbr.rel @p1 .LBB2_3-.Ltmp2, $4  }
0x152: {  	v61 =	vand.u32 $0x1, v59;
	v60 =	vcvt.s32.f32 v58;
	[tilespmem:s25+$0xAF70] =	vst v54  }
0x153: {  	v62 =	vcvt.s32.f32 v61;
	[tilespmem:s25+$0xBBF0] =	vst v57  }
0x154: {  	[tilespmem:s25+$0xC870] =	vst v60  }
0x155: {  	s7 =	sadd.s32 $0x200, s7;
	[tilespmem:s25+$0xD4F0] =	vst v62  }
0x156: {  	s0 =	sshrl.u32 s1, $0x3  }
0x157: {  	s25 =	sadd.s32 s8, s30;
	s6 =	simm.s32 $0x1900;
	s0 =	sadd.s32 s3, s0  }
0x158: {  	[hbm4b:s0+s5] =	stream.linear.scatter [tilespmem:s6], [sflag:$0x3], $0xC80, $0x38;
	[tilespmem:$0x1C200] =	vst v63  }
0x159: {  	s7 =	sadd.s32 s9, s30;
	s6 =	sshrl.u32 s25, $0x3  }
0x15a: {  	s25 =	simm.s32 $0x2580;
	s0 =	sadd.s32 s3, s6;
	s6 =	sshrl.u32 s7, $0x3  }
0x15b: {  	[hbm4b:s0+s5] =	stream.linear.scatter [tilespmem:s25], [sflag:$0x3], $0xC80, $0x38;
	[tilespmem:$0x1C200] =	vst v63  }
0x15c: {  	s7 =	sadd.s32 s10, s30;
	s0 =	sadd.s32 s3, s6  }
0x15d: {  	s25 =	simm.s32 $0x3200;
	s6 =	sshrl.u32 s7, $0x3;
	s7 =	sadd.s32 s11, s30  }
0x15e: {  	[hbm4b:s0+s5] =	stream.linear.scatter [tilespmem:s25], [sflag:$0x3], $0xC80, $0x38;
	[tilespmem:$0x1C200] =	vst v63  }
0x15f: {  	s0 =	sadd.s32 s3, s6;
	s25 =	simm.s32 $0x3E80;
	s6 =	sshrl.u32 s7, $0x3  }
0x160: {  	[hbm4b:s0+s5] =	stream.linear.scatter [tilespmem:s25], [sflag:$0x3], $0xC80, $0x38;
	[tilespmem:$0x1C200] =	vst v63  }
0x161: {  	s7 =	sadd.s32 s12, s30;
	s0 =	sadd.s32 s3, s6  }
0x162: {  	s25 =	simm.s32 $0x4B00;
	s6 =	sshrl.u32 s7, $0x3;
	s7 =	sadd.s32 s13, s30  }
0x163: {  	[hbm4b:s0+s5] =	stream.linear.scatter [tilespmem:s25], [sflag:$0x3], $0xC80, $0x38;
	[tilespmem:$0x1C200] =	vst v63  }
0x164: {  	s0 =	sadd.s32 s3, s6;
	s25 =	simm.s32 $0x5780;
	s6 =	sshrl.u32 s7, $0x3  }
0x165: {  	[hbm4b:s0+s5] =	stream.linear.scatter [tilespmem:s25], [sflag:$0x3], $0xC80, $0x38;
	[tilespmem:$0x1C200] =	vst v63  }
0x166: {  	s7 =	sadd.s32 s14, s30;
	s0 =	sadd.s32 s3, s6  }
0x167: {  	s25 =	simm.s32 $0x6400;
	s6 =	sshrl.u32 s7, $0x3;
	s7 =	sadd.s32 s15, s30  }
0x168: {  	[hbm4b:s0+s5] =	stream.linear.scatter [tilespmem:s25], [sflag:$0x3], $0xC80, $0x38;
	[tilespmem:$0x1C200] =	vst v63  }
0x169: {  	s0 =	sadd.s32 s3, s6;
	s25 =	simm.s32 $0x7080;
	s6 =	sshrl.u32 s7, $0x3  }
0x16a: {  	[hbm4b:s0+s5] =	stream.linear.scatter [tilespmem:s25], [sflag:$0x3], $0xC80, $0x38;
	[tilespmem:$0x1C200] =	vst v63  }
0x16b: {  	s7 =	sadd.s32 s16, s30;
	s0 =	sadd.s32 s3, s6  }
0x16c: {  	s25 =	simm.s32 $0x7D00;
	s6 =	sshrl.u32 s7, $0x3;
	s7 =	sadd.s32 s17, s30  }
0x16d: {  	[hbm4b:s0+s5] =	stream.linear.scatter [tilespmem:s25], [sflag:$0x3], $0xC80, $0x38;
	[tilespmem:$0x1C200] =	vst v63  }
0x16e: {  	s0 =	sadd.s32 s3, s6;
	s25 =	simm.s32 $0x8980;
	s6 =	sshrl.u32 s7, $0x3  }
0x16f: {  	[hbm4b:s0+s5] =	stream.linear.scatter [tilespmem:s25], [sflag:$0x3], $0xC80, $0x38;
	[tilespmem:$0x1C200] =	vst v63  }
0x170: {  	s7 =	sadd.s32 s18, s30;
	s0 =	sadd.s32 s3, s6  }
0x171: {  	s25 =	simm.s32 $0x9600;
	s6 =	sshrl.u32 s7, $0x3;
	s7 =	sadd.s32 s19, s30  }
0x172: {  	[hbm4b:s0+s5] =	stream.linear.scatter [tilespmem:s25], [sflag:$0x3], $0xC80, $0x38;
	[tilespmem:$0x1C200] =	vst v63  }
0x173: {  	s0 =	sadd.s32 s3, s6;
	s25 =	simm.s32 $0xA280;
	s6 =	sshrl.u32 s7, $0x3  }
0x174: {  	[hbm4b:s0+s5] =	stream.linear.scatter [tilespmem:s25], [sflag:$0x3], $0xC80, $0x38;
	[tilespmem:$0x1C200] =	vst v63  }
0x175: {  	s7 =	sadd.s32 s20, s30;
	s0 =	sadd.s32 s3, s6  }
0x176: {  	s25 =	simm.s32 $0xAF00;
	s6 =	sshrl.u32 s7, $0x3;
	s7 =	sadd.s32 s21, s30  }
0x177: {  	[hbm4b:s0+s5] =	stream.linear.scatter [tilespmem:s25], [sflag:$0x3], $0xC80, $0x38;
	[tilespmem:$0x1C200] =	vst v63  }
0x178: {  	s0 =	sadd.s32 s3, s6;
	s25 =	simm.s32 $0xBB80;
	s6 =	sshrl.u32 s7, $0x3  }
0x179: {  	[hbm4b:s0+s5] =	stream.linear.scatter [tilespmem:s25], [sflag:$0x3], $0xC80, $0x38;
	[tilespmem:$0x1C200] =	vst v63  }
0x17a: {  	s7 =	sadd.s32 s22, s30;
	s0 =	sadd.s32 s3, s6  }
0x17b: {  	s25 =	simm.s32 $0xC800;
	s6 =	sshrl.u32 s7, $0x3;
	s7 =	sadd.s32 s23, s30  }
0x17c: {  	[hbm4b:s0+s5] =	stream.linear.scatter [tilespmem:s25], [sflag:$0x3], $0xC80, $0x38;
	[tilespmem:$0x1C200] =	vst v63  }
0x17d: {  	s7 =	sshrl.u32 s7, $0x3;
	s0 =	sadd.s32 s3, s6;
	s25 =	simm.s32 $0xD480  }
0x17e: {  	[hbm4b:s0+s5] =	stream.linear.scatter [tilespmem:s25], [sflag:$0x3], $0xC80, $0x38;
	[tilespmem:$0x1C200] =	vst v63  }
0x17f: {  	p1 =	seq.s32 s28, $0xF;
	s0 =	sadd.s32 s3, s7;
	s25 =	simm.s32 $0xE100  }
0x180: {  	[hbm4b:s0+s5] =	stream.linear.scatter [tilespmem:s25], [sflag:$0x3], $0xC80, $0x38;
	[tilespmem:$0x1C200] =	vst v63  }
0x181: {  	s0 =	sadd.s32 @!p1 s30, s24  }
0x182: {  	s0 =	sshrl.u32 @!p1 s0, $0x3  }
0x183: {  	s1 =	simm.s32 @!p1 $0x0;
	s0 =	sadd.s32 @!p1 s2, s0  }
0x184: {  	[tilespmem:s1], [sflag:$0x1] =	stream.linear.gather @!p1 [hbm4b:s0+s1], $0xC80, $0x38;
	[tilespmem:$0x1C200] =	vst v63  }
0x185: {  	_ =	swait.ge [sflag:s31], $0xC80  }
0x186: {  	[sflag:s31] =	ssyncset.done $0x0  }
0x187: {  	s6 =	simm.s32 @!p0 $0x4;
	[sflag:s31] =	ssyncadd.s32 $0xFFFFF380  }
0x188: {  	_ =	swait.ge @!p0 [sflag:s6], $0xC80  }
0x189: {  	[sflag:s6] =	ssyncset.done @!p0 $0x0  }
0x18a: {  	[sflag:s6] =	ssyncadd.s32 @!p0 $0xFFFFF380  }
0x18b: {  	_ =	swait.ge @!p0 [sflag:s6], $0xC80  }
0x18c: {  	[sflag:s6] =	ssyncset.done @!p0 $0x0  }
0x18d: {  	[sflag:s6] =	ssyncadd.s32 @!p0 $0xFFFFF380  }
0x18e: {  	_ =	swait.ge @!p0 [sflag:s6], $0xC80  }
0x18f: {  	[sflag:s6] =	ssyncset.done @!p0 $0x0  }
0x190: {  	[sflag:s6] =	ssyncadd.s32 @!p0 $0xFFFFF380  }
0x191: {  	_ =	swait.ge @!p0 [sflag:s6], $0xC80  }
0x192: {  	[sflag:s6] =	ssyncset.done @!p0 $0x0  }
0x193: {  	[sflag:s6] =	ssyncadd.s32 @!p0 $0xFFFFF380  }
0x194: {  	_ =	swait.ge @!p0 [sflag:s6], $0xC80  }
0x195: {  	[sflag:s6] =	ssyncset.done @!p0 $0x0  }
0x196: {  	[sflag:s6] =	ssyncadd.s32 @!p0 $0xFFFFF380  }
0x197: {  	_ =	swait.ge @!p0 [sflag:s6], $0xC80  }
0x198: {  	[sflag:s6] =	ssyncset.done @!p0 $0x0  }
0x199: {  	[sflag:s6] =	ssyncadd.s32 @!p0 $0xFFFFF380  }
0x19a: {  	_ =	swait.ge @!p0 [sflag:s6], $0xC80  }
0x19b: {  	[sflag:s6] =	ssyncset.done @!p0 $0x0  }
0x19c: {  	[sflag:s6] =	ssyncadd.s32 @!p0 $0xFFFFF380  }
0x19d: {  	_ =	swait.ge @!p0 [sflag:s6], $0xC80  }
0x19e: {  	[sflag:s6] =	ssyncset.done @!p0 $0x0  }
0x19f: {  	[sflag:s6] =	ssyncadd.s32 @!p0 $0xFFFFF380  }
0x1a0: {  	_ =	swait.ge @!p0 [sflag:s6], $0xC80  }
0x1a1: {  	[sflag:s6] =	ssyncset.done @!p0 $0x0  }
0x1a2: {  	[sflag:s6] =	ssyncadd.s32 @!p0 $0xFFFFF380  }
0x1a3: {  	_ =	swait.ge @!p0 [sflag:s6], $0xC80  }
0x1a4: {  	[sflag:s6] =	ssyncset.done @!p0 $0x0  }
0x1a5: {  	[sflag:s6] =	ssyncadd.s32 @!p0 $0xFFFFF380  }
0x1a6: {  	_ =	swait.ge @!p0 [sflag:s6], $0xC80  }
0x1a7: {  	[sflag:s6] =	ssyncset.done @!p0 $0x0  }
0x1a8: {  	[sflag:s6] =	ssyncadd.s32 @!p0 $0xFFFFF380  }
0x1a9: {  	_ =	swait.ge @!p0 [sflag:s6], $0xC80  }
0x1aa: {  	[sflag:s6] =	ssyncset.done @!p0 $0x0  }
0x1ab: {  	[sflag:s6] =	ssyncadd.s32 @!p0 $0xFFFFF380  }
0x1ac: {  	_ =	swait.ge @!p0 [sflag:s6], $0xC80  }
0x1ad: {  	[sflag:s6] =	ssyncset.done @!p0 $0x0  }
0x1ae: {  	[sflag:s6] =	ssyncadd.s32 @!p0 $0xFFFFF380  }
0x1af: {  	_ =	swait.ge @!p0 [sflag:s6], $0xC80  }
0x1b0: {  	[sflag:s6] =	ssyncset.done @!p0 $0x0  }
0x1b1: {  	[sflag:s6] =	ssyncadd.s32 @!p0 $0xFFFFF380  }
0x1b2: {  	_ =	swait.ge @!p0 [sflag:s6], $0xC80  }
0x1b3: {  	[sflag:s6] =	ssyncset.done @!p0 $0x0  }
0x1b4: {  	[sflag:s6] =	ssyncadd.s32 @!p0 $0xFFFFF380  }
0x1b5: {  	_ =	swait.ge @!p0 [sflag:s6], $0xC80  }
0x1b6: {  	[sflag:s6] =	ssyncset.done @!p0 $0x0  }
0x1b7: {  	[sflag:s6] =	ssyncadd.s32 @!p0 $0xFFFFF380  }
0x1b8: {  	_ =	swait.ge @!p0 [sflag:s6], $0xC80  }
0x1b9: {  	s7 =	simm.s32 $0xFFFFFFF8;
	s1 =	sadd.s32 $0xC80, s30;
	[sflag:s6] =	ssyncset.done @!p0 $0x0  }
0x1ba: {  	s25 =	simm.s32 $0x0;
	s0 =	sadd.s32 s4, s1;
	[sflag:s6] =	ssyncadd.s32 @!p0 $0xFFFFF380  }
.LBB2_5:
0x1bb: {  	s6 =	sshra.s32 s25, $0x2  }
0x1bc: {  	v0 =	vld [tilespmem:s6+$0xC80]  }
0x1bd: {  	v10 =	vld [tilespmem:s6+$0xC90]  }
0x1be: {  	v24 =	vld [tilespmem:s6+$0xCA0];
	_ =	sdelay $0x4  }
0x1bf: {  	vm0 =	vgt.s32 v0, $0xFFFF0001;
	vm9 =	vgt.s32 v10, $0xFFFF0001;
	vm10 =	vgt.s32 v24, $0xFFFF0001  }
0x1c0: {  	v42 =	vshrl.u32 v24, $0xF;
	v1 =	vnsel vm0, $0xFFFF0001, v0;
	v0 =	vshrl.u32 v0, $0xF  }
0x1c1: {  	v16 =	vnsel vm9, $0xFFFF0001, v10;
	v10 =	vshrl.u32 v10, $0xF;
	v35 =	vnsel vm10, $0xFFFF0001, v24  }
0x1c2: {  	v44 =	vand.u32 $0x10000, v42;
	vm0 =	vlt.s32 v1, $0xFFFF;
	v0 =	vand.u32 $0x10000, v0  }
0x1c3: {  	v10 =	vand.u32 $0x10000, v10;
	v1 =	vnsel vm0, $0xFFFF, v1;
	vm0 =	vlt.s32 v16, $0xFFFF  }
0x1c4: {  	v2 =	vsub.s32 $0x0, v1;
	v16 =	vnsel vm0, $0xFFFF, v16;
	vm0 =	vlt.s32 v35, $0xFFFF  }
0x1c5: {  	v1 =	vmin.u32 v1, v2;
	v18 =	vsub.s32 $0x0, v16;
	v38 =	vnsel vm0, $0xFFFF, v35  }
0x1c6: {  	v0 =	vadd.s32 v0, v1;
	v2 =	vshrl.u32 v1, $0xF;
	v3 =	vshrl.u32 v1, $0xE  }
0x1c7: {  	v4 =	vshrl.u32 v1, $0xD;
	v5 =	vshrl.u32 v1, $0xC;
	v6 =	vshrl.u32 v1, $0xB  }
0x1c8: {  	v7 =	vshrl.u32 v1, $0xA;
	v8 =	vshrl.u32 v1, $0x9;
	v9 =	vshrl.u32 v1, $0x8  }
0x1c9: {  	v11 =	vshrl.u32 v1, $0x7;
	v12 =	vshrl.u32 v1, $0x6;
	v13 =	vshrl.u32 v1, $0x5  }
0x1ca: {  	v14 =	vshrl.u32 v1, $0x4;
	v15 =	vshrl.u32 v1, $0x3;
	v17 =	vshrl.u32 v1, $0x2  }
0x1cb: {  	v16 =	vmin.u32 v16, v18;
	v45 =	vshrl.u32 v1, $0x1;
	v1 =	vand.u32 $0x1, v1  }
0x1cc: {  	v41 =	vsub.s32 $0x0, v38;
	v0 =	vshrl.u32 v0, $0x10;
	v2 =	vcvt.s32.f32 v2  }
0x1cd: {  	v3 =	vand.u32 $0x1, v3;
	v4 =	vand.u32 $0x1, v4;
	v5 =	vand.u32 $0x1, v5  }
0x1ce: {  	v6 =	vand.u32 $0x1, v6;
	v7 =	vand.u32 $0x1, v7;
	v8 =	vand.u32 $0x1, v8  }
0x1cf: {  	v9 =	vand.u32 $0x1, v9;
	v11 =	vand.u32 $0x1, v11;
	v12 =	vand.u32 $0x1, v12  }
0x1d0: {  	v13 =	vand.u32 $0x1, v13;
	v14 =	vand.u32 $0x1, v14;
	v15 =	vand.u32 $0x1, v15  }
0x1d1: {  	v17 =	vand.u32 $0x1, v17;
	v47 =	vand.u32 $0x1, v45;
	v1 =	vcvt.s32.f32 v1  }
0x1d2: {  	v10 =	vadd.s32 v10, v16;
	v50 =	vshrl.u32 v16, $0xE;
	v0 =	vcvt.s32.f32 v0;
	[tilespmem:s6+$0xFA00] =	vst v2  }
0x1d3: {  	v51 =	vshrl.u32 v16, $0xF;
	v52 =	vshrl.u32 v16, $0xD;
	v3 =	vcvt.s32.f32 v3;
	[tilespmem:s6+$0x1B580] =	vst v1  }
0x1d4: {  	v56 =	vshrl.u32 v16, $0xC;
	v57 =	vshrl.u32 v16, $0xB;
	v4 =	vcvt.s32.f32 v4;
	[tilespmem:s6+$0xED80] =	vst v0  }
0x1d5: {  	v60 =	vshrl.u32 v16, $0xA;
	v20 =	vshrl.u32 v16, $0x9;
	v5 =	vcvt.s32.f32 v5;
	[tilespmem:s6+$0x10680] =	vst v3  }
0x1d6: {  	v21 =	vshrl.u32 v16, $0x8;
	v23 =	vshrl.u32 v16, $0x7;
	v6 =	vcvt.s32.f32 v6;
	[tilespmem:s6+$0x11300] =	vst v4  }
0x1d7: {  	v26 =	vshrl.u32 v16, $0x6;
	v27 =	vshrl.u32 v16, $0x5;
	v7 =	vcvt.s32.f32 v7;
	[tilespmem:s6+$0x11F80] =	vst v5  }
0x1d8: {  	v29 =	vshrl.u32 v16, $0x4;
	v32 =	vshrl.u32 v16, $0x3;
	v8 =	vcvt.s32.f32 v8;
	[tilespmem:s6+$0x12C00] =	vst v6  }
0x1d9: {  	v34 =	vshrl.u32 v16, $0x2;
	v9 =	vcvt.s32.f32 v9;
	v11 =	vcvt.s32.f32 v11;
	[tilespmem:s6+$0x13880] =	vst v7  }
0x1da: {  	v39 =	vshrl.u32 v16, $0x1;
	v12 =	vcvt.s32.f32 v12;
	v13 =	vcvt.s32.f32 v13;
	[tilespmem:s6+$0x14500] =	vst v8  }
0x1db: {  	v43 =	vand.u32 $0x1, v16;
	v14 =	vcvt.s32.f32 v14;
	v15 =	vcvt.s32.f32 v15;
	[tilespmem:s6+$0x15180] =	vst v9  }
0x1dc: {  	v46 =	vcvt.s32.f32 v17;
	v48 =	vcvt.s32.f32 v47;
	v10 =	vshrl.u32 v10, $0x10;
	[tilespmem:s6+$0x15E00] =	vst v11  }
0x1dd: {  	v54 =	vand.u32 $0x1, v52;
	v58 =	vand.u32 $0x1, v56;
	v59 =	vand.u32 $0x1, v57;
	[tilespmem:s6+$0x16A80] =	vst v12  }
0x1de: {  	v62 =	vand.u32 $0x1, v60;
	v22 =	vand.u32 $0x1, v21;
	v25 =	vand.u32 $0x1, v23;
	[tilespmem:s6+$0x17700] =	vst v13  }
0x1df: {  	v28 =	vand.u32 $0x1, v27;
	v30 =	vand.u32 $0x1, v29;
	v49 =	vcvt.s32.f32 v10;
	[tilespmem:s6+$0x18380] =	vst v14  }
0x1e0: {  	v33 =	vand.u32 $0x1, v32;
	v55 =	vcvt.s32.f32 v54;
	v61 =	vcvt.s32.f32 v59;
	[tilespmem:s6+$0x19000] =	vst v15  }
0x1e1: {  	v37 =	vand.u32 $0x1, v34;
	v63 =	vcvt.s32.f32 v62;
	v31 =	vcvt.s32.f32 v30;
	[tilespmem:s6+$0x19C80] =	vst v46  }
0x1e2: {  	v10 =	vand.u32 $0x1, v50;
	v36 =	vcvt.s32.f32 v33;
	v2 =	vcvt.s32.f32 v37;
	[tilespmem:s6+$0x1A900] =	vst v48  }
0x1e3: {  	v40 =	vand.u32 $0x1, v39;
	v4 =	vcvt.s32.f32 v51;
	v53 =	vcvt.s32.f32 v10;
	[tilespmem:s6+$0xED90] =	vst v49  }
0x1e4: {  	v7 =	vcvt.s32.f32 v58;
	v10 =	vand.u32 $0x1, v20;
	v11 =	vcvt.s32.f32 v22;
	[tilespmem:s6+$0x11310] =	vst v55  }
0x1e5: {  	v12 =	vcvt.s32.f32 v25;
	v13 =	vand.u32 $0x1, v26;
	v14 =	vcvt.s32.f32 v28;
	[tilespmem:s6+$0x12C10] =	vst v61  }
0x1e6: {  	v3 =	vmin.u32 v38, v41;
	v5 =	vcvt.s32.f32 v43;
	v10 =	vcvt.s32.f32 v10;
	[tilespmem:s6+$0x13890] =	vst v63  }
0x1e7: {  	v13 =	vcvt.s32.f32 v13;
	v45 =	vadd.s32 v44, v3;
	v46 =	vshrl.u32 v3, $0xF;
	[tilespmem:s6+$0x18390] =	vst v31  }
0x1e8: {  	v47 =	vshrl.u32 v3, $0xE;
	v49 =	vshrl.u32 v3, $0xD;
	v50 =	vshrl.u32 v3, $0xC;
	[tilespmem:s6+$0x19010] =	vst v36  }
0x1e9: {  	v52 =	vshrl.u32 v3, $0xB;
	v54 =	vshrl.u32 v3, $0xA;
	v55 =	vshrl.u32 v3, $0x9;
	[tilespmem:s6+$0x19C90] =	vst v2  }
0x1ea: {  	v57 =	vshrl.u32 v3, $0x8;
	v61 =	vshrl.u32 v3, $0x7;
	v62 =	vshrl.u32 v3, $0x6;
	[tilespmem:s6+$0xFA10] =	vst v4  }
0x1eb: {  	v19 =	vshrl.u32 v3, $0x5;
	v23 =	vshrl.u32 v3, $0x4;
	v25 =	vshrl.u32 v3, $0x3;
	[tilespmem:s6+$0x10690] =	vst v53  }
0x1ec: {  	v29 =	vshrl.u32 v3, $0x2;
	v33 =	vshrl.u32 v3, $0x1;
	v3 =	vand.u32 $0x1, v3;
	[tilespmem:s6+$0x11F90] =	vst v7  }
0x1ed: {  	v4 =	vcvt.s32.f32 v40;
	v6 =	vshrl.u32 v45, $0x10;
	v7 =	vcvt.s32.f32 v46;
	[tilespmem:s6+$0x15190] =	vst v11  }
0x1ee: {  	v48 =	vand.u32 $0x1, v47;
	v9 =	vand.u32 $0x1, v49;
	v51 =	vand.u32 $0x1, v50;
	[tilespmem:s6+$0x15E10] =	vst v12  }
0x1ef: {  	v53 =	vand.u32 $0x1, v52;
	v12 =	vand.u32 $0x1, v54;
	v56 =	vand.u32 $0x1, v55;
	[tilespmem:s6+$0x17710] =	vst v14  }
0x1f0: {  	v59 =	vand.u32 $0x1, v57;
	v63 =	vand.u32 $0x1, v61;
	[tilespmem:s6+$0x1B590] =	vst v5;
	v3 =	vcvt.s32.f32 v3  }
0x1f1: {  	v58 =	vld [tilespmem:s6+$0xCB0];
	v18 =	vand.u32 $0x1, v62;
	v6 =	vcvt.s32.f32 v6;
	v8 =	vcvt.s32.f32 v48;
	[tilespmem:s6+$0x14510] =	vst v10  }
0x1f2: {  	v21 =	vand.u32 $0x1, v19;
	v9 =	vcvt.s32.f32 v9;
	v10 =	vcvt.s32.f32 v51;
	[tilespmem:s6+$0x16A90] =	vst v13  }
0x1f3: {  	v24 =	vand.u32 $0x1, v23;
	v11 =	vcvt.s32.f32 v53;
	v12 =	vcvt.s32.f32 v12;
	[tilespmem:s6+$0x1A910] =	vst v4  }
0x1f4: {  	v27 =	vand.u32 $0x1, v25;
	v55 =	vld [tilespmem:s6+$0xCC0];
	v13 =	vcvt.s32.f32 v56;
	v60 =	vcvt.s32.f32 v59;
	[tilespmem:s6+$0xFA20] =	vst v7  }
0x1f5: {  	v30 =	vand.u32 $0x1, v29;
	v1 =	vcvt.s32.f32 v63;
	v20 =	vcvt.s32.f32 v18;
	[tilespmem:s6+$0x1B5A0] =	vst v3  }
0x1f6: {  	v22 =	vcvt.s32.f32 v21;
	v5 =	vcvt.s32.f32 v24;
	vm11 =	vgt.s32 v58, $0xFFFF0001;
	[tilespmem:s6+$0xEDA0] =	vst v6  }
0x1f7: {  	v6 =	vcvt.s32.f32 v27;
	[tilespmem:s6+$0x106A0] =	vst v8;
	v32 =	vshrl.u32 v58, $0xF;
	v26 =	vnsel vm11, $0xFFFF0001, v58  }
0x1f8: {  	[tilespmem:s6+$0x11320] =	vst v9;
	v8 =	vcvt.s32.f32 v30;
	v9 =	vand.u32 $0x1, v33;
	vm0 =	vlt.s32 v26, $0xFFFF  }
0x1f9: {  	[tilespmem:s6+$0x11FA0] =	vst v10;
	v34 =	vand.u32 $0x10000, v32;
	vm12 =	vgt.s32 v55, $0xFFFF0001;
	v28 =	vnsel vm0, $0xFFFF, v26  }
0x1fa: {  	[tilespmem:s6+$0x17720] =	vst v22;
	v9 =	vcvt.s32.f32 v9;
	v22 =	vnsel vm12, $0xFFFF0001, v55;
	v31 =	vsub.s32 $0x0, v28  }
0x1fb: {  	[tilespmem:s6+$0x12C20] =	vst v11;
	v30 =	vshrl.u32 v55, $0xF;
	vm0 =	vlt.s32 v22, $0xFFFF;
	v7 =	vmin.u32 v28, v31  }
0x1fc: {  	[tilespmem:s6+$0x138A0] =	vst v12;
	v33 =	vand.u32 $0x10000, v30;
	v26 =	vnsel vm0, $0xFFFF, v22;
	v35 =	vadd.s32 v34, v7  }
0x1fd: {  	[tilespmem:s6+$0x14520] =	vst v13;
	v36 =	vshrl.u32 v7, $0xE;
	v37 =	vshrl.u32 v7, $0xF;
	v38 =	vshrl.u32 v7, $0xD  }
0x1fe: {  	[tilespmem:s6+$0x151A0] =	vst v60;
	v42 =	vshrl.u32 v7, $0xC;
	v43 =	vshrl.u32 v7, $0xB;
	v46 =	vshrl.u32 v7, $0xA  }
0x1ff: {  	[tilespmem:s6+$0x15E20] =	vst v1;
	v50 =	vshrl.u32 v7, $0x9;
	v51 =	vshrl.u32 v7, $0x8;
	v54 =	vshrl.u32 v7, $0x7  }
0x200: {  	[tilespmem:s6+$0x16AA0] =	vst v20;
	v59 =	vshrl.u32 v7, $0x6;
	v60 =	vshrl.u32 v7, $0x5;
	v63 =	vshrl.u32 v7, $0x4  }
0x201: {  	[tilespmem:s6+$0x183A0] =	vst v5;
	v19 =	vshrl.u32 v7, $0x3;
	v21 =	vshrl.u32 v7, $0x2;
	v27 =	vshrl.u32 v7, $0x1  }
0x202: {  	[tilespmem:s6+$0x19020] =	vst v6;
	v29 =	vsub.s32 $0x0, v26;
	v31 =	vand.u32 $0x1, v7;
	v10 =	vshrl.u32 v35, $0x10  }
0x203: {  	[tilespmem:s6+$0x19CA0] =	vst v8;
	v11 =	vand.u32 $0x1, v36;
	v39 =	vcvt.s32.f32 v37;
	v40 =	vand.u32 $0x1, v38  }
0x204: {  	[tilespmem:s6+$0x1A920] =	vst v9;
	v44 =	vand.u32 $0x1, v42;
	v45 =	vand.u32 $0x1, v43;
	v5 =	vcvt.s32.f32 v31  }
0x205: {  	v48 =	vand.u32 $0x1, v46;
	v52 =	vand.u32 $0x1, v50;
	v10 =	vcvt.s32.f32 v10;
	[tilespmem:s6+$0xFA30] =	vst v39  }
0x206: {  	v53 =	vand.u32 $0x1, v51;
	v57 =	vand.u32 $0x1, v54;
	v11 =	vcvt.s32.f32 v11;
	[tilespmem:s6+$0x1B5B0] =	vst v5  }
0x207: {  	v61 =	vand.u32 $0x1, v59;
	v62 =	vand.u32 $0x1, v60;
	v41 =	vcvt.s32.f32 v40;
	[tilespmem:s6+$0xEDB0] =	vst v10  }
0x208: {  	v17 =	vand.u32 $0x1, v63;
	v2 =	vcvt.s32.f32 v44;
	v47 =	vcvt.s32.f32 v45;
	[tilespmem:s6+$0x106B0] =	vst v11  }
0x209: {  	v20 =	vand.u32 $0x1, v19;
	v49 =	vcvt.s32.f32 v48;
	v6 =	vcvt.s32.f32 v52;
	[tilespmem:s6+$0x11330] =	vst v41  }
0x20a: {  	v24 =	vand.u32 $0x1, v21;
	v56 =	vcvt.s32.f32 v53;
	v58 =	vcvt.s32.f32 v57;
	[tilespmem:s6+$0x11FB0] =	vst v2  }
0x20b: {  	v28 =	vand.u32 $0x1, v27;
	v3 =	vcvt.s32.f32 v61;
	v16 =	vcvt.s32.f32 v62;
	[tilespmem:s6+$0x12C30] =	vst v47  }
0x20c: {  	v32 =	vmin.u32 v26, v29;
	v18 =	vcvt.s32.f32 v17;
	v23 =	vcvt.s32.f32 v20;
	[tilespmem:s6+$0x138B0] =	vst v49  }
0x20d: {  	v25 =	vcvt.s32.f32 v24;
	v4 =	vcvt.s32.f32 v28;
	v34 =	vadd.s32 v33, v32;
	[tilespmem:s6+$0x14530] =	vst v6  }
0x20e: {  	v35 =	vshrl.u32 v32, $0xF;
	v36 =	vshrl.u32 v32, $0xE;
	v40 =	vshrl.u32 v32, $0xC;
	[tilespmem:s6+$0x151B0] =	vst v56  }
0x20f: {  	v42 =	vshrl.u32 v32, $0xB;
	v48 =	vshrl.u32 v32, $0x9;
	v51 =	vshrl.u32 v32, $0x8;
	[tilespmem:s6+$0x15E30] =	vst v58  }
0x210: {  	v57 =	vshrl.u32 v32, $0x6;
	v60 =	vshrl.u32 v32, $0x5;
	v13 =	vshrl.u32 v32, $0x4;
	[tilespmem:s6+$0x16AB0] =	vst v3  }
0x211: {  	v15 =	vshrl.u32 v32, $0x3;
	v20 =	vshrl.u32 v32, $0x2;
	v29 =	vand.u32 $0x1, v32;
	[tilespmem:s6+$0x17730] =	vst v16  }
0x212: {  	v8 =	vcvt.s32.f32 v35;
	v37 =	vand.u32 $0x1, v36;
	v39 =	vshrl.u32 v32, $0xD;
	[tilespmem:s6+$0x183B0] =	vst v18  }
0x213: {  	v45 =	vand.u32 $0x1, v42;
	v50 =	vand.u32 $0x1, v48;
	v54 =	vand.u32 $0x1, v51;
	[tilespmem:s6+$0x19030] =	vst v23  }
0x214: {  	v59 =	vand.u32 $0x1, v57;
	v62 =	vand.u32 $0x1, v60;
	v14 =	vand.u32 $0x1, v13;
	[tilespmem:s6+$0x19CB0] =	vst v25  }
0x215: {  	v17 =	vand.u32 $0x1, v15;
	v21 =	vand.u32 $0x1, v20;
	v38 =	vcvt.s32.f32 v37;
	[tilespmem:s6+$0x1A930] =	vst v4  }
0x216: {  	v6 =	vshrl.u32 v34, $0x10;
	v9 =	vand.u32 $0x1, v39;
	v46 =	vcvt.s32.f32 v45;
	[tilespmem:s6+$0xFA40] =	vst v8  }
0x217: {  	v52 =	vld [tilespmem:s6+$0xCD0];
	v41 =	vand.u32 $0x1, v40;
	v53 =	vcvt.s32.f32 v50;
	v55 =	vcvt.s32.f32 v54;
	[tilespmem:s6+$0x106C0] =	vst v38  }
0x218: {  	v47 =	vshrl.u32 v32, $0xA;
	v61 =	vcvt.s32.f32 v59;
	v63 =	vcvt.s32.f32 v62;
	[tilespmem:s6+$0x12C40] =	vst v46  }
0x219: {  	v56 =	vshrl.u32 v32, $0x7;
	v0 =	vcvt.s32.f32 v14;
	v18 =	vcvt.s32.f32 v17;
	[tilespmem:s6+$0x14540] =	vst v53  }
0x21a: {  	v25 =	vshrl.u32 v32, $0x1;
	v50 =	vld [tilespmem:s6+$0xCE0];
	v6 =	vcvt.s32.f32 v6;
	v43 =	vcvt.s32.f32 v9;
	[tilespmem:s6+$0x151C0] =	vst v55  }
0x21b: {  	v44 =	vcvt.s32.f32 v41;
	v49 =	vand.u32 $0x1, v47;
	v58 =	vand.u32 $0x1, v56;
	[tilespmem:s6+$0x16AC0] =	vst v61  }
0x21c: {  	v27 =	vand.u32 $0x1, v25;
	v2 =	vcvt.s32.f32 v49;
	[tilespmem:s6+$0x17740] =	vst v63;
	vm13 =	vgt.s32 v52, $0xFFFF0001  }
0x21d: {  	v5 =	vcvt.s32.f32 v27;
	[tilespmem:s6+$0x183C0] =	vst v0;
	v23 =	vshrl.u32 v52, $0xF;
	v16 =	vnsel vm13, $0xFFFF0001, v52  }
0x21e: {  	[tilespmem:s6+$0xEDC0] =	vst v6;
	v6 =	vcvt.s32.f32 v58;
	v26 =	vand.u32 $0x10000, v23;
	vm0 =	vlt.s32 v16, $0xFFFF  }
0x21f: {  	[tilespmem:s6+$0x138C0] =	vst v2;
	v2 =	vcvt.s32.f32 v21;
	vm14 =	vgt.s32 v50, $0xFFFF0001;
	v19 =	vnsel vm0, $0xFFFF, v16  }
0x220: {  	[tilespmem:s6+$0x15E40] =	vst v6;
	v6 =	vcvt.s32.f32 v29;
	v14 =	vnsel vm14, $0xFFFF0001, v50;
	v22 =	vsub.s32 $0x0, v19  }
0x221: {  	[tilespmem:s6+$0x19040] =	vst v18;
	v21 =	vshrl.u32 v50, $0xF;
	vm0 =	vlt.s32 v14, $0xFFFF;
	v24 =	vmin.u32 v19, v22  }
0x222: {  	[tilespmem:s6+$0x11340] =	vst v43;
	v23 =	vand.u32 $0x10000, v21;
	v18 =	vnsel vm0, $0xFFFF, v14;
	v28 =	vadd.s32 v26, v24  }
0x223: {  	[tilespmem:s6+$0x11FC0] =	vst v44;
	v31 =	vshrl.u32 v24, $0xF;
	v32 =	vshrl.u32 v24, $0xE;
	v33 =	vshrl.u32 v24, $0xD  }
0x224: {  	[tilespmem:s6+$0x1A940] =	vst v5;
	v39 =	vshrl.u32 v24, $0xC;
	v41 =	vshrl.u32 v24, $0xB;
	v42 =	vshrl.u32 v24, $0xA  }
0x225: {  	[tilespmem:s6+$0x19CC0] =	vst v2;
	v46 =	vshrl.u32 v24, $0x9;
	v30 =	vshrl.u32 v28, $0x10;
	v34 =	vcvt.s32.f32 v31  }
0x226: {  	[tilespmem:s6+$0x1B5C0] =	vst v6;
	v48 =	vshrl.u32 v24, $0x8;
	v35 =	vand.u32 $0x1, v32;
	v7 =	vcvt.s32.f32 v30  }
0x227: {  	v49 =	vshrl.u32 v24, $0x7;
	v36 =	vand.u32 $0x1, v33;
	v37 =	vcvt.s32.f32 v35;
	[tilespmem:s6+$0xFA50] =	vst v34  }
0x228: {  	v56 =	vshrl.u32 v24, $0x6;
	v40 =	vand.u32 $0x1, v39;
	v38 =	vcvt.s32.f32 v36;
	[tilespmem:s6+$0xEDD0] =	vst v7  }
0x229: {  	v58 =	vshrl.u32 v24, $0x5;
	v43 =	vand.u32 $0x1, v41;
	v2 =	vcvt.s32.f32 v40;
	[tilespmem:s6+$0x106D0] =	vst v37  }
0x22a: {  	v59 =	vshrl.u32 v24, $0x4;
	v44 =	vand.u32 $0x1, v42;
	v5 =	vcvt.s32.f32 v43;
	[tilespmem:s6+$0x11350] =	vst v38  }
0x22b: {  	v12 =	vshrl.u32 v24, $0x3;
	v47 =	vand.u32 $0x1, v46;
	v45 =	vcvt.s32.f32 v44;
	[tilespmem:s6+$0x11FD0] =	vst v2  }
0x22c: {  	v13 =	vshrl.u32 v24, $0x2;
	v52 =	vand.u32 $0x1, v48;
	v51 =	vcvt.s32.f32 v47;
	[tilespmem:s6+$0x12C50] =	vst v5  }
0x22d: {  	v19 =	vshrl.u32 v24, $0x1;
	v53 =	vand.u32 $0x1, v49;
	v54 =	vcvt.s32.f32 v52;
	[tilespmem:s6+$0x138D0] =	vst v45  }
0x22e: {  	v20 =	vsub.s32 $0x0, v18;
	v57 =	vand.u32 $0x1, v56;
	v55 =	vcvt.s32.f32 v53;
	[tilespmem:s6+$0x14550] =	vst v51  }
0x22f: {  	v24 =	vand.u32 $0x1, v24;
	v61 =	vand.u32 $0x1, v58;
	v60 =	vcvt.s32.f32 v57;
	[tilespmem:s6+$0x151D0] =	vst v54  }
0x230: {  	v62 =	vand.u32 $0x1, v59;
	v15 =	vand.u32 $0x1, v12;
	v3 =	vcvt.s32.f32 v61;
	[tilespmem:s6+$0x15E50] =	vst v55  }
0x231: {  	v16 =	vand.u32 $0x1, v13;
	v22 =	vand.u32 $0x1, v19;
	v63 =	vcvt.s32.f32 v62;
	[tilespmem:s6+$0x16AD0] =	vst v60  }
0x232: {  	v6 =	vmin.u32 v18, v20;
	v0 =	vcvt.s32.f32 v15;
	v17 =	vcvt.s32.f32 v16;
	[tilespmem:s6+$0x17750] =	vst v3  }
0x233: {  	v25 =	vadd.s32 v23, v6;
	v26 =	vshrl.u32 v6, $0xF;
	v29 =	vshrl.u32 v6, $0xE;
	[tilespmem:s6+$0x183D0] =	vst v63  }
0x234: {  	v31 =	vshrl.u32 v6, $0xD;
	v15 =	vand.u32 $0x1, v6;
	v28 =	vcvt.s32.f32 v26;
	[tilespmem:s6+$0x19050] =	vst v0  }
0x235: {  	v32 =	vshrl.u32 v6, $0xC;
	v36 =	vshrl.u32 v6, $0xB;
	v16 =	vcvt.s32.f32 v15;
	[tilespmem:s6+$0x19CD0] =	vst v17  }
0x236: {  	v39 =	vshrl.u32 v6, $0x9;
	v47 =	vshrl.u32 v6, $0x7;
	v2 =	vcvt.s32.f32 v22;
	[tilespmem:s6+$0xFA60] =	vst v28  }
0x237: {  	v8 =	vshrl.u32 v6, $0x6;
	v4 =	vshrl.u32 v25, $0x10;
	v3 =	vcvt.s32.f32 v24;
	[tilespmem:s6+$0x1B5E0] =	vst v16  }
0x238: {  	v52 =	vshrl.u32 v6, $0x5;
	v30 =	vand.u32 $0x1, v29;
	v27 =	vcvt.s32.f32 v4;
	[tilespmem:s6+$0x1A950] =	vst v2  }
0x239: {  	v58 =	vshrl.u32 v6, $0x3;
	v34 =	vand.u32 $0x1, v32;
	v1 =	vcvt.s32.f32 v30;
	[tilespmem:s6+$0x1B5D0] =	vst v3  }
0x23a: {  	v61 =	vshrl.u32 v6, $0x2;
	v41 =	vand.u32 $0x1, v39;
	v35 =	vcvt.s32.f32 v34;
	[tilespmem:s6+$0xEDE0] =	vst v27  }
0x23b: {  	v42 =	vld [tilespmem:s6+$0xCF0];
	v9 =	vshrl.u32 v6, $0x1;
	v48 =	vand.u32 $0x1, v47;
	v44 =	vcvt.s32.f32 v41;
	[tilespmem:s6+$0x106E0] =	vst v1  }
0x23c: {  	v33 =	vand.u32 $0x1, v31;
	v49 =	vand.u32 $0x1, v8;
	v50 =	vcvt.s32.f32 v48;
	[tilespmem:s6+$0x11FE0] =	vst v35  }
0x23d: {  	v53 =	vand.u32 $0x1, v52;
	v62 =	vand.u32 $0x1, v61;
	v51 =	vcvt.s32.f32 v49;
	[tilespmem:s6+$0x14560] =	vst v44  }
0x23e: {  	v59 =	vand.u32 $0x1, v58;
	v12 =	vand.u32 $0x1, v9;
	v11 =	vcvt.s32.f32 v62;
	[tilespmem:s6+$0x15E60] =	vst v50  }
0x23f: {  	v37 =	vand.u32 $0x1, v36;
	v38 =	vshrl.u32 v6, $0xA;
	v14 =	vcvt.s32.f32 v12;
	[tilespmem:s6+$0x16AE0] =	vst v51  }
0x240: {  	v45 =	vshrl.u32 v6, $0x8;
	v0 =	vcvt.s32.f32 v37;
	vm15 =	vgt.s32 v42, $0xFFFF0001;
	[tilespmem:s6+$0x19CE0] =	vst v11  }
0x241: {  	v40 =	vand.u32 $0x1, v38;
	v2 =	vcvt.s32.f32 v33;
	[tilespmem:s6+$0x1A960] =	vst v14;
	v56 =	vnsel vm15, $0xFFFF0001, v42  }
0x242: {  	v54 =	vshrl.u32 v6, $0x4;
	v43 =	vcvt.s32.f32 v40;
	[tilespmem:s6+$0x12C60] =	vst v0;
	vm0 =	vlt.s32 v56, $0xFFFF  }
0x243: {  	v55 =	vand.u32 $0x1, v54;
	v1 =	vcvt.s32.f32 v53;
	[tilespmem:s6+$0x11360] =	vst v2;
	v60 =	vnsel vm0, $0xFFFF, v56  }
0x244: {  	v46 =	vand.u32 $0x1, v45;
	v57 =	vcvt.s32.f32 v55;
	[tilespmem:s6+$0x138E0] =	vst v43;
	v63 =	vsub.s32 $0x0, v60  }
0x245: {  	v10 =	vshrl.u32 v42, $0xF;
	v0 =	vcvt.s32.f32 v59;
	[tilespmem:s6+$0x17760] =	vst v1;
	v8 =	vmin.u32 v60, v63  }
0x246: {  	v13 =	vand.u32 $0x10000, v10;
	v2 =	vcvt.s32.f32 v46;
	[tilespmem:s6+$0x183E0] =	vst v57;
	v19 =	vshrl.u32 v8, $0xF  }
0x247: {  	[tilespmem:s6+$0x19060] =	vst v0;
	v4 =	vadd.s32 v13, v8;
	v1 =	vand.u32 $0x1, v8;
	v21 =	vcvt.s32.f32 v19  }
0x248: {  	[tilespmem:s6+$0x151E0] =	vst v2;
	v20 =	vshrl.u32 v8, $0xE;
	v17 =	vshrl.u32 v4, $0x10;
	v63 =	vcvt.s32.f32 v1  }
0x249: {  	v23 =	vshrl.u32 v8, $0xD;
	v22 =	vand.u32 $0x1, v20;
	v18 =	vcvt.s32.f32 v17;
	[tilespmem:s6+$0xFA70] =	vst v21  }
0x24a: {  	v26 =	vshrl.u32 v8, $0xC;
	v25 =	vand.u32 $0x1, v23;
	v24 =	vcvt.s32.f32 v22;
	[tilespmem:s6+$0x1B5F0] =	vst v63  }
0x24b: {  	v29 =	vshrl.u32 v8, $0xB;
	v28 =	vand.u32 $0x1, v26;
	v27 =	vcvt.s32.f32 v25;
	[tilespmem:s6+$0xEDF0] =	vst v18  }
0x24c: {  	v32 =	vshrl.u32 v8, $0xA;
	v31 =	vand.u32 $0x1, v29;
	v30 =	vcvt.s32.f32 v28;
	[tilespmem:s6+$0x106F0] =	vst v24  }
0x24d: {  	v35 =	vshrl.u32 v8, $0x9;
	v34 =	vand.u32 $0x1, v32;
	v33 =	vcvt.s32.f32 v31;
	[tilespmem:s6+$0x11370] =	vst v27  }
0x24e: {  	v38 =	vshrl.u32 v8, $0x8;
	v37 =	vand.u32 $0x1, v35;
	v36 =	vcvt.s32.f32 v34;
	[tilespmem:s6+$0x11FF0] =	vst v30  }
0x24f: {  	v41 =	vshrl.u32 v8, $0x7;
	v40 =	vand.u32 $0x1, v38;
	v39 =	vcvt.s32.f32 v37;
	[tilespmem:s6+$0x12C70] =	vst v33  }
0x250: {  	v44 =	vshrl.u32 v8, $0x6;
	v43 =	vand.u32 $0x1, v41;
	v42 =	vcvt.s32.f32 v40;
	[tilespmem:s6+$0x138F0] =	vst v36  }
0x251: {  	v47 =	vshrl.u32 v8, $0x5;
	v46 =	vand.u32 $0x1, v44;
	v45 =	vcvt.s32.f32 v43;
	[tilespmem:s6+$0x14570] =	vst v39  }
0x252: {  	v50 =	vshrl.u32 v8, $0x4;
	v49 =	vand.u32 $0x1, v47;
	v48 =	vcvt.s32.f32 v46;
	[tilespmem:s6+$0x151F0] =	vst v42  }
0x253: {  	s7 =	sadd.s32 $0x8, s7;
	v53 =	vshrl.u32 v8, $0x3;
	v52 =	vand.u32 $0x1, v50;
	v51 =	vcvt.s32.f32 v49;
	[tilespmem:s6+$0x15E70] =	vst v45  }
0x254: {  	p0 =	slt.u32 s7, $0xC0;
	v56 =	vshrl.u32 v8, $0x2;
	v55 =	vand.u32 $0x1, v53;
	v54 =	vcvt.s32.f32 v52;
	[tilespmem:s6+$0x16AF0] =	vst v48  }
.Ltmp3:
0x255: {  	v59 =	vshrl.u32 v8, $0x1;
	v58 =	vand.u32 $0x1, v56;
	v57 =	vcvt.s32.f32 v55;
	[tilespmem:s6+$0x17770] =	vst v51;
	(pc) =	sbr.rel @p0 .LBB2_5-.Ltmp3, $4  }
0x256: {  	v61 =	vand.u32 $0x1, v59;
	v60 =	vcvt.s32.f32 v58;
	[tilespmem:s6+$0x183F0] =	vst v54  }
0x257: {  	v62 =	vcvt.s32.f32 v61;
	[tilespmem:s6+$0x19070] =	vst v57  }
0x258: {  	[tilespmem:s6+$0x19CF0] =	vst v60  }
0x259: {  	s25 =	sadd.s32 $0x200, s25;
	[tilespmem:s6+$0x1A970] =	vst v62  }
0x25a: {  	s0 =	sshrl.u32 s0, $0x3  }
0x25b: {  	s6 =	simm.s32 $0xED80;
	s7 =	sadd.s32 s8, s1;
	s0 =	sadd.s32 s3, s0  }
0x25c: {  	[hbm4b:s0+s5] =	stream.linear.scatter [tilespmem:s6], [sflag:$0x4], $0xC80, $0x38;
	[tilespmem:$0x1C200] =	vst v63  }
0x25d: {  	s0 =	sshrl.u32 s7, $0x3  }
0x25e: {  	s25 =	simm.s32 $0xFA00;
	s7 =	sadd.s32 s9, s1;
	s0 =	sadd.s32 s3, s0  }
0x25f: {  	[hbm4b:s0+s5] =	stream.linear.scatter [tilespmem:s25], [sflag:$0x4], $0xC80, $0x38;
	[tilespmem:$0x1C200] =	vst v63  }
0x260: {  	s0 =	sshrl.u32 s7, $0x3  }
0x261: {  	s25 =	simm.s32 $0x10680;
	s7 =	sadd.s32 s10, s1;
	s0 =	sadd.s32 s3, s0  }
0x262: {  	[hbm4b:s0+s5] =	stream.linear.scatter [tilespmem:s25], [sflag:$0x4], $0xC80, $0x38;
	[tilespmem:$0x1C200] =	vst v63  }
0x263: {  	s0 =	sshrl.u32 s7, $0x3  }
0x264: {  	s25 =	simm.s32 $0x11300;
	s7 =	sadd.s32 s11, s1;
	s0 =	sadd.s32 s3, s0  }
0x265: {  	[hbm4b:s0+s5] =	stream.linear.scatter [tilespmem:s25], [sflag:$0x4], $0xC80, $0x38;
	[tilespmem:$0x1C200] =	vst v63  }
0x266: {  	s0 =	sshrl.u32 s7, $0x3  }
0x267: {  	s25 =	simm.s32 $0x11F80;
	s7 =	sadd.s32 s12, s1;
	s0 =	sadd.s32 s3, s0  }
0x268: {  	[hbm4b:s0+s5] =	stream.linear.scatter [tilespmem:s25], [sflag:$0x4], $0xC80, $0x38;
	[tilespmem:$0x1C200] =	vst v63  }
0x269: {  	s0 =	sshrl.u32 s7, $0x3  }
0x26a: {  	s25 =	simm.s32 $0x12C00;
	s7 =	sadd.s32 s13, s1;
	s0 =	sadd.s32 s3, s0  }
0x26b: {  	[hbm4b:s0+s5] =	stream.linear.scatter [tilespmem:s25], [sflag:$0x4], $0xC80, $0x38;
	[tilespmem:$0x1C200] =	vst v63  }
0x26c: {  	s0 =	sshrl.u32 s7, $0x3  }
0x26d: {  	s25 =	simm.s32 $0x13880;
	s7 =	sadd.s32 s14, s1;
	s0 =	sadd.s32 s3, s0  }
0x26e: {  	[hbm4b:s0+s5] =	stream.linear.scatter [tilespmem:s25], [sflag:$0x4], $0xC80, $0x38;
	[tilespmem:$0x1C200] =	vst v63  }
0x26f: {  	s0 =	sshrl.u32 s7, $0x3  }
0x270: {  	s25 =	simm.s32 $0x14500;
	s7 =	sadd.s32 s15, s1;
	s0 =	sadd.s32 s3, s0  }
0x271: {  	[hbm4b:s0+s5] =	stream.linear.scatter [tilespmem:s25], [sflag:$0x4], $0xC80, $0x38;
	[tilespmem:$0x1C200] =	vst v63  }
0x272: {  	s0 =	sshrl.u32 s7, $0x3  }
0x273: {  	s25 =	simm.s32 $0x15180;
	s7 =	sadd.s32 s16, s1;
	s0 =	sadd.s32 s3, s0  }
0x274: {  	[hbm4b:s0+s5] =	stream.linear.scatter [tilespmem:s25], [sflag:$0x4], $0xC80, $0x38;
	[tilespmem:$0x1C200] =	vst v63  }
0x275: {  	s0 =	sshrl.u32 s7, $0x3  }
0x276: {  	s25 =	simm.s32 $0x15E00;
	s7 =	sadd.s32 s17, s1;
	s0 =	sadd.s32 s3, s0  }
0x277: {  	[hbm4b:s0+s5] =	stream.linear.scatter [tilespmem:s25], [sflag:$0x4], $0xC80, $0x38;
	[tilespmem:$0x1C200] =	vst v63  }
0x278: {  	s0 =	sshrl.u32 s7, $0x3  }
0x279: {  	s25 =	simm.s32 $0x16A80;
	s7 =	sadd.s32 s18, s1;
	s0 =	sadd.s32 s3, s0  }
0x27a: {  	[hbm4b:s0+s5] =	stream.linear.scatter [tilespmem:s25], [sflag:$0x4], $0xC80, $0x38;
	[tilespmem:$0x1C200] =	vst v63  }
0x27b: {  	s0 =	sshrl.u32 s7, $0x3  }
0x27c: {  	s25 =	simm.s32 $0x17700;
	s7 =	sadd.s32 s19, s1;
	s0 =	sadd.s32 s3, s0  }
0x27d: {  	[hbm4b:s0+s5] =	stream.linear.scatter [tilespmem:s25], [sflag:$0x4], $0xC80, $0x38;
	[tilespmem:$0x1C200] =	vst v63  }
0x27e: {  	s0 =	sshrl.u32 s7, $0x3  }
0x27f: {  	s25 =	simm.s32 $0x18380;
	s7 =	sadd.s32 s20, s1;
	s0 =	sadd.s32 s3, s0  }
0x280: {  	[hbm4b:s0+s5] =	stream.linear.scatter [tilespmem:s25], [sflag:$0x4], $0xC80, $0x38;
	[tilespmem:$0x1C200] =	vst v63  }
0x281: {  	s0 =	sshrl.u32 s7, $0x3  }
0x282: {  	s25 =	simm.s32 $0x19000;
	s7 =	sadd.s32 s21, s1;
	s0 =	sadd.s32 s3, s0  }
0x283: {  	[hbm4b:s0+s5] =	stream.linear.scatter [tilespmem:s25], [sflag:$0x4], $0xC80, $0x38;
	[tilespmem:$0x1C200] =	vst v63  }
0x284: {  	s0 =	sshrl.u32 s7, $0x3  }
0x285: {  	s25 =	simm.s32 $0x19C80;
	s7 =	sadd.s32 s22, s1;
	s0 =	sadd.s32 s3, s0  }
0x286: {  	[hbm4b:s0+s5] =	stream.linear.scatter [tilespmem:s25], [sflag:$0x4], $0xC80, $0x38;
	[tilespmem:$0x1C200] =	vst v63  }
0x287: {  	s0 =	sshrl.u32 s7, $0x3;
	s25 =	simm.s32 $0x1A900  }
.Ltmp4:
0x288: {  	s7 =	sadd.s32 s23, s1;
	s0 =	sadd.s32 s3, s0;
	(pc) =	sbr.rel @p1 .LBB2_8-.Ltmp4, $4  }
0x289: {  	[hbm4b:s0+s5] =	stream.linear.scatter [tilespmem:s25], [sflag:$0x4], $0xC80, $0x38;
	[tilespmem:$0x1C200] =	vst v63  }
0x28a: {  	s0 =	sshrl.u32 s7, $0x3  }
0x28b: {  	s25 =	simm.s32 $0x1B580;
	s0 =	sadd.s32 s3, s0  }
0x28c: {  	[hbm4b:s0+s5] =	stream.linear.scatter [tilespmem:s25], [sflag:$0x4], $0xC80, $0x38;
	[tilespmem:$0x1C200] =	vst v63  }
.Ltmp5:
0x28d: {  	(pc) =	sbr.rel .LBB2_2-.Ltmp5, $4  }
0x28e: {  	s0 =	sadd.s32 s30, s26  }
0x28f: {  	s0 =	sshrl.u32 s0, $0x3  }
0x290: {  	s1 =	simm.s32 $0xC80;
	s28 =	sadd.s32 $0x1, s28;
	s0 =	sadd.s32 s2, s0  }
0x291: {  	[tilespmem:s1], [sflag:$0x2] =	stream.linear.gather [hbm4b:s0+s5], $0xC80, $0x38;
	[tilespmem:$0x1C200] =	vst v63  }
.LBB2_9:
0x292: {  	_ =	sfence.sel $0x180000  }
0x293: {  	[bflag:$0x0] =	sbarrier.arrive $0xFFFF  }
0x294: {  	_ =	strace $0x90000047  }
0x295: {  	s0 =	stileid.u32;
	[bflag:$0x2] =	sbarrier.arrive $0xFFFF  }
0x296: {  	p0 =	sne.s32 s0, $0x0;
	s0 =	rddreg [dreg:$0x2]  }
0x297: {  	s0 =	sadd.s32 @!p0 $0x100000, s0  }
0x298: {  	[sflag:s0] =	ssyncadd.tile.s32 @!p0 $0x1;
	_ =	shalt  }
.Lfunc_end2:
_tile_overlayer_lowered:
.L_overlay_start_2:
0x299: {  	(tag) =	ssettag $0x2  }
0x29a: {  	s0 =	rddreg [dreg:$0x0];
	s2 =	stileid.u32  }
0x29b: {  	s1 =	rddreg [dreg:$0x1];
	p0 =	sne.s32 s2, $0x0  }
0x29c: {  	s3 =	rddreg [dreg:$0x2];
	[bflag:$0x3] =	sbarrier.arrive $0xFFFF;
	s2 =	simm.s32 @!p0 $0x1C05  }
0x29d: {  	[timem:s3], [sflag:s2] =	dma.local @!p0 [hbm:s0], s1  }
0x29e: {  	s0 =	simm.s32 @!p0 $0x5  }
0x29f: {  	_ =	swait.ge @!p0 [sflag:s0], s1  }
0x2a0: {  	s1 =	ssub.s32 @!p0 $0x0, s1;
	[sflag:s0] =	ssyncset.done @!p0 $0x0  }
0x2a1: {  	[sflag:s0] =	ssyncadd.s32 @!p0 s1  }
0x2a2: {  	[bflag:$0x3] =	sbarrier.arrive $0xFFFF  }
0x2a3: {  	_ =	shalt  }

</sc_bundles>
